<compile_context>
chip_gen: v7x
topology: tpu7x:2x2x1
jax: 0.10.2.dev20260603
libtpu: 0.0.44.dev20260713+nightly
codegen_flags: <defaults>
</compile_context>

<pallas_src>
import jax
import jax.numpy as jnp
from jax import lax
from jax.experimental import pallas as pl
from jax.experimental.pallas import tpu as pltpu
from jax.experimental.pallas import tpu_sc as plsc

ATTRACTION_W = 1.0
REPULSION_W = 1.0
MARGIN = 0.3

B = 4
N = 65536
D = 64
NUM_IDS = 256
NLANE = 16
NWORK = 32
TPB = NWORK // B
CHUNK_A = N // TPB
CAP_T = 256
K = TPB * CAP_T

def _mesh():
    return plsc.VectorSubcoreMesh(core_axis_name="c", subcore_axis_name="s",
                                  num_cores=2, num_subcores=16)
def _dot(a, b, dims, prec=None):
    return lax.dot_general(a, b, (dims, ((), ())), precision=prec,
                           preferred_element_type=jnp.float32)


IPW = NUM_IDS // TPB
GCH = 8
GW = CAP_T // GCH


def _stage_ab_body(seg_hbm, cp_hbm, emb_hbm, beta_hbm,
                   fcp_red_out, tab_out, bcp_out, grows_out, tcnt_out,
                   seg_v, cp_v, fcp_tab, list_v, red_fcp, tcnt_v,
                   part_v, fcp_v, sidx_v, rows_v, brow_v, lidx2_v, grows_v,
                   shared_fcp, sem0, sem1, sem2):
    c = lax.axis_index("c")
    s = lax.axis_index("s")
    b = c * 2 + s // TPB
    t = s % TPB
    lo = t * CHUNK_A

    pltpu.sync_copy(seg_hbm.at[b, pl.ds(lo, CHUNK_A)], seg_v)
    pltpu.sync_copy(cp_hbm.at[b, pl.ds(lo, CHUNK_A)], cp_v)

    def _init(j, _):
        fcp_tab[pl.ds(j * NLANE, NLANE)] = jnp.full((NLANE,), N, jnp.int32)
        return 0
    lax.fori_loop(0, (NLANE * NUM_IDS) // NLANE, _init, 0)

    def _zlist(j, _):
        list_v[pl.ds(j * NLANE, NLANE)] = jnp.zeros((NLANE,), jnp.int32)
        return 0
    lax.fori_loop(0, CAP_T // NLANE, _zlist, 0)

    lane = lax.iota(jnp.int32, NLANE)

    def _scan(i, cc):
        base = i * NLANE
        c16 = cp_v[pl.ds(base, NLANE)] == 1
        hit = lo + base + lane
        plsc.store_compressed(list_v.at[pl.ds(cc, NLANE)], hit, mask=c16)
        return cc + plsc.all_reduce_population_count(c16)[0]

    cc = lax.fori_loop(0, CHUNK_A // NLANE, _scan, jnp.int32(0))

    def _upd(u, _):
        offs = u * NLANE + lane
        valid = offs < cc
        idx16 = list_v[pl.ds(u * NLANE, NLANE)]
        local = jnp.where(valid, idx16 - lo, 0)
        s16 = plsc.load_gather(seg_v, [local])
        tidx = lane * NUM_IDS + s16
        cur = plsc.load_gather(fcp_tab, [tidx])
        cand = jnp.where(valid, idx16, N)
        plsc.store_scatter(fcp_tab, [tidx], jnp.minimum(cur, cand))
        return 0
    lax.fori_loop(0, (cc + NLANE - 1) // NLANE, _upd, 0)

    def _red(j, _):
        o = j * NLANE
        m = fcp_tab[pl.ds(o, NLANE)]
        for l in range(1, NLANE):
            m = jnp.minimum(m, fcp_tab[pl.ds(l * NUM_IDS + o, NLANE)])
        red_fcp[pl.ds(o, NLANE)] = m
        return 0
    lax.fori_loop(0, NUM_IDS // NLANE, _red, 0)

    tcnt_v[...] = jnp.full((NLANE,), cc, jnp.int32)
    pltpu.sync_copy(tcnt_v, tcnt_out.at[b, t])

    pltpu.sync_copy(red_fcp, shared_fcp.at[s])
    plsc.subcore_barrier()

    o = t * IPW
    base_row = (s // TPB) * TPB
    with jax.named_scope("b_fcp_load"):
        for l in range(TPB):
            pltpu.sync_copy(shared_fcp.at[base_row + l, pl.ds(o, IPW)],
                            part_v.at[pl.ds(l * IPW, IPW)])
        for j in range(IPW // NLANE):
            m = part_v[pl.ds(j * NLANE, NLANE)]
            for l in range(1, TPB):
                m = jnp.minimum(m, part_v[pl.ds(l * IPW + j * NLANE, NLANE)])
            fcp_v[pl.ds(j * NLANE, NLANE)] = m
            sidx_v[pl.ds(j * NLANE, NLANE)] = jnp.minimum(m, N - 1)
        pltpu.sync_copy(fcp_v, fcp_red_out.at[b, pl.ds(o, IPW)])

    with jax.named_scope("b_list"):
        for j in range(GCH):
            for k in range(GW // NLANE):
                v = list_v[pl.ds(j * GW + k * NLANE, NLANE)]
                lidx2_v[j, pl.ds(k * NLANE, NLANE)] = jnp.clip(v, 0, N - 1)

    with jax.named_scope("b_gather"):
        cp1 = pltpu.async_copy(emb_hbm.at[b].at[sidx_v], rows_v, sem0)
        cp2 = pltpu.async_copy(beta_hbm.at[b].at[sidx_v], brow_v, sem1)
        gcps = [pltpu.async_copy(emb_hbm.at[b].at[lidx2_v.at[j]],
                                 grows_v.at[pl.ds(j * GW, GW)], sem2)
                for j in range(GCH)]
        cp1.wait()
        cp2.wait()
        for g in gcps:
            g.wait()
    with jax.named_scope("b_out"):
        pltpu.sync_copy(rows_v, tab_out.at[b, pl.ds(o, IPW)])
        pltpu.sync_copy(brow_v, bcp_out.at[b, pl.ds(o, IPW)])
        pltpu.sync_copy(grows_v, grows_out.at[b, pl.ds(t * CAP_T, CAP_T)])


def _stage_ab(seg, cp, emb, beta2):
    f32, i32 = jnp.float32, jnp.int32
    return pl.kernel(
        _stage_ab_body,
        out_type=(
            jax.ShapeDtypeStruct((B, NUM_IDS), i32),
            jax.ShapeDtypeStruct((B, NUM_IDS, D), f32),
            jax.ShapeDtypeStruct((B, NUM_IDS), f32),
            jax.ShapeDtypeStruct((B, K, D), f32),
            jax.ShapeDtypeStruct((B, TPB, NLANE), i32),
        ),
        mesh=_mesh(),
        compiler_params=pltpu.CompilerParams(needs_layout_passes=False, use_tc_tiling_on_sc=False),
        scratch_types=[
            pltpu.VMEM((CHUNK_A,), i32),
            pltpu.VMEM((CHUNK_A,), i32),
            pltpu.VMEM((NLANE * NUM_IDS,), i32),
            pltpu.VMEM((CHUNK_A,), i32),
            pltpu.VMEM((NUM_IDS,), i32),
            pltpu.VMEM((NLANE,), i32),
            pltpu.VMEM((TPB * IPW,), i32),
            pltpu.VMEM((IPW,), i32),
            pltpu.VMEM((IPW,), i32),
            pltpu.VMEM((IPW, D), f32),
            pltpu.VMEM((IPW,), f32),
            pltpu.VMEM((GCH, GW), i32),
            pltpu.VMEM((CAP_T, D), f32),
            pltpu.VMEM_SHARED((NLANE, NUM_IDS), i32),
            pltpu.SemaphoreType.DMA,
            pltpu.SemaphoreType.DMA,
            pltpu.SemaphoreType.DMA,
        ],
    )(seg, cp, emb, beta2)


CH = 2048
NCH = N // CH


SS = D + 4


def _stage_c_kernel(emb_ref, beta_ref, seg_ref, cp_ref, bcp_ref,
                    segsums_ref, scal_ref):
    c = pl.program_id(0)
    f32 = jnp.float32
    emb_all = emb_ref[...]
    beta_all = beta_ref[...]
    seg_all = seg_ref[...]
    cp_all = cp_ref[...]
    bcp_all = bcp_ref[...]

    ids_col = lax.broadcasted_iota(jnp.int32, (NUM_IDS, 1), 0)
    ones_d = jnp.ones((1, D), f32)

    @pl.when(c == 0)
    def _():
        segsums_ref[...] = jnp.zeros_like(segsums_ref)
        scal_ref[...] = jnp.zeros_like(scal_ref)

    rows = []
    for b in range(B):
        segb = seg_all[b:b + 1, :]
        oh = (ids_col == segb).astype(f32)
        embb = emb_all[b]
        e2 = embb * embb
        n_row = _dot(ones_d, e2, (((1,), (1,))))
        cpb = (cp_all[b:b + 1, :] == 1).astype(f32)
        betab = beta_all[b:b + 1, :]
        bcp_h = _dot(bcp_all[b:b + 1, :], oh, (((1,), (0,))))
        rterm = (jnp.maximum(betab + MARGIN - bcp_h, 0.0)
                 * (1.0 - cpb))
        rvals = jnp.concatenate(
            [n_row, jnp.ones_like(n_row), cpb, rterm], axis=0)
        ss_emb = _dot(oh, embb, (((1,), (0,))))
        ss_row = _dot(oh, rvals, (((1,), (1,))))
        segsums_ref[b, :, :] += jnp.concatenate([ss_emb, ss_row], axis=1)

        per = (jnp.maximum(betab, 0.0) - betab * cpb
               + jnp.log1p(jnp.exp(-jnp.abs(betab))))
        s_ncp = jnp.sum(per * (1.0 - cpb)).reshape(1, 1)
        s_cp = jnp.sum(per * cpb).reshape(1, 1)
        rows.append(jnp.concatenate([s_ncp, s_cp], axis=1))

    scal_ref[...] += jnp.concatenate(rows, axis=0)


def _stage_c(emb, beta2, seg, cp, bcp):
    f32 = jnp.float32
    return pl.pallas_call(
        _stage_c_kernel,
        grid=(NCH,),
        in_specs=[
            pl.BlockSpec((B, CH, D), lambda c: (0, c, 0)),
            pl.BlockSpec((B, CH), lambda c: (0, c)),
            pl.BlockSpec((B, CH), lambda c: (0, c)),
            pl.BlockSpec((B, CH), lambda c: (0, c)),
            pl.BlockSpec((B, NUM_IDS), lambda c: (0, 0)),
        ],
        out_specs=[
            pl.BlockSpec((B, NUM_IDS, SS), lambda c: (0, 0, 0)),
            pl.BlockSpec((B, 2), lambda c: (0, 0)),
        ],
        out_shape=[
            jax.ShapeDtypeStruct((B, NUM_IDS, SS), f32),
            jax.ShapeDtypeStruct((B, 2), f32),
        ],
    )(emb, beta2, seg, cp, bcp)


RB = 512


def _pair_block(rows, cols, wrow, wcol, acc_ref, is_first):
    rn = jnp.sum(rows * rows, axis=1, keepdims=True)
    cn = jnp.sum(cols * cols, axis=1, keepdims=True)
    cn = cn + (1.0 - wcol) * jnp.float32(1e9)
    ones = jnp.ones((1, 1), jnp.float32)
    cnrow = _dot(ones, cn, (((1,), (1,))), prec=jax.lax.Precision.HIGHEST)
    dots = lax.dot_general(rows, cols, ((((1,), (1,))), ((), ())),
                           preferred_element_type=jnp.float32)
    d2p = jnp.maximum(rn + cnrow - 2.0 * dots, 0.0)
    s = jnp.sum(jnp.exp(-d2p) * wrow)
    bc = jnp.broadcast_to(s.reshape(1, 1, 1), (1, 1, 128))

    @pl.when(is_first)
    def _():
        acc_ref[...] = jnp.zeros_like(acc_ref)

    acc_ref[...] += bc


def _stage_d_kernel(g_rows_ref, g_cols_ref, tcnt_ref, pair_ref):
    r = pl.program_id(1)
    rows = g_rows_ref[0]
    cols = g_cols_ref[0]
    tc = tcnt_ref[0][:, 0:1].astype(jnp.float32)

    def w_of(k0, n):
        kk = k0 + lax.broadcasted_iota(jnp.int32, (n, 1), 0)
        oh = (kk // CAP_T == lax.broadcasted_iota(jnp.int32, (1, TPB), 1))
        lim = _dot(oh.astype(jnp.float32), tc, (((1,), (0,))))
        return ((kk % CAP_T).astype(jnp.float32) < lim).astype(jnp.float32)

    wrow = w_of(r * RB, RB)
    wcol = w_of(0, K)
    _pair_block(rows, cols, wrow, wcol, pair_ref, r == 0)


def _stage_d(g, tcnt):
    return pl.pallas_call(
        _stage_d_kernel,
        grid=(B, K // RB),
        in_specs=[
            pl.BlockSpec((1, RB, D), lambda b, r: (b, r, 0)),
            pl.BlockSpec((1, K, D), lambda b, r: (b, 0, 0)),
            pl.BlockSpec((1, TPB, NLANE), lambda b, r: (b, 0, 0)),
        ],
        out_specs=pl.BlockSpec((1, 1, 128), lambda b, r: (b, 0, 0)),
        out_shape=jax.ShapeDtypeStruct((B, 1, 128), jnp.float32),
    )(g, g, tcnt)


DCH = 2048


def _stage_d_dense_kernel(rows_ref, cols_ref, cpr_ref, cpc_ref, pair_ref):
    r = pl.program_id(1)
    c = pl.program_id(2)
    wrow = (cpr_ref[0] == 1).astype(jnp.float32)
    wcol = (cpc_ref[0] == 1).astype(jnp.float32)
    _pair_block(rows_ref[0], cols_ref[0], wrow, wcol, pair_ref,
                (r == 0) & (c == 0))


def _stage_d_dense(emb, cp3):
    return pl.pallas_call(
        _stage_d_dense_kernel,
        grid=(B, N // DCH, N // DCH),
        in_specs=[
            pl.BlockSpec((1, DCH, D), lambda b, r, c: (b, r, 0)),
            pl.BlockSpec((1, DCH, D), lambda b, r, c: (b, c, 0)),
            pl.BlockSpec((1, DCH, 1), lambda b, r, c: (b, r, 0)),
            pl.BlockSpec((1, DCH, 1), lambda b, r, c: (b, c, 0)),
        ],
        out_specs=pl.BlockSpec((1, 1, 128), lambda b, r, c: (b, 0, 0)),
        out_shape=jax.ShapeDtypeStruct((B, 1, 128), jnp.float32),
    )(emb, emb, cp3, cp3)


def _stage_e_kernel(fcp_ref, tab_ref, segsums_ref, scal_ref, pair_ref,
                    out_ref):
    f32 = jnp.float32
    fcp = fcp_ref[...][:, 0, :]
    segsums = segsums_ref[...]
    esum = segsums[:, :, 0:D]
    nsum = segsums[:, :, D]
    cntf = segsums[:, :, D + 1]
    cpcf = segsums[:, :, D + 2]
    sum_rank = segsums[:, :, D + 3]
    ncpf = cntf - cpcf

    tab = tab_ref[...]
    q = jnp.sum(tab * tab, axis=2)
    cross = jnp.sum(tab * esum, axis=2)
    sum_d2 = nsum - 2.0 * cross + cntf * q

    has = (fcp < N).astype(f32)
    pos = jnp.sum(cpcf, axis=1, keepdims=True)
    neg = jnp.float32(N) - pos
    pw = neg / (pos + 1e-6)

    scal = scal_ref[...]
    s_ncp = scal[:, 0:1]
    s_cp = scal[:, 1:2]
    beta_ce = (s_ncp + pw * s_cp) * jnp.float32(1.0 / N)

    mean_d2 = sum_d2 / jnp.maximum(cntf, 1.0)
    attraction = jnp.sum(has * mean_d2, axis=1, keepdims=True) * ATTRACTION_W

    mean_rank = sum_rank / jnp.maximum(ncpf, 1.0)
    rmask = ((cpcf == 1.0) & (ncpf > 0.0)).astype(f32)
    num_unique = jnp.sum((cntf > 0.0).astype(f32), axis=1, keepdims=True)
    ranking = (jnp.sum(rmask * mean_rank, axis=1, keepdims=True)
               / jnp.maximum(num_unique, 1.0))
    beta_loss = beta_ce + 2.0 * ranking

    pair = pair_ref[...][:, 0, 0:1]
    repulsion = jnp.where(pos > 1.0,
                          pair / jnp.maximum(pos * pos, 1.0),
                          0.0) * REPULSION_W

    loss = beta_loss + attraction + repulsion
    inc = ((pos >= 1.0) & (neg >= 1.0)).astype(f32)
    count = jnp.sum(inc)
    den = jnp.maximum(count, 1.0)
    total = jnp.sum(inc * loss) / den
    final = jnp.where(count > 0.0, total, 0.0)
    blog = jnp.sum(inc * beta_loss) / den
    alog = jnp.sum(inc * attraction) / den
    rlog = jnp.sum(inc * repulsion) / den

    vec = jnp.concatenate(
        [final.reshape(1, 1), blog.reshape(1, 1), alog.reshape(1, 1),
         rlog.reshape(1, 1), jnp.zeros((1, 4), f32)], axis=1)
    out_ref[...] = vec.reshape(1, 1, 8)


def _stage_e(fcp_red3, tab, segsums, scal, pair):
    return pl.pallas_call(
        _stage_e_kernel,
        out_shape=jax.ShapeDtypeStruct((1, 1, 8), jnp.float32),
    )(fcp_red3, tab, segsums, scal, pair)


@jax.jit
def kernel(beta, embed, slice_id, is_cp):
    f32, i32 = jnp.float32, jnp.int32
    emb = embed.astype(f32)
    beta2 = jnp.squeeze(beta, -1).astype(f32)
    seg = slice_id.astype(i32)
    cp = is_cp.astype(i32)

    fcp_red, tab, bcp, g, tcnt = _stage_ab(seg, cp, emb, beta2)

    segsums, scal = _stage_c(emb, beta2, seg, cp, bcp)

    overflow = jnp.any(tcnt[:, :, 0] > CAP_T)
    pair = lax.cond(
        overflow,
        lambda e, c2, gg, tc: _stage_d_dense(e, c2[..., None]),
        lambda e, c2, gg, tc: _stage_d(gg, tc),
        emb, cp, g, tcnt)

    out = _stage_e(fcp_red[:, None, :], tab, segsums, scal, pair)
    final_loss = out[0, 0, 0]
    extras = {'beta_loss': out[0, 0, 1],
              'attr_loss': out[0, 0, 2],
              'repl_loss': out[0, 0, 3]}
    return final_loss, extras

# --- scband reference (transcript-rebuilt; emitter-appended) ---
"""Pipeline reference for scband-object-condensation-loss-15427522527888 (READ-ONLY COPY).

The authoritative reference and input builder live on the scoring server;
editing this copy changes nothing except your own understanding.
"""

import jax, jax.numpy as jnp
import numpy as np

ATTRACTION_W = 1.0
REPULSION_W = 1.0
MARGIN = 0.3


def _bce_with_logits_weighted(x, y, w):
    per = jnp.maximum(x, 0.0) - x * y + jnp.log1p(jnp.exp(-jnp.abs(x)))
    return jnp.mean(w * per)


def _seq_sum(vals):
    return jax.lax.fori_loop(0, vals.shape[0], lambda i, a: a + vals[i], jnp.zeros((), vals.dtype))


def _object_condensation(beta, embed, slice_id, is_cp):
    beta = jnp.squeeze(beta, -1)
    B, N, D = embed.shape
    num_ids = 256
    chunk = 1024
    arange_n = jnp.arange(N)
    total = jnp.zeros((), embed.dtype)
    beta_log = jnp.zeros((), embed.dtype)
    attr_log = jnp.zeros((), embed.dtype)
    repl_log = jnp.zeros((), embed.dtype)
    count = jnp.zeros((), jnp.int32)
    for b in range(B):
        sid = slice_id[b]
        cp_mask = is_cp[b] == 1
        valid = sid >= 0
        noncp_mask = valid & (~cp_mask)
        bg_mask = ~valid
        pos_count = jnp.sum(cp_mask)
        neg_count = jnp.sum(noncp_mask) + jnp.sum(bg_mask)
        include = (pos_count >= 1) & (neg_count >= 1)
        beta_b = beta[b]
        emb_b = embed[b]
        labels = cp_mask.astype(jnp.float32)
        pos_weight = (neg_count.astype(jnp.float64) / (pos_count.astype(jnp.float64) + 1e-06)).astype(jnp.float32)
        weights = jnp.where(
            bg_mask,
            jnp.float32(2.0),
            jnp.where(noncp_mask, jnp.float32(1.0), jnp.where(cp_mask, pos_weight, jnp.float32(0.0))),
        )
        beta_ce = _bce_with_logits_weighted(beta_b, labels, weights)
        seg = jnp.where(valid, sid, 0)
        cp_in = valid & cp_mask
        cand_idx = jnp.where(cp_in, arange_n, N)
        first_cp = jnp.full((num_ids,), N, cand_idx.dtype).at[seg].min(cand_idx)
        has_cp = first_cp < N
        safe_idx = jnp.minimum(first_cp, N - 1)
        cp_emb_tab = jnp.take(emb_b, safe_idx, axis=0)
        d2 = jnp.sum((emb_b - jnp.take(cp_emb_tab, seg, axis=0)) ** 2, axis=1)
        ones = jnp.where(valid, 1, 0)
        cnt_inst = jnp.zeros((num_ids,), ones.dtype).at[seg].add(ones)
        sum_d2 = jnp.zeros((num_ids,), d2.dtype).at[seg].add(jnp.where(valid, d2, 0.0))
        mean_d2 = sum_d2 / jnp.maximum(cnt_inst, 1)
        attraction = _seq_sum(jnp.where(has_cp, mean_d2, 0.0)) * ATTRACTION_W
        cp_cnt = jnp.zeros((num_ids,), ones.dtype).at[seg].add(jnp.where(cp_in, 1, 0))
        ncp_cnt = jnp.zeros((num_ids,), ones.dtype).at[seg].add(jnp.where(noncp_mask, 1, 0))
        beta_cp_tab = jnp.take(beta_b, safe_idx)
        rterm = jax.nn.relu(beta_b + MARGIN - jnp.take(beta_cp_tab, seg))
        sum_rank = jnp.zeros((num_ids,), rterm.dtype).at[seg].add(jnp.where(noncp_mask, rterm, 0.0))
        mean_rank = sum_rank / jnp.maximum(ncp_cnt, 1)
        rank_terms = jnp.where((cp_cnt == 1) & (ncp_cnt > 0), mean_rank, 0.0)
        num_unique = jnp.sum(cnt_inst > 0)
        ranking = _seq_sum(rank_terms) / jnp.maximum(num_unique, 1)
        beta_loss = beta_ce + 2.0 * ranking
        norms = jnp.sum(emb_b * emb_b, axis=1)
        cp_f = cp_mask.astype(emb_b.dtype)

        def _rep_body(i, acc, emb_b=emb_b, norms=norms, cp_f=cp_f):
            rows = jax.lax.dynamic_slice(emb_b, (i * chunk, 0), (chunk, D))
            rn = jax.lax.dynamic_slice(norms, (i * chunk,), (chunk,))
            rm = jax.lax.dynamic_slice(cp_f, (i * chunk,), (chunk,))
            d2p = jnp.maximum(rn[:, None] + norms[None, :] - 2.0 * (rows @ emb_b.T), 0.0)
            return acc + jnp.sum(jnp.exp(-d2p) * rm[:, None] * cp_f[None, :])

        pair_sum = jax.lax.fori_loop(0, N // chunk, _rep_body, jnp.zeros((), emb_b.dtype))
        pos_f = pos_count.astype(emb_b.dtype)
        repulsion = jnp.where(pos_count > 1, pair_sum / jnp.maximum(pos_f * pos_f, 1.0), 0.0) * REPULSION_W
        loss_b = beta_loss + attraction + repulsion
        total = total + jnp.where(include, loss_b, 0.0)
        beta_log = beta_log + jax.lax.stop_gradient(jnp.where(include, beta_loss, 0.0))
        attr_log = attr_log + jax.lax.stop_gradient(jnp.where(include, attraction, 0.0))
        repl_log = repl_log + jax.lax.stop_gradient(jnp.where(include, repulsion, 0.0))
        count = count + jnp.where(include, 1, 0)
    denom = jnp.maximum(count, 1)
    final_loss = jnp.where(count > 0, total / denom, 0.0)
    extras = {'beta_loss': beta_log / denom, 'attr_loss': attr_log / denom, 'repl_loss': repl_log / denom}
    return final_loss, extras


def setup_inputs(seed: int = 0) -> dict:
    key = jax.random.key(seed)
    k1, k2, k3, k4 = jax.random.split(key, 4)
    beta = jax.random.normal(k1, (4, 65536, 1), dtype=jnp.float32)
    embed = jax.random.normal(k2, (4, 65536, 64), dtype=jnp.float32)
    slice_id = jax.random.randint(k3, (4, 65536), 0, 256)
    is_cp = jax.random.randint(k4, (4, 65536), 0, 200)
    return {'beta': beta, 'embed': embed, 'slice_id': slice_id, 'is_cp': is_cp}


def reference(beta, embed, slice_id, is_cp):
    final_loss, extras = _object_condensation(beta, embed, slice_id, is_cp)
    return (final_loss, extras)

if __name__ == "__main__":
    import jax
    _d = setup_inputs()
    print(jax.jit(kernel)(*tuple(_d.values())))

</pallas_src>

<mosaic_0001>
#map = affine_map<(d0, d1) -> (0, 0)>
#map1 = affine_map<(d0, d1) -> (0, 0, 0)>
module attributes {stable_mosaic.version = 14 : i64} {
  func.func @_stage_ab_body(%arg0: i32, %arg1: i32, %arg2: memref<4x65536xi32, #tpu.memory_space<hbm>>, %arg3: memref<4x65536xi32, #tpu.memory_space<hbm>>, %arg4: memref<4x65536x64xf32, #tpu.memory_space<hbm>>, %arg5: memref<4x65536xf32, #tpu.memory_space<hbm>>, %arg6: memref<4x256xi32, #tpu.memory_space<hbm>>, %arg7: memref<4x256x64xf32, #tpu.memory_space<hbm>>, %arg8: memref<4x256xf32, #tpu.memory_space<hbm>>, %arg9: memref<4x2048x64xf32, #tpu.memory_space<hbm>>, %arg10: memref<4x8x16xi32, #tpu.memory_space<hbm>>, %arg11: memref<8192xi32, #tpu.memory_space<vmem>>, %arg12: memref<8192xi32, #tpu.memory_space<vmem>>, %arg13: memref<4096xi32, #tpu.memory_space<vmem>>, %arg14: memref<8192xi32, #tpu.memory_space<vmem>>, %arg15: memref<256xi32, #tpu.memory_space<vmem>>, %arg16: memref<16xi32, #tpu.memory_space<vmem>>, %arg17: memref<256xi32, #tpu.memory_space<vmem>>, %arg18: memref<32xi32, #tpu.memory_space<vmem>>, %arg19: memref<32xi32, #tpu.memory_space<vmem>>, %arg20: memref<32x64xf32, #tpu.memory_space<vmem>>, %arg21: memref<32xf32, #tpu.memory_space<vmem>>, %arg22: memref<8x32xi32, #tpu.memory_space<vmem>>, %arg23: memref<256x64xf32, #tpu.memory_space<vmem>>, %arg24: memref<16x256xi32, #tpu.memory_space<vmem_shared>>, %arg25: memref<!tpu.dma_semaphore, #tpu.memory_space<semaphore_mem>>, %arg26: memref<!tpu.dma_semaphore, #tpu.memory_space<semaphore_mem>>, %arg27: memref<!tpu.dma_semaphore, #tpu.memory_space<semaphore_mem>>) attributes {dimension_semantics = [#tpu.dimension_semantics<core_parallel>, #tpu.dimension_semantics<subcore_parallel>], iteration_bounds = array<i64: 2, 16>, scalar_prefetch = 0 : i64, scratch_operands = 17 : i64, tpu.core_type = #tpu.core_type<sc_vector_subcore>, window_params = [{transform_indices = #map}, {transform_indices = #map}, {transform_indices = #map1}, {transform_indices = #map}, {transform_indices = #map}, {transform_indices = #map1}, {transform_indices = #map}, {transform_indices = #map1}, {transform_indices = #map1}]} {
    %mul3A = arith.constant 2 : i32
    %mul3A_0 = arith.muli %arg0, %mul3A : i32
    %jit3A = arith.constant 8 : i32
    %div3A = arith.divsi %arg1, %jit3A : i32
    %sign3A = arith.constant 0 : i32
    %sign3A_1 = arith.cmpi sgt, %arg1, %sign3A : i32
    %sign3A_2 = arith.extui %sign3A_1 : i1 to i32
    %sign3A_3 = arith.constant 0 : i32
    %sign3A_4 = arith.cmpi slt, %arg1, %sign3A_3 : i32
    %sign3A_5 = arith.extui %sign3A_4 : i1 to i32
    %sign3A_6 = arith.subi %sign3A_2, %sign3A_5 : i32
    %sign3A_7 = arith.constant 0 : i32
    %sign3A_8 = arith.cmpi sgt, %jit3A, %sign3A_7 : i32
    %sign3A_9 = arith.extui %sign3A_8 : i1 to i32
    %sign3A_10 = arith.constant 0 : i32
    %sign3A_11 = arith.cmpi slt, %jit3A, %sign3A_10 : i32
    %sign3A_12 = arith.extui %sign3A_11 : i1 to i32
    %sign3A_13 = arith.subi %sign3A_9, %sign3A_12 : i32
    %ne3A = arith.cmpi ne, %sign3A_6, %sign3A_13 : i32
    %rem3A = arith.remsi %arg1, %jit3A : i32
    %ne3A_14 = arith.constant 0 : i32
    %ne3A_15 = arith.cmpi ne, %rem3A, %ne3A_14 : i32
    %and3A = arith.andi %ne3A, %ne3A_15 : i1
    %sub3A = arith.constant 1 : i32
    %sub3A_16 = arith.subi %div3A, %sub3A : i32
    %select_n3A = arith.select %and3A, %sub3A_16, %div3A : i32
    %add3A = arith.addi %mul3A_0, %select_n3A : i32
    %jit3A_17 = arith.constant 8 : i32
    %eq3A = arith.constant 0 : i32
    %eq3A_18 = arith.cmpi eq, %jit3A_17, %eq3A : i32
    %jit3A_19 = arith.constant 1 : i32
    %select_n3A_20 = arith.select %eq3A_18, %jit3A_19, %jit3A_17 : i32
    %rem3A_21 = arith.remsi %arg1, %select_n3A_20 : i32
    %ne3A_22 = arith.constant 0 : i32
    %ne3A_23 = arith.cmpi ne, %rem3A_21, %ne3A_22 : i32
    %lt3A = arith.constant 0 : i32
    %lt3A_24 = arith.cmpi slt, %rem3A_21, %lt3A : i32
    %lt3A_25 = arith.constant 0 : i32
    %lt3A_26 = arith.cmpi slt, %select_n3A_20, %lt3A_25 : i32
    %ne3A_27 = arith.xori %lt3A_24, %lt3A_26 : i1
    %and3A_28 = arith.andi %ne3A_27, %ne3A_23 : i1
    %add3A_29 = arith.addi %rem3A_21, %select_n3A_20 : i32
    %select_n3A_30 = arith.select %and3A_28, %add3A_29, %rem3A_21 : i32
    %mul3A_31 = arith.constant 8192 : i32
    %mul3A_32 = arith.muli %select_n3A_30, %mul3A_31 : i32
    "tpu.region"() ({
      %run_scoped3A = tpu.sem_alloc : memref<!tpu.dma_semaphore, #tpu.memory_space<semaphore_mem>>
      %dma_start3A_641 = tpu.memref_slice %arg2[%add3A, %mul3A_32] : memref<4x65536xi32, #tpu.memory_space<hbm>> -> memref<1x8192xi32, #tpu.memory_space<hbm>>
      %dma_start3A_642 = tpu.memref_squeeze %dma_start3A_641 : memref<1x8192xi32, #tpu.memory_space<hbm>> -> memref<8192xi32, #tpu.memory_space<hbm>>
      %dma_start3A_643 = tpu.memref_slice %arg2[%add3A, %mul3A_32] : memref<4x65536xi32, #tpu.memory_space<hbm>> -> memref<1x8192xi32, #tpu.memory_space<hbm>>
      %dma_start3A_644 = tpu.memref_squeeze %dma_start3A_643 : memref<1x8192xi32, #tpu.memory_space<hbm>> -> memref<8192xi32, #tpu.memory_space<hbm>>
      tpu.enqueue_dma source(%dma_start3A_644 : memref<8192xi32, #tpu.memory_space<hbm>>) target(%arg11 : memref<8192xi32, #tpu.memory_space<vmem>>) target_semaphore(%run_scoped3A : memref<!tpu.dma_semaphore, #tpu.memory_space<semaphore_mem>>)
      %dma_wait3A_645 = tpu.memref_slice %arg2[%add3A, %mul3A_32] : memref<4x65536xi32, #tpu.memory_space<hbm>> -> memref<1x8192xi32, #tpu.memory_space<hbm>>
      %dma_wait3A_646 = tpu.memref_squeeze %dma_wait3A_645 : memref<1x8192xi32, #tpu.memory_space<hbm>> -> memref<8192xi32, #tpu.memory_space<hbm>>
      %dma_wait3A_647 = tpu.memref_slice %arg2[%add3A, %mul3A_32] : memref<4x65536xi32, #tpu.memory_space<hbm>> -> memref<1x8192xi32, #tpu.memory_space<hbm>>
      %dma_wait3A_648 = tpu.memref_squeeze %dma_wait3A_647 : memref<1x8192xi32, #tpu.memory_space<hbm>> -> memref<8192xi32, #tpu.memory_space<hbm>>
      tpu.wait_dma2 semaphore(%run_scoped3A : memref<!tpu.dma_semaphore, #tpu.memory_space<semaphore_mem>>) src(%dma_wait3A_648 : memref<8192xi32, #tpu.memory_space<hbm>>) dst(%arg11 : memref<8192xi32, #tpu.memory_space<vmem>>)
      tpu.yield
    }) : () -> ()
    "tpu.region"() ({
      %run_scoped3A = tpu.sem_alloc : memref<!tpu.dma_semaphore, #tpu.memory_space<semaphore_mem>>
      %dma_start3A_641 = tpu.memref_slice %arg3[%add3A, %mul3A_32] : memref<4x65536xi32, #tpu.memory_space<hbm>> -> memref<1x8192xi32, #tpu.memory_space<hbm>>
      %dma_start3A_642 = tpu.memref_squeeze %dma_start3A_641 : memref<1x8192xi32, #tpu.memory_space<hbm>> -> memref<8192xi32, #tpu.memory_space<hbm>>
      %dma_start3A_643 = tpu.memref_slice %arg3[%add3A, %mul3A_32] : memref<4x65536xi32, #tpu.memory_space<hbm>> -> memref<1x8192xi32, #tpu.memory_space<hbm>>
      %dma_start3A_644 = tpu.memref_squeeze %dma_start3A_643 : memref<1x8192xi32, #tpu.memory_space<hbm>> -> memref<8192xi32, #tpu.memory_space<hbm>>
      tpu.enqueue_dma source(%dma_start3A_644 : memref<8192xi32, #tpu.memory_space<hbm>>) target(%arg12 : memref<8192xi32, #tpu.memory_space<vmem>>) target_semaphore(%run_scoped3A : memref<!tpu.dma_semaphore, #tpu.memory_space<semaphore_mem>>)
      %dma_wait3A_645 = tpu.memref_slice %arg3[%add3A, %mul3A_32] : memref<4x65536xi32, #tpu.memory_space<hbm>> -> memref<1x8192xi32, #tpu.memory_space<hbm>>
      %dma_wait3A_646 = tpu.memref_squeeze %dma_wait3A_645 : memref<1x8192xi32, #tpu.memory_space<hbm>> -> memref<8192xi32, #tpu.memory_space<hbm>>
      %dma_wait3A_647 = tpu.memref_slice %arg3[%add3A, %mul3A_32] : memref<4x65536xi32, #tpu.memory_space<hbm>> -> memref<1x8192xi32, #tpu.memory_space<hbm>>
      %dma_wait3A_648 = tpu.memref_squeeze %dma_wait3A_647 : memref<1x8192xi32, #tpu.memory_space<hbm>> -> memref<8192xi32, #tpu.memory_space<hbm>>
      tpu.wait_dma2 semaphore(%run_scoped3A : memref<!tpu.dma_semaphore, #tpu.memory_space<semaphore_mem>>) src(%dma_wait3A_648 : memref<8192xi32, #tpu.memory_space<hbm>>) dst(%arg12 : memref<8192xi32, #tpu.memory_space<vmem>>)
      tpu.yield
    }) : () -> ()
    %scan3A = arith.constant 0 : i32
    %scan3A_33 = arith.constant 0 : i32
    %scan3A_34 = arith.constant 256 : i32
    %scan3A_35 = arith.addi %scan3A_33, %scan3A_34 : i32
    %scan3A_36 = arith.constant 1 : i32
    %scan3A_37 = scf.for %scan3A_641 = %scan3A_33 to %scan3A_35 step %scan3A_36 iter_args(%scan3A_642 = %scan3A) -> (i32)  : i32 {
      %broadcast_in_dim3A_643 = arith.constant 65536 : i32
      %broadcast_in_dim3A_644 = vector.broadcast %broadcast_in_dim3A_643 : i32 to vector<16xi32>
      %mul3A_645 = arith.constant 16 : i32
      %mul3A_646 = arith.muli %scan3A_641, %mul3A_645 : i32
      %swap3A_647 = arith.index_cast %mul3A_646 : i32 to index
      %swap3A_648 = tpu.vector_load %arg13[%swap3A_647] {strides = array<i32>} : memref<4096xi32, #tpu.memory_space<vmem>>, vector<16xi32>,
      tpu.vector_store %arg13[%swap3A_647], %broadcast_in_dim3A_644 {strides = array<i32>} : memref<4096xi32, #tpu.memory_space<vmem>>, vector<16xi32>,
      %scan3A_649 = arith.constant 0 : i32
      scf.yield %scan3A_649 : i32
    }
    %scan3A_38 = arith.constant 256 : i32
    %scan3A_39 = arith.constant 0 : i32
    %scan3A_40 = arith.constant 0 : i32
    %scan3A_41 = arith.constant 16 : i32
    %scan3A_42 = arith.addi %scan3A_40, %scan3A_41 : i32
    %scan3A_43 = arith.constant 1 : i32
    %scan3A_44 = scf.for %scan3A_641 = %scan3A_40 to %scan3A_42 step %scan3A_43 iter_args(%scan3A_642 = %scan3A_39) -> (i32)  : i32 {
      %broadcast_in_dim3A_643 = arith.constant 0 : i32
      %broadcast_in_dim3A_644 = vector.broadcast %broadcast_in_dim3A_643 : i32 to vector<16xi32>
      %mul3A_645 = arith.constant 16 : i32
      %mul3A_646 = arith.muli %scan3A_641, %mul3A_645 : i32
      %swap3A_647 = arith.index_cast %mul3A_646 : i32 to index
      %swap3A_648 = tpu.vector_load %arg14[%swap3A_647] {strides = array<i32>} : memref<8192xi32, #tpu.memory_space<vmem>>, vector<16xi32>,
      tpu.vector_store %arg14[%swap3A_647], %broadcast_in_dim3A_644 {strides = array<i32>} : memref<8192xi32, #tpu.memory_space<vmem>>, vector<16xi32>,
      %scan3A_649 = arith.constant 0 : i32
      scf.yield %scan3A_649 : i32
    }
    %scan3A_45 = arith.constant 16 : i32
    %iota3A = tpu.iota {dimensions = array<i32: 0>} : vector<16xi32>
    %scan3A_46 = arith.constant 0 : i32
    %scan3A_47 = arith.constant 0 : i32
    %scan3A_48 = arith.constant 512 : i32
    %scan3A_49 = arith.addi %scan3A_47, %scan3A_48 : i32
    %scan3A_50 = arith.constant 1 : i32
    %scan3A_51 = scf.for %scan3A_641 = %scan3A_47 to %scan3A_49 step %scan3A_50 iter_args(%scan3A_642 = %scan3A_46) -> (i32)  : i32 {
      %mul3A_643 = arith.constant 16 : i32
      %mul3A_644 = arith.muli %scan3A_641, %mul3A_643 : i32
      %get3A_645 = arith.index_cast %mul3A_644 : i32 to index
      %get3A_646 = tpu.vector_load %arg12[%get3A_645] {strides = array<i32>} : memref<8192xi32, #tpu.memory_space<vmem>>, vector<16xi32>,
      %eq3A_647 = arith.constant 1 : i32
      %eq3A_648 = vector.broadcast %eq3A_647 : i32 to vector<16xi32>
      %eq3A_649 = arith.cmpi eq, %get3A_646, %eq3A_648 : vector<16xi32>
      %add3A_650 = arith.addi %mul3A_32, %mul3A_644 : i32
      %add3A_651 = vector.broadcast %add3A_650 : i32 to vector<16xi32>
      %add3A_652 = arith.addi %add3A_651, %iota3A : vector<16xi32>
      %swap3A_653 = arith.index_cast %scan3A_642 : i32 to index
      %swap3A_654 = tpu.vector_load %arg14[%swap3A_653] masked %eq3A_649 {strides = array<i32>} : memref<8192xi32, #tpu.memory_space<vmem>>, vector<16xi32>, vector<16xi1>
      tpu.vector_store %arg14[%swap3A_653], %add3A_652 masked %eq3A_649 {strides = array<i32>} : memref<8192xi32, #tpu.memory_space<vmem>>, vector<16xi32>, vector<16xi1>
      %all_reduce_population_count3A = tpu.all_reduce %eq3A_649 {dim = 0 : i64, kind = #tpu.reduction_kind<sum>} : vector<16xi1> -> vector<16xi32>
      %slice3A = vector.extract_strided_slice %all_reduce_population_count3A {offsets = [0], sizes = [1], strides = [1]} : vector<16xi32> to vector<1xi32>
      %squeeze3A = vector.extract %slice3A[0] : i32 from vector<1xi32>
      %add3A_655 = arith.addi %scan3A_642, %squeeze3A : i32
      scf.yield %add3A_655 : i32
    }
    %scan3A_52 = arith.constant 512 : i32
    %add3A_53 = arith.constant 16 : i32
    %add3A_54 = arith.addi %scan3A_51, %add3A_53 : i32
    %sub3A_55 = arith.constant 1 : i32
    %sub3A_56 = arith.subi %add3A_54, %sub3A_55 : i32
    %jit3A_57 = arith.constant 16 : i32
    %div3A_58 = arith.divsi %sub3A_56, %jit3A_57 : i32
    %sign3A_59 = arith.constant 0 : i32
    %sign3A_60 = arith.cmpi sgt, %sub3A_56, %sign3A_59 : i32
    %sign3A_61 = arith.extui %sign3A_60 : i1 to i32
    %sign3A_62 = arith.constant 0 : i32
    %sign3A_63 = arith.cmpi slt, %sub3A_56, %sign3A_62 : i32
    %sign3A_64 = arith.extui %sign3A_63 : i1 to i32
    %sign3A_65 = arith.subi %sign3A_61, %sign3A_64 : i32
    %sign3A_66 = arith.constant 0 : i32
    %sign3A_67 = arith.cmpi sgt, %jit3A_57, %sign3A_66 : i32
    %sign3A_68 = arith.extui %sign3A_67 : i1 to i32
    %sign3A_69 = arith.constant 0 : i32
    %sign3A_70 = arith.cmpi slt, %jit3A_57, %sign3A_69 : i32
    %sign3A_71 = arith.extui %sign3A_70 : i1 to i32
    %sign3A_72 = arith.subi %sign3A_68, %sign3A_71 : i32
    %ne3A_73 = arith.cmpi ne, %sign3A_65, %sign3A_72 : i32
    %rem3A_74 = arith.remsi %sub3A_56, %jit3A_57 : i32
    %ne3A_75 = arith.constant 0 : i32
    %ne3A_76 = arith.cmpi ne, %rem3A_74, %ne3A_75 : i32
    %and3A_77 = arith.andi %ne3A_73, %ne3A_76 : i1
    %sub3A_78 = arith.constant 1 : i32
    %sub3A_79 = arith.subi %div3A_58, %sub3A_78 : i32
    %select_n3A_80 = arith.select %and3A_77, %sub3A_79, %div3A_58 : i32
    %while3A = arith.constant 0 : i32
    %while3A_81 = arith.constant 0 : i32
    %while3A_82 = arith.subi %select_n3A_80, %while3A : i32
    %while3A_83 = arith.addi %while3A, %while3A_82 : i32
    %while3A_84 = arith.constant 1 : i32
    %while3A_85 = arith.divsi %while3A_82, %while3A_84 : i32
    %while3A_86 = arith.muli %while3A_85, %while3A_84 : i32
    %while3A_87 = arith.addi %while3A, %while3A_86 : i32
    %while3A_88 = arith.constant 1 : i32
    %while3A_89 = scf.for %while3A_641 = %while3A to %while3A_87 step %while3A_88 iter_args(%while3A_642 = %while3A_81) -> (i32)  : i32 {
      %mul3A_643 = arith.constant 16 : i32
      %mul3A_644 = arith.muli %while3A_641, %mul3A_643 : i32
      %add3A_645 = vector.broadcast %mul3A_644 : i32 to vector<16xi32>
      %add3A_646 = arith.addi %add3A_645, %iota3A : vector<16xi32>
      %lt3A_647 = vector.broadcast %scan3A_51 : i32 to vector<16xi32>
      %lt3A_648 = arith.cmpi slt, %add3A_646, %lt3A_647 : vector<16xi32>
      %mul3A_649 = arith.constant 16 : i32
      %mul3A_650 = arith.muli %while3A_641, %mul3A_649 : i32
      %get3A_651 = arith.index_cast %mul3A_650 : i32 to index
      %get3A_652 = tpu.vector_load %arg14[%get3A_651] {strides = array<i32>} : memref<8192xi32, #tpu.memory_space<vmem>>, vector<16xi32>,
      %sub3A_653 = vector.broadcast %mul3A_32 : i32 to vector<16xi32>
      %sub3A_654 = arith.subi %get3A_652, %sub3A_653 : vector<16xi32>
      %jit3A_655 = arith.constant 0 : i32
      %broadcast_in_dim3A_656 = vector.broadcast %jit3A_655 : i32 to vector<16xi32>
      %select_n3A_657 = arith.select %lt3A_648, %sub3A_654, %broadcast_in_dim3A_656 : vector<16xi1>, vector<16xi32>
      %gather3A = tpu.vector_load_idx %arg11[%select_n3A_657] : memref<8192xi32, #tpu.memory_space<vmem>>[vector<16xi32>], vector<16xi32>,
      %mul3A_658 = arith.constant 256 : i32
      %mul3A_659 = vector.broadcast %mul3A_658 : i32 to vector<16xi32>
      %mul3A_660 = arith.muli %iota3A, %mul3A_659 : vector<16xi32>
      %add3A_661 = arith.addi %mul3A_660, %gather3A : vector<16xi32>
      %gather3A_662 = tpu.vector_load_idx %arg13[%add3A_661] : memref<4096xi32, #tpu.memory_space<vmem>>[vector<16xi32>], vector<16xi32>,
      %jit3A_663 = arith.constant 65536 : i32
      %broadcast_in_dim3A_664 = vector.broadcast %jit3A_663 : i32 to vector<16xi32>
      %select_n3A_665 = arith.select %lt3A_648, %get3A_652, %broadcast_in_dim3A_664 : vector<16xi1>, vector<16xi32>
      %min3A_666 = arith.minsi %gather3A_662, %select_n3A_665 : vector<16xi32>
      tpu.vector_store_idx %arg13[%add3A_661], %min3A_666 : memref<4096xi32, #tpu.memory_space<vmem>>[vector<16xi32>], vector<16xi32>,
      %while3A_667 = arith.constant 0 : i32
      scf.yield %while3A_667 : i32
    }
    %while3A_90 = arith.constant 1 : i32
    %while3A_91 = scf.for %while3A_641 = %while3A_87 to %while3A_83 step %while3A_90 iter_args(%while3A_642 = %while3A_89) -> (i32)  : i32 {
      %mul3A_643 = arith.constant 16 : i32
      %mul3A_644 = arith.muli %while3A_641, %mul3A_643 : i32
      %add3A_645 = vector.broadcast %mul3A_644 : i32 to vector<16xi32>
      %add3A_646 = arith.addi %add3A_645, %iota3A : vector<16xi32>
      %lt3A_647 = vector.broadcast %scan3A_51 : i32 to vector<16xi32>
      %lt3A_648 = arith.cmpi slt, %add3A_646, %lt3A_647 : vector<16xi32>
      %mul3A_649 = arith.constant 16 : i32
      %mul3A_650 = arith.muli %while3A_641, %mul3A_649 : i32
      %get3A_651 = arith.index_cast %mul3A_650 : i32 to index
      %get3A_652 = tpu.vector_load %arg14[%get3A_651] {strides = array<i32>} : memref<8192xi32, #tpu.memory_space<vmem>>, vector<16xi32>,
      %sub3A_653 = vector.broadcast %mul3A_32 : i32 to vector<16xi32>
      %sub3A_654 = arith.subi %get3A_652, %sub3A_653 : vector<16xi32>
      %jit3A_655 = arith.constant 0 : i32
      %broadcast_in_dim3A_656 = vector.broadcast %jit3A_655 : i32 to vector<16xi32>
      %select_n3A_657 = arith.select %lt3A_648, %sub3A_654, %broadcast_in_dim3A_656 : vector<16xi1>, vector<16xi32>
      %gather3A = tpu.vector_load_idx %arg11[%select_n3A_657] : memref<8192xi32, #tpu.memory_space<vmem>>[vector<16xi32>], vector<16xi32>,
      %mul3A_658 = arith.constant 256 : i32
      %mul3A_659 = vector.broadcast %mul3A_658 : i32 to vector<16xi32>
      %mul3A_660 = arith.muli %iota3A, %mul3A_659 : vector<16xi32>
      %add3A_661 = arith.addi %mul3A_660, %gather3A : vector<16xi32>
      %gather3A_662 = tpu.vector_load_idx %arg13[%add3A_661] : memref<4096xi32, #tpu.memory_space<vmem>>[vector<16xi32>], vector<16xi32>,
      %jit3A_663 = arith.constant 65536 : i32
      %broadcast_in_dim3A_664 = vector.broadcast %jit3A_663 : i32 to vector<16xi32>
      %select_n3A_665 = arith.select %lt3A_648, %get3A_652, %broadcast_in_dim3A_664 : vector<16xi1>, vector<16xi32>
      %min3A_666 = arith.minsi %gather3A_662, %select_n3A_665 : vector<16xi32>
      tpu.vector_store_idx %arg13[%add3A_661], %min3A_666 : memref<4096xi32, #tpu.memory_space<vmem>>[vector<16xi32>], vector<16xi32>,
      %while3A_667 = arith.constant 0 : i32
      scf.yield %while3A_667 : i32
    }
    %scan3A_92 = arith.constant 0 : i32
    %scan3A_93 = arith.constant 0 : i32
    %scan3A_94 = arith.constant 16 : i32
    %scan3A_95 = arith.addi %scan3A_93, %scan3A_94 : i32
    %scan3A_96 = arith.constant 1 : i32
    %scan3A_97 = scf.for %scan3A_641 = %scan3A_93 to %scan3A_95 step %scan3A_96 iter_args(%scan3A_642 = %scan3A_92) -> (i32)  : i32 {
      %mul3A_643 = arith.constant 16 : i32
      %mul3A_644 = arith.muli %scan3A_641, %mul3A_643 : i32
      %get3A_645 = arith.index_cast %mul3A_644 : i32 to index
      %get3A_646 = tpu.vector_load %arg13[%get3A_645] {strides = array<i32>} : memref<4096xi32, #tpu.memory_space<vmem>>, vector<16xi32>,
      %add3A_647 = arith.constant 256 : i32
      %add3A_648 = arith.addi %add3A_647, %mul3A_644 : i32
      %get3A_649 = arith.index_cast %add3A_648 : i32 to index
      %get3A_650 = tpu.vector_load %arg13[%get3A_649] {strides = array<i32>} : memref<4096xi32, #tpu.memory_space<vmem>>, vector<16xi32>,
      %min3A_651 = arith.minsi %get3A_646, %get3A_650 : vector<16xi32>
      %add3A_652 = arith.constant 512 : i32
      %add3A_653 = arith.addi %add3A_652, %mul3A_644 : i32
      %get3A_654 = arith.index_cast %add3A_653 : i32 to index
      %get3A_655 = tpu.vector_load %arg13[%get3A_654] {strides = array<i32>} : memref<4096xi32, #tpu.memory_space<vmem>>, vector<16xi32>,
      %min3A_656 = arith.minsi %min3A_651, %get3A_655 : vector<16xi32>
      %add3A_657 = arith.constant 768 : i32
      %add3A_658 = arith.addi %add3A_657, %mul3A_644 : i32
      %get3A_659 = arith.index_cast %add3A_658 : i32 to index
      %get3A_660 = tpu.vector_load %arg13[%get3A_659] {strides = array<i32>} : memref<4096xi32, #tpu.memory_space<vmem>>, vector<16xi32>,
      %min3A_661 = arith.minsi %min3A_656, %get3A_660 : vector<16xi32>
      %add3A_662 = arith.constant 1024 : i32
      %add3A_663 = arith.addi %add3A_662, %mul3A_644 : i32
      %get3A_664 = arith.index_cast %add3A_663 : i32 to index
      %get3A_665 = tpu.vector_load %arg13[%get3A_664] {strides = array<i32>} : memref<4096xi32, #tpu.memory_space<vmem>>, vector<16xi32>,
      %min3A_666 = arith.minsi %min3A_661, %get3A_665 : vector<16xi32>
      %add3A_667 = arith.constant 1280 : i32
      %add3A_668 = arith.addi %add3A_667, %mul3A_644 : i32
      %get3A_669 = arith.index_cast %add3A_668 : i32 to index
      %get3A_670 = tpu.vector_load %arg13[%get3A_669] {strides = array<i32>} : memref<4096xi32, #tpu.memory_space<vmem>>, vector<16xi32>,
      %min3A_671 = arith.minsi %min3A_666, %get3A_670 : vector<16xi32>
      %add3A_672 = arith.constant 1536 : i32
      %add3A_673 = arith.addi %add3A_672, %mul3A_644 : i32
      %get3A_674 = arith.index_cast %add3A_673 : i32 to index
      %get3A_675 = tpu.vector_load %arg13[%get3A_674] {strides = array<i32>} : memref<4096xi32, #tpu.memory_space<vmem>>, vector<16xi32>,
      %min3A_676 = arith.minsi %min3A_671, %get3A_675 : vector<16xi32>
      %add3A_677 = arith.constant 1792 : i32
      %add3A_678 = arith.addi %add3A_677, %mul3A_644 : i32
      %get3A_679 = arith.index_cast %add3A_678 : i32 to index
      %get3A_680 = tpu.vector_load %arg13[%get3A_679] {strides = array<i32>} : memref<4096xi32, #tpu.memory_space<vmem>>, vector<16xi32>,
      %min3A_681 = arith.minsi %min3A_676, %get3A_680 : vector<16xi32>
      %add3A_682 = arith.constant 2048 : i32
      %add3A_683 = arith.addi %add3A_682, %mul3A_644 : i32
      %get3A_684 = arith.index_cast %add3A_683 : i32 to index
      %get3A_685 = tpu.vector_load %arg13[%get3A_684] {strides = array<i32>} : memref<4096xi32, #tpu.memory_space<vmem>>, vector<16xi32>,
      %min3A_686 = arith.minsi %min3A_681, %get3A_685 : vector<16xi32>
      %add3A_687 = arith.constant 2304 : i32
      %add3A_688 = arith.addi %add3A_687, %mul3A_644 : i32
      %get3A_689 = arith.index_cast %add3A_688 : i32 to index
      %get3A_690 = tpu.vector_load %arg13[%get3A_689] {strides = array<i32>} : memref<4096xi32, #tpu.memory_space<vmem>>, vector<16xi32>,
      %min3A_691 = arith.minsi %min3A_686, %get3A_690 : vector<16xi32>
      %add3A_692 = arith.constant 2560 : i32
      %add3A_693 = arith.addi %add3A_692, %mul3A_644 : i32
      %get3A_694 = arith.index_cast %add3A_693 : i32 to index
      %get3A_695 = tpu.vector_load %arg13[%get3A_694] {strides = array<i32>} : memref<4096xi32, #tpu.memory_space<vmem>>, vector<16xi32>,
      %min3A_696 = arith.minsi %min3A_691, %get3A_695 : vector<16xi32>
      %add3A_697 = arith.constant 2816 : i32
      %add3A_698 = arith.addi %add3A_697, %mul3A_644 : i32
      %get3A_699 = arith.index_cast %add3A_698 : i32 to index
      %get3A_700 = tpu.vector_load %arg13[%get3A_699] {strides = array<i32>} : memref<4096xi32, #tpu.memory_space<vmem>>, vector<16xi32>,
      %min3A_701 = arith.minsi %min3A_696, %get3A_700 : vector<16xi32>
      %add3A_702 = arith.constant 3072 : i32
      %add3A_703 = arith.addi %add3A_702, %mul3A_644 : i32
      %get3A_704 = arith.index_cast %add3A_703 : i32 to index
      %get3A_705 = tpu.vector_load %arg13[%get3A_704] {strides = array<i32>} : memref<4096xi32, #tpu.memory_space<vmem>>, vector<16xi32>,
      %min3A_706 = arith.minsi %min3A_701, %get3A_705 : vector<16xi32>
      %add3A_707 = arith.constant 3328 : i32
      %add3A_708 = arith.addi %add3A_707, %mul3A_644 : i32
      %get3A_709 = arith.index_cast %add3A_708 : i32 to index
      %get3A_710 = tpu.vector_load %arg13[%get3A_709] {strides = array<i32>} : memref<4096xi32, #tpu.memory_space<vmem>>, vector<16xi32>,
      %min3A_711 = arith.minsi %min3A_706, %get3A_710 : vector<16xi32>
      %add3A_712 = arith.constant 3584 : i32
      %add3A_713 = arith.addi %add3A_712, %mul3A_644 : i32
      %get3A_714 = arith.index_cast %add3A_713 : i32 to index
      %get3A_715 = tpu.vector_load %arg13[%get3A_714] {strides = array<i32>} : memref<4096xi32, #tpu.memory_space<vmem>>, vector<16xi32>,
      %min3A_716 = arith.minsi %min3A_711, %get3A_715 : vector<16xi32>
      %add3A_717 = arith.constant 3840 : i32
      %add3A_718 = arith.addi %add3A_717, %mul3A_644 : i32
      %get3A_719 = arith.index_cast %add3A_718 : i32 to index
      %get3A_720 = tpu.vector_load %arg13[%get3A_719] {strides = array<i32>} : memref<4096xi32, #tpu.memory_space<vmem>>, vector<16xi32>,
      %min3A_721 = arith.minsi %min3A_716, %get3A_720 : vector<16xi32>
      %swap3A_722 = arith.index_cast %mul3A_644 : i32 to index
      %swap3A_723 = tpu.vector_load %arg15[%swap3A_722] {strides = array<i32>} : memref<256xi32, #tpu.memory_space<vmem>>, vector<16xi32>,
      tpu.vector_store %arg15[%swap3A_722], %min3A_721 {strides = array<i32>} : memref<256xi32, #tpu.memory_space<vmem>>, vector<16xi32>,
      %scan3A_724 = arith.constant 0 : i32
      scf.yield %scan3A_724 : i32
    }
    %scan3A_98 = arith.constant 16 : i32
    %broadcast_in_dim3A = vector.broadcast %scan3A_51 : i32 to vector<16xi32>
    %swap3A = arith.constant 0 : index
    %swap3A_99 = tpu.vector_load %arg16[%swap3A] {strides = array<i32>} : memref<16xi32, #tpu.memory_space<vmem>>, vector<16xi32>,
    tpu.vector_store %arg16[%swap3A], %broadcast_in_dim3A {strides = array<i32>} : memref<16xi32, #tpu.memory_space<vmem>>, vector<16xi32>,
    "tpu.region"() ({
      %run_scoped3A = tpu.sem_alloc : memref<!tpu.dma_semaphore, #tpu.memory_space<semaphore_mem>>
      %dma_start3A_641 = arith.constant 0 : i32
      %dma_start3A_642 = tpu.memref_slice %arg10[%add3A, %select_n3A_30, %dma_start3A_641] : memref<4x8x16xi32, #tpu.memory_space<hbm>> -> memref<1x1x16xi32, #tpu.memory_space<hbm>>
      %dma_start3A_643 = tpu.memref_squeeze %dma_start3A_642 : memref<1x1x16xi32, #tpu.memory_space<hbm>> -> memref<16xi32, #tpu.memory_space<hbm>>
      %dma_start3A_644 = arith.constant 0 : i32
      %dma_start3A_645 = tpu.memref_slice %arg10[%add3A, %select_n3A_30, %dma_start3A_644] : memref<4x8x16xi32, #tpu.memory_space<hbm>> -> memref<1x1x16xi32, #tpu.memory_space<hbm>>
      %dma_start3A_646 = tpu.memref_squeeze %dma_start3A_645 : memref<1x1x16xi32, #tpu.memory_space<hbm>> -> memref<16xi32, #tpu.memory_space<hbm>>
      tpu.enqueue_dma source(%arg16 : memref<16xi32, #tpu.memory_space<vmem>>) target(%dma_start3A_646 : memref<16xi32, #tpu.memory_space<hbm>>) target_semaphore(%run_scoped3A : memref<!tpu.dma_semaphore, #tpu.memory_space<semaphore_mem>>)
      %dma_wait3A_647 = arith.constant 0 : i32
      %dma_wait3A_648 = tpu.memref_slice %arg10[%add3A, %select_n3A_30, %dma_wait3A_647] : memref<4x8x16xi32, #tpu.memory_space<hbm>> -> memref<1x1x16xi32, #tpu.memory_space<hbm>>
      %dma_wait3A_649 = tpu.memref_squeeze %dma_wait3A_648 : memref<1x1x16xi32, #tpu.memory_space<hbm>> -> memref<16xi32, #tpu.memory_space<hbm>>
      %dma_wait3A_650 = arith.constant 0 : i32
      %dma_wait3A_651 = tpu.memref_slice %arg10[%add3A, %select_n3A_30, %dma_wait3A_650] : memref<4x8x16xi32, #tpu.memory_space<hbm>> -> memref<1x1x16xi32, #tpu.memory_space<hbm>>
      %dma_wait3A_652 = tpu.memref_squeeze %dma_wait3A_651 : memref<1x1x16xi32, #tpu.memory_space<hbm>> -> memref<16xi32, #tpu.memory_space<hbm>>
      tpu.wait_dma2 semaphore(%run_scoped3A : memref<!tpu.dma_semaphore, #tpu.memory_space<semaphore_mem>>) src(%arg16 : memref<16xi32, #tpu.memory_space<vmem>>) dst(%dma_wait3A_652 : memref<16xi32, #tpu.memory_space<hbm>>)
      tpu.yield
    }) : () -> ()
    "tpu.region"() ({
      %run_scoped3A = tpu.sem_alloc : memref<!tpu.dma_semaphore, #tpu.memory_space<semaphore_mem>>
      %dma_start3A_641 = arith.constant 0 : i32
      %dma_start3A_642 = tpu.memref_slice %arg24[%arg1, %dma_start3A_641] : memref<16x256xi32, #tpu.memory_space<vmem_shared>> -> memref<1x256xi32, #tpu.memory_space<vmem_shared>>
      %dma_start3A_643 = tpu.memref_squeeze %dma_start3A_642 : memref<1x256xi32, #tpu.memory_space<vmem_shared>> -> memref<256xi32, #tpu.memory_space<vmem_shared>>
      %dma_start3A_644 = arith.constant 0 : i32
      %dma_start3A_645 = tpu.memref_slice %arg24[%arg1, %dma_start3A_644] : memref<16x256xi32, #tpu.memory_space<vmem_shared>> -> memref<1x256xi32, #tpu.memory_space<vmem_shared>>
      %dma_start3A_646 = tpu.memref_squeeze %dma_start3A_645 : memref<1x256xi32, #tpu.memory_space<vmem_shared>> -> memref<256xi32, #tpu.memory_space<vmem_shared>>
      tpu.enqueue_dma source(%arg15 : memref<256xi32, #tpu.memory_space<vmem>>) target(%dma_start3A_646 : memref<256xi32, #tpu.memory_space<vmem_shared>>) target_semaphore(%run_scoped3A : memref<!tpu.dma_semaphore, #tpu.memory_space<semaphore_mem>>)
      %dma_wait3A_647 = arith.constant 0 : i32
      %dma_wait3A_648 = tpu.memref_slice %arg24[%arg1, %dma_wait3A_647] : memref<16x256xi32, #tpu.memory_space<vmem_shared>> -> memref<1x256xi32, #tpu.memory_space<vmem_shared>>
      %dma_wait3A_649 = tpu.memref_squeeze %dma_wait3A_648 : memref<1x256xi32, #tpu.memory_space<vmem_shared>> -> memref<256xi32, #tpu.memory_space<vmem_shared>>
      %dma_wait3A_650 = arith.constant 0 : i32
      %dma_wait3A_651 = tpu.memref_slice %arg24[%arg1, %dma_wait3A_650] : memref<16x256xi32, #tpu.memory_space<vmem_shared>> -> memref<1x256xi32, #tpu.memory_space<vmem_shared>>
      %dma_wait3A_652 = tpu.memref_squeeze %dma_wait3A_651 : memref<1x256xi32, #tpu.memory_space<vmem_shared>> -> memref<256xi32, #tpu.memory_space<vmem_shared>>
      tpu.wait_dma2 semaphore(%run_scoped3A : memref<!tpu.dma_semaphore, #tpu.memory_space<semaphore_mem>>) src(%arg15 : memref<256xi32, #tpu.memory_space<vmem>>) dst(%dma_wait3A_652 : memref<256xi32, #tpu.memory_space<vmem_shared>>)
      tpu.yield
    }) : () -> ()
    %barrier3A = arith.constant 0 : index
    tpu.barrier barrier_id(%barrier3A)
    %mul3A_100 = arith.constant 32 : i32
    %mul3A_101 = arith.muli %select_n3A_30, %mul3A_100 : i32
    %jit3A_102 = arith.constant 8 : i32
    %div3A_103 = arith.divsi %arg1, %jit3A_102 : i32
    %sign3A_104 = arith.constant 0 : i32
    %sign3A_105 = arith.cmpi sgt, %arg1, %sign3A_104 : i32
    %sign3A_106 = arith.extui %sign3A_105 : i1 to i32
    %sign3A_107 = arith.constant 0 : i32
    %sign3A_108 = arith.cmpi slt, %arg1, %sign3A_107 : i32
    %sign3A_109 = arith.extui %sign3A_108 : i1 to i32
    %sign3A_110 = arith.subi %sign3A_106, %sign3A_109 : i32
    %sign3A_111 = arith.constant 0 : i32
    %sign3A_112 = arith.cmpi sgt, %jit3A_102, %sign3A_111 : i32
    %sign3A_113 = arith.extui %sign3A_112 : i1 to i32
    %sign3A_114 = arith.constant 0 : i32
    %sign3A_115 = arith.cmpi slt, %jit3A_102, %sign3A_114 : i32
    %sign3A_116 = arith.extui %sign3A_115 : i1 to i32
    %sign3A_117 = arith.subi %sign3A_113, %sign3A_116 : i32
    %ne3A_118 = arith.cmpi ne, %sign3A_110, %sign3A_117 : i32
    %rem3A_119 = arith.remsi %arg1, %jit3A_102 : i32
    %ne3A_120 = arith.constant 0 : i32
    %ne3A_121 = arith.cmpi ne, %rem3A_119, %ne3A_120 : i32
    %and3A_122 = arith.andi %ne3A_118, %ne3A_121 : i1
    %sub3A_123 = arith.constant 1 : i32
    %sub3A_124 = arith.subi %div3A_103, %sub3A_123 : i32
    %select_n3A_125 = arith.select %and3A_122, %sub3A_124, %div3A_103 : i32
    %mul3A_126 = arith.constant 8 : i32
    %mul3A_127 = arith.muli %select_n3A_125, %mul3A_126 : i32
    "tpu.trace_start"() <{level = 10 : i32, message = "b_fcp_load"}> : () -> ()
    %add3A_128 = arith.constant 0 : i32
    %add3A_129 = arith.addi %mul3A_127, %add3A_128 : i32
    "tpu.region"() ({
      %run_scoped3A = tpu.sem_alloc : memref<!tpu.dma_semaphore, #tpu.memory_space<semaphore_mem>>
      %dma_start3A_641 = arith.constant 0 : i32
      %dma_start3A_642 = tpu.memref_slice %arg17[%dma_start3A_641] : memref<256xi32, #tpu.memory_space<vmem>> -> memref<32xi32, #tpu.memory_space<vmem>>
      %dma_start3A_643 = tpu.memref_slice %arg24[%add3A_129, %mul3A_101] : memref<16x256xi32, #tpu.memory_space<vmem_shared>> -> memref<1x32xi32, #tpu.memory_space<vmem_shared>>
      %dma_start3A_644 = tpu.memref_squeeze %dma_start3A_643 : memref<1x32xi32, #tpu.memory_space<vmem_shared>> -> memref<32xi32, #tpu.memory_space<vmem_shared>>
      %dma_start3A_645 = arith.constant 0 : i32
      %dma_start3A_646 = tpu.memref_slice %arg17[%dma_start3A_645] : memref<256xi32, #tpu.memory_space<vmem>> -> memref<32xi32, #tpu.memory_space<vmem>>
      %dma_start3A_647 = tpu.memref_slice %arg24[%add3A_129, %mul3A_101] : memref<16x256xi32, #tpu.memory_space<vmem_shared>> -> memref<1x32xi32, #tpu.memory_space<vmem_shared>>
      %dma_start3A_648 = tpu.memref_squeeze %dma_start3A_647 : memref<1x32xi32, #tpu.memory_space<vmem_shared>> -> memref<32xi32, #tpu.memory_space<vmem_shared>>
      tpu.enqueue_dma source(%dma_start3A_648 : memref<32xi32, #tpu.memory_space<vmem_shared>>) target(%dma_start3A_646 : memref<32xi32, #tpu.memory_space<vmem>>) target_semaphore(%run_scoped3A : memref<!tpu.dma_semaphore, #tpu.memory_space<semaphore_mem>>)
      %dma_wait3A_649 = arith.constant 0 : i32
      %dma_wait3A_650 = tpu.memref_slice %arg17[%dma_wait3A_649] : memref<256xi32, #tpu.memory_space<vmem>> -> memref<32xi32, #tpu.memory_space<vmem>>
      %dma_wait3A_651 = tpu.memref_slice %arg24[%add3A_129, %mul3A_101] : memref<16x256xi32, #tpu.memory_space<vmem_shared>> -> memref<1x32xi32, #tpu.memory_space<vmem_shared>>
      %dma_wait3A_652 = tpu.memref_squeeze %dma_wait3A_651 : memref<1x32xi32, #tpu.memory_space<vmem_shared>> -> memref<32xi32, #tpu.memory_space<vmem_shared>>
      %dma_wait3A_653 = arith.constant 0 : i32
      %dma_wait3A_654 = tpu.memref_slice %arg17[%dma_wait3A_653] : memref<256xi32, #tpu.memory_space<vmem>> -> memref<32xi32, #tpu.memory_space<vmem>>
      %dma_wait3A_655 = tpu.memref_slice %arg24[%add3A_129, %mul3A_101] : memref<16x256xi32, #tpu.memory_space<vmem_shared>> -> memref<1x32xi32, #tpu.memory_space<vmem_shared>>
      %dma_wait3A_656 = tpu.memref_squeeze %dma_wait3A_655 : memref<1x32xi32, #tpu.memory_space<vmem_shared>> -> memref<32xi32, #tpu.memory_space<vmem_shared>>
      tpu.wait_dma2 semaphore(%run_scoped3A : memref<!tpu.dma_semaphore, #tpu.memory_space<semaphore_mem>>) src(%dma_wait3A_656 : memref<32xi32, #tpu.memory_space<vmem_shared>>) dst(%dma_wait3A_654 : memref<32xi32, #tpu.memory_space<vmem>>)
      tpu.yield
    }) : () -> ()
    %add3A_130 = arith.constant 1 : i32
    %add3A_131 = arith.addi %mul3A_127, %add3A_130 : i32
    "tpu.region"() ({
      %run_scoped3A = tpu.sem_alloc : memref<!tpu.dma_semaphore, #tpu.memory_space<semaphore_mem>>
      %dma_start3A_641 = arith.constant 32 : i32
      %dma_start3A_642 = tpu.memref_slice %arg17[%dma_start3A_641] : memref<256xi32, #tpu.memory_space<vmem>> -> memref<32xi32, #tpu.memory_space<vmem>>
      %dma_start3A_643 = tpu.memref_slice %arg24[%add3A_131, %mul3A_101] : memref<16x256xi32, #tpu.memory_space<vmem_shared>> -> memref<1x32xi32, #tpu.memory_space<vmem_shared>>
      %dma_start3A_644 = tpu.memref_squeeze %dma_start3A_643 : memref<1x32xi32, #tpu.memory_space<vmem_shared>> -> memref<32xi32, #tpu.memory_space<vmem_shared>>
      %dma_start3A_645 = arith.constant 32 : i32
      %dma_start3A_646 = tpu.memref_slice %arg17[%dma_start3A_645] : memref<256xi32, #tpu.memory_space<vmem>> -> memref<32xi32, #tpu.memory_space<vmem>>
      %dma_start3A_647 = tpu.memref_slice %arg24[%add3A_131, %mul3A_101] : memref<16x256xi32, #tpu.memory_space<vmem_shared>> -> memref<1x32xi32, #tpu.memory_space<vmem_shared>>
      %dma_start3A_648 = tpu.memref_squeeze %dma_start3A_647 : memref<1x32xi32, #tpu.memory_space<vmem_shared>> -> memref<32xi32, #tpu.memory_space<vmem_shared>>
      tpu.enqueue_dma source(%dma_start3A_648 : memref<32xi32, #tpu.memory_space<vmem_shared>>) target(%dma_start3A_646 : memref<32xi32, #tpu.memory_space<vmem>>) target_semaphore(%run_scoped3A : memref<!tpu.dma_semaphore, #tpu.memory_space<semaphore_mem>>)
      %dma_wait3A_649 = arith.constant 32 : i32
      %dma_wait3A_650 = tpu.memref_slice %arg17[%dma_wait3A_649] : memref<256xi32, #tpu.memory_space<vmem>> -> memref<32xi32, #tpu.memory_space<vmem>>
      %dma_wait3A_651 = tpu.memref_slice %arg24[%add3A_131, %mul3A_101] : memref<16x256xi32, #tpu.memory_space<vmem_shared>> -> memref<1x32xi32, #tpu.memory_space<vmem_shared>>
      %dma_wait3A_652 = tpu.memref_squeeze %dma_wait3A_651 : memref<1x32xi32, #tpu.memory_space<vmem_shared>> -> memref<32xi32, #tpu.memory_space<vmem_shared>>
      %dma_wait3A_653 = arith.constant 32 : i32
      %dma_wait3A_654 = tpu.memref_slice %arg17[%dma_wait3A_653] : memref<256xi32, #tpu.memory_space<vmem>> -> memref<32xi32, #tpu.memory_space<vmem>>
      %dma_wait3A_655 = tpu.memref_slice %arg24[%add3A_131, %mul3A_101] : memref<16x256xi32, #tpu.memory_space<vmem_shared>> -> memref<1x32xi32, #tpu.memory_space<vmem_shared>>
      %dma_wait3A_656 = tpu.memref_squeeze %dma_wait3A_655 : memref<1x32xi32, #tpu.memory_space<vmem_shared>> -> memref<32xi32, #tpu.memory_space<vmem_shared>>
      tpu.wait_dma2 semaphore(%run_scoped3A : memref<!tpu.dma_semaphore, #tpu.memory_space<semaphore_mem>>) src(%dma_wait3A_656 : memref<32xi32, #tpu.memory_space<vmem_shared>>) dst(%dma_wait3A_654 : memref<32xi32, #tpu.memory_space<vmem>>)
      tpu.yield
    }) : () -> ()
    %add3A_132 = arith.constant 2 : i32
    %add3A_133 = arith.addi %mul3A_127, %add3A_132 : i32
    "tpu.region"() ({
      %run_scoped3A = tpu.sem_alloc : memref<!tpu.dma_semaphore, #tpu.memory_space<semaphore_mem>>
      %dma_start3A_641 = arith.constant 64 : i32
      %dma_start3A_642 = tpu.memref_slice %arg17[%dma_start3A_641] : memref<256xi32, #tpu.memory_space<vmem>> -> memref<32xi32, #tpu.memory_space<vmem>>
      %dma_start3A_643 = tpu.memref_slice %arg24[%add3A_133, %mul3A_101] : memref<16x256xi32, #tpu.memory_space<vmem_shared>> -> memref<1x32xi32, #tpu.memory_space<vmem_shared>>
      %dma_start3A_644 = tpu.memref_squeeze %dma_start3A_643 : memref<1x32xi32, #tpu.memory_space<vmem_shared>> -> memref<32xi32, #tpu.memory_space<vmem_shared>>
      %dma_start3A_645 = arith.constant 64 : i32
      %dma_start3A_646 = tpu.memref_slice %arg17[%dma_start3A_645] : memref<256xi32, #tpu.memory_space<vmem>> -> memref<32xi32, #tpu.memory_space<vmem>>
      %dma_start3A_647 = tpu.memref_slice %arg24[%add3A_133, %mul3A_101] : memref<16x256xi32, #tpu.memory_space<vmem_shared>> -> memref<1x32xi32, #tpu.memory_space<vmem_shared>>
      %dma_start3A_648 = tpu.memref_squeeze %dma_start3A_647 : memref<1x32xi32, #tpu.memory_space<vmem_shared>> -> memref<32xi32, #tpu.memory_space<vmem_shared>>
      tpu.enqueue_dma source(%dma_start3A_648 : memref<32xi32, #tpu.memory_space<vmem_shared>>) target(%dma_start3A_646 : memref<32xi32, #tpu.memory_space<vmem>>) target_semaphore(%run_scoped3A : memref<!tpu.dma_semaphore, #tpu.memory_space<semaphore_mem>>)
      %dma_wait3A_649 = arith.constant 64 : i32
      %dma_wait3A_650 = tpu.memref_slice %arg17[%dma_wait3A_649] : memref<256xi32, #tpu.memory_space<vmem>> -> memref<32xi32, #tpu.memory_space<vmem>>
      %dma_wait3A_651 = tpu.memref_slice %arg24[%add3A_133, %mul3A_101] : memref<16x256xi32, #tpu.memory_space<vmem_shared>> -> memref<1x32xi32, #tpu.memory_space<vmem_shared>>
      %dma_wait3A_652 = tpu.memref_squeeze %dma_wait3A_651 : memref<1x32xi32, #tpu.memory_space<vmem_shared>> -> memref<32xi32, #tpu.memory_space<vmem_shared>>
      %dma_wait3A_653 = arith.constant 64 : i32
      %dma_wait3A_654 = tpu.memref_slice %arg17[%dma_wait3A_653] : memref<256xi32, #tpu.memory_space<vmem>> -> memref<32xi32, #tpu.memory_space<vmem>>
      %dma_wait3A_655 = tpu.memref_slice %arg24[%add3A_133, %mul3A_101] : memref<16x256xi32, #tpu.memory_space<vmem_shared>> -> memref<1x32xi32, #tpu.memory_space<vmem_shared>>
      %dma_wait3A_656 = tpu.memref_squeeze %dma_wait3A_655 : memref<1x32xi32, #tpu.memory_space<vmem_shared>> -> memref<32xi32, #tpu.memory_space<vmem_shared>>
      tpu.wait_dma2 semaphore(%run_scoped3A : memref<!tpu.dma_semaphore, #tpu.memory_space<semaphore_mem>>) src(%dma_wait3A_656 : memref<32xi32, #tpu.memory_space<vmem_shared>>) dst(%dma_wait3A_654 : memref<32xi32, #tpu.memory_space<vmem>>)
      tpu.yield
    }) : () -> ()
    %add3A_134 = arith.constant 3 : i32
    %add3A_135 = arith.addi %mul3A_127, %add3A_134 : i32
    "tpu.region"() ({
      %run_scoped3A = tpu.sem_alloc : memref<!tpu.dma_semaphore, #tpu.memory_space<semaphore_mem>>
      %dma_start3A_641 = arith.constant 96 : i32
      %dma_start3A_642 = tpu.memref_slice %arg17[%dma_start3A_641] : memref<256xi32, #tpu.memory_space<vmem>> -> memref<32xi32, #tpu.memory_space<vmem>>
      %dma_start3A_643 = tpu.memref_slice %arg24[%add3A_135, %mul3A_101] : memref<16x256xi32, #tpu.memory_space<vmem_shared>> -> memref<1x32xi32, #tpu.memory_space<vmem_shared>>
      %dma_start3A_644 = tpu.memref_squeeze %dma_start3A_643 : memref<1x32xi32, #tpu.memory_space<vmem_shared>> -> memref<32xi32, #tpu.memory_space<vmem_shared>>
      %dma_start3A_645 = arith.constant 96 : i32
      %dma_start3A_646 = tpu.memref_slice %arg17[%dma_start3A_645] : memref<256xi32, #tpu.memory_space<vmem>> -> memref<32xi32, #tpu.memory_space<vmem>>
      %dma_start3A_647 = tpu.memref_slice %arg24[%add3A_135, %mul3A_101] : memref<16x256xi32, #tpu.memory_space<vmem_shared>> -> memref<1x32xi32, #tpu.memory_space<vmem_shared>>
      %dma_start3A_648 = tpu.memref_squeeze %dma_start3A_647 : memref<1x32xi32, #tpu.memory_space<vmem_shared>> -> memref<32xi32, #tpu.memory_space<vmem_shared>>
      tpu.enqueue_dma source(%dma_start3A_648 : memref<32xi32, #tpu.memory_space<vmem_shared>>) target(%dma_start3A_646 : memref<32xi32, #tpu.memory_space<vmem>>) target_semaphore(%run_scoped3A : memref<!tpu.dma_semaphore, #tpu.memory_space<semaphore_mem>>)
      %dma_wait3A_649 = arith.constant 96 : i32
      %dma_wait3A_650 = tpu.memref_slice %arg17[%dma_wait3A_649] : memref<256xi32, #tpu.memory_space<vmem>> -> memref<32xi32, #tpu.memory_space<vmem>>
      %dma_wait3A_651 = tpu.memref_slice %arg24[%add3A_135, %mul3A_101] : memref<16x256xi32, #tpu.memory_space<vmem_shared>> -> memref<1x32xi32, #tpu.memory_space<vmem_shared>>
      %dma_wait3A_652 = tpu.memref_squeeze %dma_wait3A_651 : memref<1x32xi32, #tpu.memory_space<vmem_shared>> -> memref<32xi32, #tpu.memory_space<vmem_shared>>
      %dma_wait3A_653 = arith.constant 96 : i32
      %dma_wait3A_654 = tpu.memref_slice %arg17[%dma_wait3A_653] : memref<256xi32, #tpu.memory_space<vmem>> -> memref<32xi32, #tpu.memory_space<vmem>>
      %dma_wait3A_655 = tpu.memref_slice %arg24[%add3A_135, %mul3A_101] : memref<16x256xi32, #tpu.memory_space<vmem_shared>> -> memref<1x32xi32, #tpu.memory_space<vmem_shared>>
      %dma_wait3A_656 = tpu.memref_squeeze %dma_wait3A_655 : memref<1x32xi32, #tpu.memory_space<vmem_shared>> -> memref<32xi32, #tpu.memory_space<vmem_shared>>
      tpu.wait_dma2 semaphore(%run_scoped3A : memref<!tpu.dma_semaphore, #tpu.memory_space<semaphore_mem>>) src(%dma_wait3A_656 : memref<32xi32, #tpu.memory_space<vmem_shared>>) dst(%dma_wait3A_654 : memref<32xi32, #tpu.memory_space<vmem>>)
      tpu.yield
    }) : () -> ()
    %add3A_136 = arith.constant 4 : i32
    %add3A_137 = arith.addi %mul3A_127, %add3A_136 : i32
    "tpu.region"() ({
      %run_scoped3A = tpu.sem_alloc : memref<!tpu.dma_semaphore, #tpu.memory_space<semaphore_mem>>
      %dma_start3A_641 = arith.constant 128 : i32
      %dma_start3A_642 = tpu.memref_slice %arg17[%dma_start3A_641] : memref<256xi32, #tpu.memory_space<vmem>> -> memref<32xi32, #tpu.memory_space<vmem>>
      %dma_start3A_643 = tpu.memref_slice %arg24[%add3A_137, %mul3A_101] : memref<16x256xi32, #tpu.memory_space<vmem_shared>> -> memref<1x32xi32, #tpu.memory_space<vmem_shared>>
      %dma_start3A_644 = tpu.memref_squeeze %dma_start3A_643 : memref<1x32xi32, #tpu.memory_space<vmem_shared>> -> memref<32xi32, #tpu.memory_space<vmem_shared>>
      %dma_start3A_645 = arith.constant 128 : i32
      %dma_start3A_646 = tpu.memref_slice %arg17[%dma_start3A_645] : memref<256xi32, #tpu.memory_space<vmem>> -> memref<32xi32, #tpu.memory_space<vmem>>
      %dma_start3A_647 = tpu.memref_slice %arg24[%add3A_137, %mul3A_101] : memref<16x256xi32, #tpu.memory_space<vmem_shared>> -> memref<1x32xi32, #tpu.memory_space<vmem_shared>>
      %dma_start3A_648 = tpu.memref_squeeze %dma_start3A_647 : memref<1x32xi32, #tpu.memory_space<vmem_shared>> -> memref<32xi32, #tpu.memory_space<vmem_shared>>
      tpu.enqueue_dma source(%dma_start3A_648 : memref<32xi32, #tpu.memory_space<vmem_shared>>) target(%dma_start3A_646 : memref<32xi32, #tpu.memory_space<vmem>>) target_semaphore(%run_scoped3A : memref<!tpu.dma_semaphore, #tpu.memory_space<semaphore_mem>>)
      %dma_wait3A_649 = arith.constant 128 : i32
      %dma_wait3A_650 = tpu.memref_slice %arg17[%dma_wait3A_649] : memref<256xi32, #tpu.memory_space<vmem>> -> memref<32xi32, #tpu.memory_space<vmem>>
      %dma_wait3A_651 = tpu.memref_slice %arg24[%add3A_137, %mul3A_101] : memref<16x256xi32, #tpu.memory_space<vmem_shared>> -> memref<1x32xi32, #tpu.memory_space<vmem_shared>>
      %dma_wait3A_652 = tpu.memref_squeeze %dma_wait3A_651 : memref<1x32xi32, #tpu.memory_space<vmem_shared>> -> memref<32xi32, #tpu.memory_space<vmem_shared>>
      %dma_wait3A_653 = arith.constant 128 : i32
      %dma_wait3A_654 = tpu.memref_slice %arg17[%dma_wait3A_653] : memref<256xi32, #tpu.memory_space<vmem>> -> memref<32xi32, #tpu.memory_space<vmem>>
      %dma_wait3A_655 = tpu.memref_slice %arg24[%add3A_137, %mul3A_101] : memref<16x256xi32, #tpu.memory_space<vmem_shared>> -> memref<1x32xi32, #tpu.memory_space<vmem_shared>>
      %dma_wait3A_656 = tpu.memref_squeeze %dma_wait3A_655 : memref<1x32xi32, #tpu.memory_space<vmem_shared>> -> memref<32xi32, #tpu.memory_space<vmem_shared>>
      tpu.wait_dma2 semaphore(%run_scoped3A : memref<!tpu.dma_semaphore, #tpu.memory_space<semaphore_mem>>) src(%dma_wait3A_656 : memref<32xi32, #tpu.memory_space<vmem_shared>>) dst(%dma_wait3A_654 : memref<32xi32, #tpu.memory_space<vmem>>)
      tpu.yield
    }) : () -> ()
    %add3A_138 = arith.constant 5 : i32
    %add3A_139 = arith.addi %mul3A_127, %add3A_138 : i32
    "tpu.region"() ({
      %run_scoped3A = tpu.sem_alloc : memref<!tpu.dma_semaphore, #tpu.memory_space<semaphore_mem>>
      %dma_start3A_641 = arith.constant 160 : i32
      %dma_start3A_642 = tpu.memref_slice %arg17[%dma_start3A_641] : memref<256xi32, #tpu.memory_space<vmem>> -> memref<32xi32, #tpu.memory_space<vmem>>
      %dma_start3A_643 = tpu.memref_slice %arg24[%add3A_139, %mul3A_101] : memref<16x256xi32, #tpu.memory_space<vmem_shared>> -> memref<1x32xi32, #tpu.memory_space<vmem_shared>>
      %dma_start3A_644 = tpu.memref_squeeze %dma_start3A_643 : memref<1x32xi32, #tpu.memory_space<vmem_shared>> -> memref<32xi32, #tpu.memory_space<vmem_shared>>
      %dma_start3A_645 = arith.constant 160 : i32
      %dma_start3A_646 = tpu.memref_slice %arg17[%dma_start3A_645] : memref<256xi32, #tpu.memory_space<vmem>> -> memref<32xi32, #tpu.memory_space<vmem>>
      %dma_start3A_647 = tpu.memref_slice %arg24[%add3A_139, %mul3A_101] : memref<16x256xi32, #tpu.memory_space<vmem_shared>> -> memref<1x32xi32, #tpu.memory_space<vmem_shared>>
      %dma_start3A_648 = tpu.memref_squeeze %dma_start3A_647 : memref<1x32xi32, #tpu.memory_space<vmem_shared>> -> memref<32xi32, #tpu.memory_space<vmem_shared>>
      tpu.enqueue_dma source(%dma_start3A_648 : memref<32xi32, #tpu.memory_space<vmem_shared>>) target(%dma_start3A_646 : memref<32xi32, #tpu.memory_space<vmem>>) target_semaphore(%run_scoped3A : memref<!tpu.dma_semaphore, #tpu.memory_space<semaphore_mem>>)
      %dma_wait3A_649 = arith.constant 160 : i32
      %dma_wait3A_650 = tpu.memref_slice %arg17[%dma_wait3A_649] : memref<256xi32, #tpu.memory_space<vmem>> -> memref<32xi32, #tpu.memory_space<vmem>>
      %dma_wait3A_651 = tpu.memref_slice %arg24[%add3A_139, %mul3A_101] : memref<16x256xi32, #tpu.memory_space<vmem_shared>> -> memref<1x32xi32, #tpu.memory_space<vmem_shared>>
      %dma_wait3A_652 = tpu.memref_squeeze %dma_wait3A_651 : memref<1x32xi32, #tpu.memory_space<vmem_shared>> -> memref<32xi32, #tpu.memory_space<vmem_shared>>
      %dma_wait3A_653 = arith.constant 160 : i32
      %dma_wait3A_654 = tpu.memref_slice %arg17[%dma_wait3A_653] : memref<256xi32, #tpu.memory_space<vmem>> -> memref<32xi32, #tpu.memory_space<vmem>>
      %dma_wait3A_655 = tpu.memref_slice %arg24[%add3A_139, %mul3A_101] : memref<16x256xi32, #tpu.memory_space<vmem_shared>> -> memref<1x32xi32, #tpu.memory_space<vmem_shared>>
      %dma_wait3A_656 = tpu.memref_squeeze %dma_wait3A_655 : memref<1x32xi32, #tpu.memory_space<vmem_shared>> -> memref<32xi32, #tpu.memory_space<vmem_shared>>
      tpu.wait_dma2 semaphore(%run_scoped3A : memref<!tpu.dma_semaphore, #tpu.memory_space<semaphore_mem>>) src(%dma_wait3A_656 : memref<32xi32, #tpu.memory_space<vmem_shared>>) dst(%dma_wait3A_654 : memref<32xi32, #tpu.memory_space<vmem>>)
      tpu.yield
    }) : () -> ()
    %add3A_140 = arith.constant 6 : i32
    %add3A_141 = arith.addi %mul3A_127, %add3A_140 : i32
    "tpu.region"() ({
      %run_scoped3A = tpu.sem_alloc : memref<!tpu.dma_semaphore, #tpu.memory_space<semaphore_mem>>
      %dma_start3A_641 = arith.constant 192 : i32
      %dma_start3A_642 = tpu.memref_slice %arg17[%dma_start3A_641] : memref<256xi32, #tpu.memory_space<vmem>> -> memref<32xi32, #tpu.memory_space<vmem>>
      %dma_start3A_643 = tpu.memref_slice %arg24[%add3A_141, %mul3A_101] : memref<16x256xi32, #tpu.memory_space<vmem_shared>> -> memref<1x32xi32, #tpu.memory_space<vmem_shared>>
      %dma_start3A_644 = tpu.memref_squeeze %dma_start3A_643 : memref<1x32xi32, #tpu.memory_space<vmem_shared>> -> memref<32xi32, #tpu.memory_space<vmem_shared>>
      %dma_start3A_645 = arith.constant 192 : i32
      %dma_start3A_646 = tpu.memref_slice %arg17[%dma_start3A_645] : memref<256xi32, #tpu.memory_space<vmem>> -> memref<32xi32, #tpu.memory_space<vmem>>
      %dma_start3A_647 = tpu.memref_slice %arg24[%add3A_141, %mul3A_101] : memref<16x256xi32, #tpu.memory_space<vmem_shared>> -> memref<1x32xi32, #tpu.memory_space<vmem_shared>>
      %dma_start3A_648 = tpu.memref_squeeze %dma_start3A_647 : memref<1x32xi32, #tpu.memory_space<vmem_shared>> -> memref<32xi32, #tpu.memory_space<vmem_shared>>
      tpu.enqueue_dma source(%dma_start3A_648 : memref<32xi32, #tpu.memory_space<vmem_shared>>) target(%dma_start3A_646 : memref<32xi32, #tpu.memory_space<vmem>>) target_semaphore(%run_scoped3A : memref<!tpu.dma_semaphore, #tpu.memory_space<semaphore_mem>>)
      %dma_wait3A_649 = arith.constant 192 : i32
      %dma_wait3A_650 = tpu.memref_slice %arg17[%dma_wait3A_649] : memref<256xi32, #tpu.memory_space<vmem>> -> memref<32xi32, #tpu.memory_space<vmem>>
      %dma_wait3A_651 = tpu.memref_slice %arg24[%add3A_141, %mul3A_101] : memref<16x256xi32, #tpu.memory_space<vmem_shared>> -> memref<1x32xi32, #tpu.memory_space<vmem_shared>>
      %dma_wait3A_652 = tpu.memref_squeeze %dma_wait3A_651 : memref<1x32xi32, #tpu.memory_space<vmem_shared>> -> memref<32xi32, #tpu.memory_space<vmem_shared>>
      %dma_wait3A_653 = arith.constant 192 : i32
      %dma_wait3A_654 = tpu.memref_slice %arg17[%dma_wait3A_653] : memref<256xi32, #tpu.memory_space<vmem>> -> memref<32xi32, #tpu.memory_space<vmem>>
      %dma_wait3A_655 = tpu.memref_slice %arg24[%add3A_141, %mul3A_101] : memref<16x256xi32, #tpu.memory_space<vmem_shared>> -> memref<1x32xi32, #tpu.memory_space<vmem_shared>>
      %dma_wait3A_656 = tpu.memref_squeeze %dma_wait3A_655 : memref<1x32xi32, #tpu.memory_space<vmem_shared>> -> memref<32xi32, #tpu.memory_space<vmem_shared>>
      tpu.wait_dma2 semaphore(%run_scoped3A : memref<!tpu.dma_semaphore, #tpu.memory_space<semaphore_mem>>) src(%dma_wait3A_656 : memref<32xi32, #tpu.memory_space<vmem_shared>>) dst(%dma_wait3A_654 : memref<32xi32, #tpu.memory_space<vmem>>)
      tpu.yield
    }) : () -> ()
    %add3A_142 = arith.constant 7 : i32
    %add3A_143 = arith.addi %mul3A_127, %add3A_142 : i32
    "tpu.region"() ({
      %run_scoped3A = tpu.sem_alloc : memref<!tpu.dma_semaphore, #tpu.memory_space<semaphore_mem>>
      %dma_start3A_641 = arith.constant 224 : i32
      %dma_start3A_642 = tpu.memref_slice %arg17[%dma_start3A_641] : memref<256xi32, #tpu.memory_space<vmem>> -> memref<32xi32, #tpu.memory_space<vmem>>
      %dma_start3A_643 = tpu.memref_slice %arg24[%add3A_143, %mul3A_101] : memref<16x256xi32, #tpu.memory_space<vmem_shared>> -> memref<1x32xi32, #tpu.memory_space<vmem_shared>>
      %dma_start3A_644 = tpu.memref_squeeze %dma_start3A_643 : memref<1x32xi32, #tpu.memory_space<vmem_shared>> -> memref<32xi32, #tpu.memory_space<vmem_shared>>
      %dma_start3A_645 = arith.constant 224 : i32
      %dma_start3A_646 = tpu.memref_slice %arg17[%dma_start3A_645] : memref<256xi32, #tpu.memory_space<vmem>> -> memref<32xi32, #tpu.memory_space<vmem>>
      %dma_start3A_647 = tpu.memref_slice %arg24[%add3A_143, %mul3A_101] : memref<16x256xi32, #tpu.memory_space<vmem_shared>> -> memref<1x32xi32, #tpu.memory_space<vmem_shared>>
      %dma_start3A_648 = tpu.memref_squeeze %dma_start3A_647 : memref<1x32xi32, #tpu.memory_space<vmem_shared>> -> memref<32xi32, #tpu.memory_space<vmem_shared>>
      tpu.enqueue_dma source(%dma_start3A_648 : memref<32xi32, #tpu.memory_space<vmem_shared>>) target(%dma_start3A_646 : memref<32xi32, #tpu.memory_space<vmem>>) target_semaphore(%run_scoped3A : memref<!tpu.dma_semaphore, #tpu.memory_space<semaphore_mem>>)
      %dma_wait3A_649 = arith.constant 224 : i32
      %dma_wait3A_650 = tpu.memref_slice %arg17[%dma_wait3A_649] : memref<256xi32, #tpu.memory_space<vmem>> -> memref<32xi32, #tpu.memory_space<vmem>>
      %dma_wait3A_651 = tpu.memref_slice %arg24[%add3A_143, %mul3A_101] : memref<16x256xi32, #tpu.memory_space<vmem_shared>> -> memref<1x32xi32, #tpu.memory_space<vmem_shared>>
      %dma_wait3A_652 = tpu.memref_squeeze %dma_wait3A_651 : memref<1x32xi32, #tpu.memory_space<vmem_shared>> -> memref<32xi32, #tpu.memory_space<vmem_shared>>
      %dma_wait3A_653 = arith.constant 224 : i32
      %dma_wait3A_654 = tpu.memref_slice %arg17[%dma_wait3A_653] : memref<256xi32, #tpu.memory_space<vmem>> -> memref<32xi32, #tpu.memory_space<vmem>>
      %dma_wait3A_655 = tpu.memref_slice %arg24[%add3A_143, %mul3A_101] : memref<16x256xi32, #tpu.memory_space<vmem_shared>> -> memref<1x32xi32, #tpu.memory_space<vmem_shared>>
      %dma_wait3A_656 = tpu.memref_squeeze %dma_wait3A_655 : memref<1x32xi32, #tpu.memory_space<vmem_shared>> -> memref<32xi32, #tpu.memory_space<vmem_shared>>
      tpu.wait_dma2 semaphore(%run_scoped3A : memref<!tpu.dma_semaphore, #tpu.memory_space<semaphore_mem>>) src(%dma_wait3A_656 : memref<32xi32, #tpu.memory_space<vmem_shared>>) dst(%dma_wait3A_654 : memref<32xi32, #tpu.memory_space<vmem>>)
      tpu.yield
    }) : () -> ()
    %get3A = arith.constant 0 : index
    %get3A_144 = tpu.vector_load %arg17[%get3A] {strides = array<i32>} : memref<256xi32, #tpu.memory_space<vmem>>, vector<16xi32>,
    %get3A_145 = arith.constant 32 : index
    %get3A_146 = tpu.vector_load %arg17[%get3A_145] {strides = array<i32>} : memref<256xi32, #tpu.memory_space<vmem>>, vector<16xi32>,
    %min3A = arith.minsi %get3A_144, %get3A_146 : vector<16xi32>
    %get3A_147 = arith.constant 64 : index
    %get3A_148 = tpu.vector_load %arg17[%get3A_147] {strides = array<i32>} : memref<256xi32, #tpu.memory_space<vmem>>, vector<16xi32>,
    %min3A_149 = arith.minsi %min3A, %get3A_148 : vector<16xi32>
    %get3A_150 = arith.constant 96 : index
    %get3A_151 = tpu.vector_load %arg17[%get3A_150] {strides = array<i32>} : memref<256xi32, #tpu.memory_space<vmem>>, vector<16xi32>,
    %min3A_152 = arith.minsi %min3A_149, %get3A_151 : vector<16xi32>
    %get3A_153 = arith.constant 128 : index
    %get3A_154 = tpu.vector_load %arg17[%get3A_153] {strides = array<i32>} : memref<256xi32, #tpu.memory_space<vmem>>, vector<16xi32>,
    %min3A_155 = arith.minsi %min3A_152, %get3A_154 : vector<16xi32>
    %get3A_156 = arith.constant 160 : index
    %get3A_157 = tpu.vector_load %arg17[%get3A_156] {strides = array<i32>} : memref<256xi32, #tpu.memory_space<vmem>>, vector<16xi32>,
    %min3A_158 = arith.minsi %min3A_155, %get3A_157 : vector<16xi32>
    %get3A_159 = arith.constant 192 : index
    %get3A_160 = tpu.vector_load %arg17[%get3A_159] {strides = array<i32>} : memref<256xi32, #tpu.memory_space<vmem>>, vector<16xi32>,
    %min3A_161 = arith.minsi %min3A_158, %get3A_160 : vector<16xi32>
    %get3A_162 = arith.constant 224 : index
    %get3A_163 = tpu.vector_load %arg17[%get3A_162] {strides = array<i32>} : memref<256xi32, #tpu.memory_space<vmem>>, vector<16xi32>,
    %min3A_164 = arith.minsi %min3A_161, %get3A_163 : vector<16xi32>
    %swap3A_165 = arith.constant 0 : index
    %swap3A_166 = tpu.vector_load %arg18[%swap3A_165] {strides = array<i32>} : memref<32xi32, #tpu.memory_space<vmem>>, vector<16xi32>,
    tpu.vector_store %arg18[%swap3A_165], %min3A_164 {strides = array<i32>} : memref<32xi32, #tpu.memory_space<vmem>>, vector<16xi32>,
    %min3A_167 = arith.constant 65535 : i32
    %min3A_168 = vector.broadcast %min3A_167 : i32 to vector<16xi32>
    %min3A_169 = arith.minsi %min3A_164, %min3A_168 : vector<16xi32>
    %swap3A_170 = arith.constant 0 : index
    %swap3A_171 = tpu.vector_load %arg19[%swap3A_170] {strides = array<i32>} : memref<32xi32, #tpu.memory_space<vmem>>, vector<16xi32>,
    tpu.vector_store %arg19[%swap3A_170], %min3A_169 {strides = array<i32>} : memref<32xi32, #tpu.memory_space<vmem>>, vector<16xi32>,
    %get3A_172 = arith.constant 16 : index
    %get3A_173 = tpu.vector_load %arg17[%get3A_172] {strides = array<i32>} : memref<256xi32, #tpu.memory_space<vmem>>, vector<16xi32>,
    %get3A_174 = arith.constant 48 : index
    %get3A_175 = tpu.vector_load %arg17[%get3A_174] {strides = array<i32>} : memref<256xi32, #tpu.memory_space<vmem>>, vector<16xi32>,
    %min3A_176 = arith.minsi %get3A_173, %get3A_175 : vector<16xi32>
    %get3A_177 = arith.constant 80 : index
    %get3A_178 = tpu.vector_load %arg17[%get3A_177] {strides = array<i32>} : memref<256xi32, #tpu.memory_space<vmem>>, vector<16xi32>,
    %min3A_179 = arith.minsi %min3A_176, %get3A_178 : vector<16xi32>
    %get3A_180 = arith.constant 112 : index
    %get3A_181 = tpu.vector_load %arg17[%get3A_180] {strides = array<i32>} : memref<256xi32, #tpu.memory_space<vmem>>, vector<16xi32>,
    %min3A_182 = arith.minsi %min3A_179, %get3A_181 : vector<16xi32>
    %get3A_183 = arith.constant 144 : index
    %get3A_184 = tpu.vector_load %arg17[%get3A_183] {strides = array<i32>} : memref<256xi32, #tpu.memory_space<vmem>>, vector<16xi32>,
    %min3A_185 = arith.minsi %min3A_182, %get3A_184 : vector<16xi32>
    %get3A_186 = arith.constant 176 : index
    %get3A_187 = tpu.vector_load %arg17[%get3A_186] {strides = array<i32>} : memref<256xi32, #tpu.memory_space<vmem>>, vector<16xi32>,
    %min3A_188 = arith.minsi %min3A_185, %get3A_187 : vector<16xi32>
    %get3A_189 = arith.constant 208 : index
    %get3A_190 = tpu.vector_load %arg17[%get3A_189] {strides = array<i32>} : memref<256xi32, #tpu.memory_space<vmem>>, vector<16xi32>,
    %min3A_191 = arith.minsi %min3A_188, %get3A_190 : vector<16xi32>
    %get3A_192 = arith.constant 240 : index
    %get3A_193 = tpu.vector_load %arg17[%get3A_192] {strides = array<i32>} : memref<256xi32, #tpu.memory_space<vmem>>, vector<16xi32>,
    %min3A_194 = arith.minsi %min3A_191, %get3A_193 : vector<16xi32>
    %swap3A_195 = arith.constant 16 : index
    %swap3A_196 = tpu.vector_load %arg18[%swap3A_195] {strides = array<i32>} : memref<32xi32, #tpu.memory_space<vmem>>, vector<16xi32>,
    tpu.vector_store %arg18[%swap3A_195], %min3A_194 {strides = array<i32>} : memref<32xi32, #tpu.memory_space<vmem>>, vector<16xi32>,
    %min3A_197 = arith.constant 65535 : i32
    %min3A_198 = vector.broadcast %min3A_197 : i32 to vector<16xi32>
    %min3A_199 = arith.minsi %min3A_194, %min3A_198 : vector<16xi32>
    %swap3A_200 = arith.constant 16 : index
    %swap3A_201 = tpu.vector_load %arg19[%swap3A_200] {strides = array<i32>} : memref<32xi32, #tpu.memory_space<vmem>>, vector<16xi32>,
    tpu.vector_store %arg19[%swap3A_200], %min3A_199 {strides = array<i32>} : memref<32xi32, #tpu.memory_space<vmem>>, vector<16xi32>,
    "tpu.region"() ({
      %run_scoped3A = tpu.sem_alloc : memref<!tpu.dma_semaphore, #tpu.memory_space<semaphore_mem>>
      %dma_start3A_641 = tpu.memref_slice %arg6[%add3A, %mul3A_101] : memref<4x256xi32, #tpu.memory_space<hbm>> -> memref<1x32xi32, #tpu.memory_space<hbm>>
      %dma_start3A_642 = tpu.memref_squeeze %dma_start3A_641 : memref<1x32xi32, #tpu.memory_space<hbm>> -> memref<32xi32, #tpu.memory_space<hbm>>
      %dma_start3A_643 = tpu.memref_slice %arg6[%add3A, %mul3A_101] : memref<4x256xi32, #tpu.memory_space<hbm>> -> memref<1x32xi32, #tpu.memory_space<hbm>>
      %dma_start3A_644 = tpu.memref_squeeze %dma_start3A_643 : memref<1x32xi32, #tpu.memory_space<hbm>> -> memref<32xi32, #tpu.memory_space<hbm>>
      tpu.enqueue_dma source(%arg18 : memref<32xi32, #tpu.memory_space<vmem>>) target(%dma_start3A_644 : memref<32xi32, #tpu.memory_space<hbm>>) target_semaphore(%run_scoped3A : memref<!tpu.dma_semaphore, #tpu.memory_space<semaphore_mem>>)
      %dma_wait3A_645 = tpu.memref_slice %arg6[%add3A, %mul3A_101] : memref<4x256xi32, #tpu.memory_space<hbm>> -> memref<1x32xi32, #tpu.memory_space<hbm>>
      %dma_wait3A_646 = tpu.memref_squeeze %dma_wait3A_645 : memref<1x32xi32, #tpu.memory_space<hbm>> -> memref<32xi32, #tpu.memory_space<hbm>>
      %dma_wait3A_647 = tpu.memref_slice %arg6[%add3A, %mul3A_101] : memref<4x256xi32, #tpu.memory_space<hbm>> -> memref<1x32xi32, #tpu.memory_space<hbm>>
      %dma_wait3A_648 = tpu.memref_squeeze %dma_wait3A_647 : memref<1x32xi32, #tpu.memory_space<hbm>> -> memref<32xi32, #tpu.memory_space<hbm>>
      tpu.wait_dma2 semaphore(%run_scoped3A : memref<!tpu.dma_semaphore, #tpu.memory_space<semaphore_mem>>) src(%arg18 : memref<32xi32, #tpu.memory_space<vmem>>) dst(%dma_wait3A_648 : memref<32xi32, #tpu.memory_space<hbm>>)
      tpu.yield
    }) : () -> ()
    "tpu.trace_stop"() : () -> ()
    "tpu.trace_start"() <{level = 10 : i32, message = "b_list"}> : () -> ()
    %get3A_202 = arith.constant 0 : index
    %get3A_203 = tpu.vector_load %arg14[%get3A_202] {strides = array<i32>} : memref<8192xi32, #tpu.memory_space<vmem>>, vector<16xi32>,
    %jit3A_204 = arith.constant 0 : i32
    %jit3A_205 = arith.constant 65535 : i32
    %max3A = vector.broadcast %jit3A_204 : i32 to vector<16xi32>
    %max3A_206 = arith.maxsi %max3A, %get3A_203 : vector<16xi32>
    %min3A_207 = vector.broadcast %jit3A_205 : i32 to vector<16xi32>
    %min3A_208 = arith.minsi %min3A_207, %max3A_206 : vector<16xi32>
    %swap3A_209 = arith.constant 0 : i32
    %swap3A_210 = arith.index_cast %swap3A_209 : i32 to index
    %swap3A_211 = arith.constant 0 : index
    %swap3A_212 = tpu.vector_load %arg22[%swap3A_210, %swap3A_211] {strides = array<i32>} : memref<8x32xi32, #tpu.memory_space<vmem>>, vector<16xi32>,
    tpu.vector_store %arg22[%swap3A_210, %swap3A_211], %min3A_208 {strides = array<i32>} : memref<8x32xi32, #tpu.memory_space<vmem>>, vector<16xi32>,
    %get3A_213 = arith.constant 16 : index
    %get3A_214 = tpu.vector_load %arg14[%get3A_213] {strides = array<i32>} : memref<8192xi32, #tpu.memory_space<vmem>>, vector<16xi32>,
    %jit3A_215 = arith.constant 0 : i32
    %jit3A_216 = arith.constant 65535 : i32
    %max3A_217 = vector.broadcast %jit3A_215 : i32 to vector<16xi32>
    %max3A_218 = arith.maxsi %max3A_217, %get3A_214 : vector<16xi32>
    %min3A_219 = vector.broadcast %jit3A_216 : i32 to vector<16xi32>
    %min3A_220 = arith.minsi %min3A_219, %max3A_218 : vector<16xi32>
    %swap3A_221 = arith.constant 0 : i32
    %swap3A_222 = arith.index_cast %swap3A_221 : i32 to index
    %swap3A_223 = arith.constant 16 : index
    %swap3A_224 = tpu.vector_load %arg22[%swap3A_222, %swap3A_223] {strides = array<i32>} : memref<8x32xi32, #tpu.memory_space<vmem>>, vector<16xi32>,
    tpu.vector_store %arg22[%swap3A_222, %swap3A_223], %min3A_220 {strides = array<i32>} : memref<8x32xi32, #tpu.memory_space<vmem>>, vector<16xi32>,
    %get3A_225 = arith.constant 32 : index
    %get3A_226 = tpu.vector_load %arg14[%get3A_225] {strides = array<i32>} : memref<8192xi32, #tpu.memory_space<vmem>>, vector<16xi32>,
    %jit3A_227 = arith.constant 0 : i32
    %jit3A_228 = arith.constant 65535 : i32
    %max3A_229 = vector.broadcast %jit3A_227 : i32 to vector<16xi32>
    %max3A_230 = arith.maxsi %max3A_229, %get3A_226 : vector<16xi32>
    %min3A_231 = vector.broadcast %jit3A_228 : i32 to vector<16xi32>
    %min3A_232 = arith.minsi %min3A_231, %max3A_230 : vector<16xi32>
    %swap3A_233 = arith.constant 1 : i32
    %swap3A_234 = arith.index_cast %swap3A_233 : i32 to index
    %swap3A_235 = arith.constant 0 : index
    %swap3A_236 = tpu.vector_load %arg22[%swap3A_234, %swap3A_235] {strides = array<i32>} : memref<8x32xi32, #tpu.memory_space<vmem>>, vector<16xi32>,
    tpu.vector_store %arg22[%swap3A_234, %swap3A_235], %min3A_232 {strides = array<i32>} : memref<8x32xi32, #tpu.memory_space<vmem>>, vector<16xi32>,
    %get3A_237 = arith.constant 48 : index
    %get3A_238 = tpu.vector_load %arg14[%get3A_237] {strides = array<i32>} : memref<8192xi32, #tpu.memory_space<vmem>>, vector<16xi32>,
    %jit3A_239 = arith.constant 0 : i32
    %jit3A_240 = arith.constant 65535 : i32
    %max3A_241 = vector.broadcast %jit3A_239 : i32 to vector<16xi32>
    %max3A_242 = arith.maxsi %max3A_241, %get3A_238 : vector<16xi32>
    %min3A_243 = vector.broadcast %jit3A_240 : i32 to vector<16xi32>
    %min3A_244 = arith.minsi %min3A_243, %max3A_242 : vector<16xi32>
    %swap3A_245 = arith.constant 1 : i32
    %swap3A_246 = arith.index_cast %swap3A_245 : i32 to index
    %swap3A_247 = arith.constant 16 : index
    %swap3A_248 = tpu.vector_load %arg22[%swap3A_246, %swap3A_247] {strides = array<i32>} : memref<8x32xi32, #tpu.memory_space<vmem>>, vector<16xi32>,
    tpu.vector_store %arg22[%swap3A_246, %swap3A_247], %min3A_244 {strides = array<i32>} : memref<8x32xi32, #tpu.memory_space<vmem>>, vector<16xi32>,
    %get3A_249 = arith.constant 64 : index
    %get3A_250 = tpu.vector_load %arg14[%get3A_249] {strides = array<i32>} : memref<8192xi32, #tpu.memory_space<vmem>>, vector<16xi32>,
    %jit3A_251 = arith.constant 0 : i32
    %jit3A_252 = arith.constant 65535 : i32
    %max3A_253 = vector.broadcast %jit3A_251 : i32 to vector<16xi32>
    %max3A_254 = arith.maxsi %max3A_253, %get3A_250 : vector<16xi32>
    %min3A_255 = vector.broadcast %jit3A_252 : i32 to vector<16xi32>
    %min3A_256 = arith.minsi %min3A_255, %max3A_254 : vector<16xi32>
    %swap3A_257 = arith.constant 2 : i32
    %swap3A_258 = arith.index_cast %swap3A_257 : i32 to index
    %swap3A_259 = arith.constant 0 : index
    %swap3A_260 = tpu.vector_load %arg22[%swap3A_258, %swap3A_259] {strides = array<i32>} : memref<8x32xi32, #tpu.memory_space<vmem>>, vector<16xi32>,
    tpu.vector_store %arg22[%swap3A_258, %swap3A_259], %min3A_256 {strides = array<i32>} : memref<8x32xi32, #tpu.memory_space<vmem>>, vector<16xi32>,
    %get3A_261 = arith.constant 80 : index
    %get3A_262 = tpu.vector_load %arg14[%get3A_261] {strides = array<i32>} : memref<8192xi32, #tpu.memory_space<vmem>>, vector<16xi32>,
    %jit3A_263 = arith.constant 0 : i32
    %jit3A_264 = arith.constant 65535 : i32
    %max3A_265 = vector.broadcast %jit3A_263 : i32 to vector<16xi32>
    %max3A_266 = arith.maxsi %max3A_265, %get3A_262 : vector<16xi32>
    %min3A_267 = vector.broadcast %jit3A_264 : i32 to vector<16xi32>
    %min3A_268 = arith.minsi %min3A_267, %max3A_266 : vector<16xi32>
    %swap3A_269 = arith.constant 2 : i32
    %swap3A_270 = arith.index_cast %swap3A_269 : i32 to index
    %swap3A_271 = arith.constant 16 : index
    %swap3A_272 = tpu.vector_load %arg22[%swap3A_270, %swap3A_271] {strides = array<i32>} : memref<8x32xi32, #tpu.memory_space<vmem>>, vector<16xi32>,
    tpu.vector_store %arg22[%swap3A_270, %swap3A_271], %min3A_268 {strides = array<i32>} : memref<8x32xi32, #tpu.memory_space<vmem>>, vector<16xi32>,
    %get3A_273 = arith.constant 96 : index
    %get3A_274 = tpu.vector_load %arg14[%get3A_273] {strides = array<i32>} : memref<8192xi32, #tpu.memory_space<vmem>>, vector<16xi32>,
    %jit3A_275 = arith.constant 0 : i32
    %jit3A_276 = arith.constant 65535 : i32
    %max3A_277 = vector.broadcast %jit3A_275 : i32 to vector<16xi32>
    %max3A_278 = arith.maxsi %max3A_277, %get3A_274 : vector<16xi32>
    %min3A_279 = vector.broadcast %jit3A_276 : i32 to vector<16xi32>
    %min3A_280 = arith.minsi %min3A_279, %max3A_278 : vector<16xi32>
    %swap3A_281 = arith.constant 3 : i32
    %swap3A_282 = arith.index_cast %swap3A_281 : i32 to index
    %swap3A_283 = arith.constant 0 : index
    %swap3A_284 = tpu.vector_load %arg22[%swap3A_282, %swap3A_283] {strides = array<i32>} : memref<8x32xi32, #tpu.memory_space<vmem>>, vector<16xi32>,
    tpu.vector_store %arg22[%swap3A_282, %swap3A_283], %min3A_280 {strides = array<i32>} : memref<8x32xi32, #tpu.memory_space<vmem>>, vector<16xi32>,
    %get3A_285 = arith.constant 112 : index
    %get3A_286 = tpu.vector_load %arg14[%get3A_285] {strides = array<i32>} : memref<8192xi32, #tpu.memory_space<vmem>>, vector<16xi32>,
    %jit3A_287 = arith.constant 0 : i32
    %jit3A_288 = arith.constant 65535 : i32
    %max3A_289 = vector.broadcast %jit3A_287 : i32 to vector<16xi32>
    %max3A_290 = arith.maxsi %max3A_289, %get3A_286 : vector<16xi32>
    %min3A_291 = vector.broadcast %jit3A_288 : i32 to vector<16xi32>
    %min3A_292 = arith.minsi %min3A_291, %max3A_290 : vector<16xi32>
    %swap3A_293 = arith.constant 3 : i32
    %swap3A_294 = arith.index_cast %swap3A_293 : i32 to index
    %swap3A_295 = arith.constant 16 : index
    %swap3A_296 = tpu.vector_load %arg22[%swap3A_294, %swap3A_295] {strides = array<i32>} : memref<8x32xi32, #tpu.memory_space<vmem>>, vector<16xi32>,
    tpu.vector_store %arg22[%swap3A_294, %swap3A_295], %min3A_292 {strides = array<i32>} : memref<8x32xi32, #tpu.memory_space<vmem>>, vector<16xi32>,
    %get3A_297 = arith.constant 128 : index
    %get3A_298 = tpu.vector_load %arg14[%get3A_297] {strides = array<i32>} : memref<8192xi32, #tpu.memory_space<vmem>>, vector<16xi32>,
    %jit3A_299 = arith.constant 0 : i32
    %jit3A_300 = arith.constant 65535 : i32
    %max3A_301 = vector.broadcast %jit3A_299 : i32 to vector<16xi32>
    %max3A_302 = arith.maxsi %max3A_301, %get3A_298 : vector<16xi32>
    %min3A_303 = vector.broadcast %jit3A_300 : i32 to vector<16xi32>
    %min3A_304 = arith.minsi %min3A_303, %max3A_302 : vector<16xi32>
    %swap3A_305 = arith.constant 4 : i32
    %swap3A_306 = arith.index_cast %swap3A_305 : i32 to index
    %swap3A_307 = arith.constant 0 : index
    %swap3A_308 = tpu.vector_load %arg22[%swap3A_306, %swap3A_307] {strides = array<i32>} : memref<8x32xi32, #tpu.memory_space<vmem>>, vector<16xi32>,
    tpu.vector_store %arg22[%swap3A_306, %swap3A_307], %min3A_304 {strides = array<i32>} : memref<8x32xi32, #tpu.memory_space<vmem>>, vector<16xi32>,
    %get3A_309 = arith.constant 144 : index
    %get3A_310 = tpu.vector_load %arg14[%get3A_309] {strides = array<i32>} : memref<8192xi32, #tpu.memory_space<vmem>>, vector<16xi32>,
    %jit3A_311 = arith.constant 0 : i32
    %jit3A_312 = arith.constant 65535 : i32
    %max3A_313 = vector.broadcast %jit3A_311 : i32 to vector<16xi32>
    %max3A_314 = arith.maxsi %max3A_313, %get3A_310 : vector<16xi32>
    %min3A_315 = vector.broadcast %jit3A_312 : i32 to vector<16xi32>
    %min3A_316 = arith.minsi %min3A_315, %max3A_314 : vector<16xi32>
    %swap3A_317 = arith.constant 4 : i32
    %swap3A_318 = arith.index_cast %swap3A_317 : i32 to index
    %swap3A_319 = arith.constant 16 : index
    %swap3A_320 = tpu.vector_load %arg22[%swap3A_318, %swap3A_319] {strides = array<i32>} : memref<8x32xi32, #tpu.memory_space<vmem>>, vector<16xi32>,
    tpu.vector_store %arg22[%swap3A_318, %swap3A_319], %min3A_316 {strides = array<i32>} : memref<8x32xi32, #tpu.memory_space<vmem>>, vector<16xi32>,
    %get3A_321 = arith.constant 160 : index
    %get3A_322 = tpu.vector_load %arg14[%get3A_321] {strides = array<i32>} : memref<8192xi32, #tpu.memory_space<vmem>>, vector<16xi32>,
    %jit3A_323 = arith.constant 0 : i32
    %jit3A_324 = arith.constant 65535 : i32
    %max3A_325 = vector.broadcast %jit3A_323 : i32 to vector<16xi32>
    %max3A_326 = arith.maxsi %max3A_325, %get3A_322 : vector<16xi32>
    %min3A_327 = vector.broadcast %jit3A_324 : i32 to vector<16xi32>
    %min3A_328 = arith.minsi %min3A_327, %max3A_326 : vector<16xi32>
    %swap3A_329 = arith.constant 5 : i32
    %swap3A_330 = arith.index_cast %swap3A_329 : i32 to index
    %swap3A_331 = arith.constant 0 : index
    %swap3A_332 = tpu.vector_load %arg22[%swap3A_330, %swap3A_331] {strides = array<i32>} : memref<8x32xi32, #tpu.memory_space<vmem>>, vector<16xi32>,
    tpu.vector_store %arg22[%swap3A_330, %swap3A_331], %min3A_328 {strides = array<i32>} : memref<8x32xi32, #tpu.memory_space<vmem>>, vector<16xi32>,
    %get3A_333 = arith.constant 176 : index
    %get3A_334 = tpu.vector_load %arg14[%get3A_333] {strides = array<i32>} : memref<8192xi32, #tpu.memory_space<vmem>>, vector<16xi32>,
    %jit3A_335 = arith.constant 0 : i32
    %jit3A_336 = arith.constant 65535 : i32
    %max3A_337 = vector.broadcast %jit3A_335 : i32 to vector<16xi32>
    %max3A_338 = arith.maxsi %max3A_337, %get3A_334 : vector<16xi32>
    %min3A_339 = vector.broadcast %jit3A_336 : i32 to vector<16xi32>
    %min3A_340 = arith.minsi %min3A_339, %max3A_338 : vector<16xi32>
    %swap3A_341 = arith.constant 5 : i32
    %swap3A_342 = arith.index_cast %swap3A_341 : i32 to index
    %swap3A_343 = arith.constant 16 : index
    %swap3A_344 = tpu.vector_load %arg22[%swap3A_342, %swap3A_343] {strides = array<i32>} : memref<8x32xi32, #tpu.memory_space<vmem>>, vector<16xi32>,
    tpu.vector_store %arg22[%swap3A_342, %swap3A_343], %min3A_340 {strides = array<i32>} : memref<8x32xi32, #tpu.memory_space<vmem>>, vector<16xi32>,
    %get3A_345 = arith.constant 192 : index
    %get3A_346 = tpu.vector_load %arg14[%get3A_345] {strides = array<i32>} : memref<8192xi32, #tpu.memory_space<vmem>>, vector<16xi32>,
    %jit3A_347 = arith.constant 0 : i32
    %jit3A_348 = arith.constant 65535 : i32
    %max3A_349 = vector.broadcast %jit3A_347 : i32 to vector<16xi32>
    %max3A_350 = arith.maxsi %max3A_349, %get3A_346 : vector<16xi32>
    %min3A_351 = vector.broadcast %jit3A_348 : i32 to vector<16xi32>
    %min3A_352 = arith.minsi %min3A_351, %max3A_350 : vector<16xi32>
    %swap3A_353 = arith.constant 6 : i32
    %swap3A_354 = arith.index_cast %swap3A_353 : i32 to index
    %swap3A_355 = arith.constant 0 : index
    %swap3A_356 = tpu.vector_load %arg22[%swap3A_354, %swap3A_355] {strides = array<i32>} : memref<8x32xi32, #tpu.memory_space<vmem>>, vector<16xi32>,
    tpu.vector_store %arg22[%swap3A_354, %swap3A_355], %min3A_352 {strides = array<i32>} : memref<8x32xi32, #tpu.memory_space<vmem>>, vector<16xi32>,
    %get3A_357 = arith.constant 208 : index
    %get3A_358 = tpu.vector_load %arg14[%get3A_357] {strides = array<i32>} : memref<8192xi32, #tpu.memory_space<vmem>>, vector<16xi32>,
    %jit3A_359 = arith.constant 0 : i32
    %jit3A_360 = arith.constant 65535 : i32
    %max3A_361 = vector.broadcast %jit3A_359 : i32 to vector<16xi32>
    %max3A_362 = arith.maxsi %max3A_361, %get3A_358 : vector<16xi32>
    %min3A_363 = vector.broadcast %jit3A_360 : i32 to vector<16xi32>
    %min3A_364 = arith.minsi %min3A_363, %max3A_362 : vector<16xi32>
    %swap3A_365 = arith.constant 6 : i32
    %swap3A_366 = arith.index_cast %swap3A_365 : i32 to index
    %swap3A_367 = arith.constant 16 : index
    %swap3A_368 = tpu.vector_load %arg22[%swap3A_366, %swap3A_367] {strides = array<i32>} : memref<8x32xi32, #tpu.memory_space<vmem>>, vector<16xi32>,
    tpu.vector_store %arg22[%swap3A_366, %swap3A_367], %min3A_364 {strides = array<i32>} : memref<8x32xi32, #tpu.memory_space<vmem>>, vector<16xi32>,
    %get3A_369 = arith.constant 224 : index
    %get3A_370 = tpu.vector_load %arg14[%get3A_369] {strides = array<i32>} : memref<8192xi32, #tpu.memory_space<vmem>>, vector<16xi32>,
    %jit3A_371 = arith.constant 0 : i32
    %jit3A_372 = arith.constant 65535 : i32
    %max3A_373 = vector.broadcast %jit3A_371 : i32 to vector<16xi32>
    %max3A_374 = arith.maxsi %max3A_373, %get3A_370 : vector<16xi32>
    %min3A_375 = vector.broadcast %jit3A_372 : i32 to vector<16xi32>
    %min3A_376 = arith.minsi %min3A_375, %max3A_374 : vector<16xi32>
    %swap3A_377 = arith.constant 7 : i32
    %swap3A_378 = arith.index_cast %swap3A_377 : i32 to index
    %swap3A_379 = arith.constant 0 : index
    %swap3A_380 = tpu.vector_load %arg22[%swap3A_378, %swap3A_379] {strides = array<i32>} : memref<8x32xi32, #tpu.memory_space<vmem>>, vector<16xi32>,
    tpu.vector_store %arg22[%swap3A_378, %swap3A_379], %min3A_376 {strides = array<i32>} : memref<8x32xi32, #tpu.memory_space<vmem>>, vector<16xi32>,
    %get3A_381 = arith.constant 240 : index
    %get3A_382 = tpu.vector_load %arg14[%get3A_381] {strides = array<i32>} : memref<8192xi32, #tpu.memory_space<vmem>>, vector<16xi32>,
    %jit3A_383 = arith.constant 0 : i32
    %jit3A_384 = arith.constant 65535 : i32
    %max3A_385 = vector.broadcast %jit3A_383 : i32 to vector<16xi32>
    %max3A_386 = arith.maxsi %max3A_385, %get3A_382 : vector<16xi32>
    %min3A_387 = vector.broadcast %jit3A_384 : i32 to vector<16xi32>
    %min3A_388 = arith.minsi %min3A_387, %max3A_386 : vector<16xi32>
    %swap3A_389 = arith.constant 7 : i32
    %swap3A_390 = arith.index_cast %swap3A_389 : i32 to index
    %swap3A_391 = arith.constant 16 : index
    %swap3A_392 = tpu.vector_load %arg22[%swap3A_390, %swap3A_391] {strides = array<i32>} : memref<8x32xi32, #tpu.memory_space<vmem>>, vector<16xi32>,
    tpu.vector_store %arg22[%swap3A_390, %swap3A_391], %min3A_388 {strides = array<i32>} : memref<8x32xi32, #tpu.memory_space<vmem>>, vector<16xi32>,
    "tpu.trace_stop"() : () -> ()
    "tpu.trace_start"() <{level = 10 : i32, message = "b_gather"}> : () -> ()
    %dma_start3A = arith.constant 0 : i32
    %dma_start3A_393 = arith.constant 0 : i32
    %dma_start3A_394 = tpu.memref_slice %arg4[%add3A, %dma_start3A, %dma_start3A_393] : memref<4x65536x64xf32, #tpu.memory_space<hbm>> -> memref<1x65536x64xf32, #tpu.memory_space<hbm>>
    %dma_start3A_395 = tpu.memref_squeeze %dma_start3A_394 : memref<1x65536x64xf32, #tpu.memory_space<hbm>> -> memref<65536x64xf32, #tpu.memory_space<hbm>>
    %dma_start3A_396 = arith.constant 0 : i32
    %dma_start3A_397 = arith.constant 0 : i32
    %dma_start3A_398 = tpu.memref_slice %dma_start3A_395[%dma_start3A_396, %dma_start3A_397] : memref<65536x64xf32, #tpu.memory_space<hbm>> -> memref<65536x64xf32, #tpu.memory_space<hbm>>
    tpu.enqueue_indirect_dma source(%dma_start3A_398 : memref<65536x64xf32, #tpu.memory_space<hbm>>) target(%arg20 : memref<32x64xf32, #tpu.memory_space<vmem>>) offsets(%arg19 : memref<32xi32, #tpu.memory_space<vmem>>) semaphore(%arg25 : memref<!tpu.dma_semaphore, #tpu.memory_space<semaphore_mem>>)
    %dma_start3A_399 = arith.constant 0 : i32
    %dma_start3A_400 = tpu.memref_slice %arg5[%add3A, %dma_start3A_399] : memref<4x65536xf32, #tpu.memory_space<hbm>> -> memref<1x65536xf32, #tpu.memory_space<hbm>>
    %dma_start3A_401 = tpu.memref_squeeze %dma_start3A_400 : memref<1x65536xf32, #tpu.memory_space<hbm>> -> memref<65536xf32, #tpu.memory_space<hbm>>
    %dma_start3A_402 = arith.constant 0 : i32
    %dma_start3A_403 = tpu.memref_slice %dma_start3A_401[%dma_start3A_402] : memref<65536xf32, #tpu.memory_space<hbm>> -> memref<65536xf32, #tpu.memory_space<hbm>>
    tpu.enqueue_indirect_dma source(%dma_start3A_403 : memref<65536xf32, #tpu.memory_space<hbm>>) target(%arg21 : memref<32xf32, #tpu.memory_space<vmem>>) offsets(%arg19 : memref<32xi32, #tpu.memory_space<vmem>>) semaphore(%arg26 : memref<!tpu.dma_semaphore, #tpu.memory_space<semaphore_mem>>)
    %dma_start3A_404 = arith.constant 0 : i32
    %dma_start3A_405 = arith.constant 0 : i32
    %dma_start3A_406 = arith.constant 0 : i32
    %dma_start3A_407 = tpu.memref_slice %arg23[%dma_start3A_405, %dma_start3A_406] : memref<256x64xf32, #tpu.memory_space<vmem>> -> memref<32x64xf32, #tpu.memory_space<vmem>>
    %dma_start3A_408 = arith.constant 0 : i32
    %dma_start3A_409 = tpu.memref_slice %arg22[%dma_start3A_404, %dma_start3A_408] : memref<8x32xi32, #tpu.memory_space<vmem>> -> memref<1x32xi32, #tpu.memory_space<vmem>>
    %dma_start3A_410 = tpu.memref_squeeze %dma_start3A_409 : memref<1x32xi32, #tpu.memory_space<vmem>> -> memref<32xi32, #tpu.memory_space<vmem>>
    %dma_start3A_411 = arith.constant 0 : i32
    %dma_start3A_412 = arith.constant 0 : i32
    %dma_start3A_413 = tpu.memref_slice %arg4[%add3A, %dma_start3A_411, %dma_start3A_412] : memref<4x65536x64xf32, #tpu.memory_space<hbm>> -> memref<1x65536x64xf32, #tpu.memory_space<hbm>>
    %dma_start3A_414 = tpu.memref_squeeze %dma_start3A_413 : memref<1x65536x64xf32, #tpu.memory_space<hbm>> -> memref<65536x64xf32, #tpu.memory_space<hbm>>
    %dma_start3A_415 = arith.constant 0 : i32
    %dma_start3A_416 = arith.constant 0 : i32
    %dma_start3A_417 = tpu.memref_slice %dma_start3A_414[%dma_start3A_415, %dma_start3A_416] : memref<65536x64xf32, #tpu.memory_space<hbm>> -> memref<65536x64xf32, #tpu.memory_space<hbm>>
    tpu.enqueue_indirect_dma source(%dma_start3A_417 : memref<65536x64xf32, #tpu.memory_space<hbm>>) target(%dma_start3A_407 : memref<32x64xf32, #tpu.memory_space<vmem>>) offsets(%dma_start3A_410 : memref<32xi32, #tpu.memory_space<vmem>>) semaphore(%arg27 : memref<!tpu.dma_semaphore, #tpu.memory_space<semaphore_mem>>)
    %dma_start3A_418 = arith.constant 1 : i32
    %dma_start3A_419 = arith.constant 32 : i32
    %dma_start3A_420 = arith.constant 0 : i32
    %dma_start3A_421 = tpu.memref_slice %arg23[%dma_start3A_419, %dma_start3A_420] : memref<256x64xf32, #tpu.memory_space<vmem>> -> memref<32x64xf32, #tpu.memory_space<vmem>>
    %dma_start3A_422 = arith.constant 0 : i32
    %dma_start3A_423 = tpu.memref_slice %arg22[%dma_start3A_418, %dma_start3A_422] : memref<8x32xi32, #tpu.memory_space<vmem>> -> memref<1x32xi32, #tpu.memory_space<vmem>>
    %dma_start3A_424 = tpu.memref_squeeze %dma_start3A_423 : memref<1x32xi32, #tpu.memory_space<vmem>> -> memref<32xi32, #tpu.memory_space<vmem>>
    %dma_start3A_425 = arith.constant 0 : i32
    %dma_start3A_426 = arith.constant 0 : i32
    %dma_start3A_427 = tpu.memref_slice %arg4[%add3A, %dma_start3A_425, %dma_start3A_426] : memref<4x65536x64xf32, #tpu.memory_space<hbm>> -> memref<1x65536x64xf32, #tpu.memory_space<hbm>>
    %dma_start3A_428 = tpu.memref_squeeze %dma_start3A_427 : memref<1x65536x64xf32, #tpu.memory_space<hbm>> -> memref<65536x64xf32, #tpu.memory_space<hbm>>
    %dma_start3A_429 = arith.constant 0 : i32
    %dma_start3A_430 = arith.constant 0 : i32
    %dma_start3A_431 = tpu.memref_slice %dma_start3A_428[%dma_start3A_429, %dma_start3A_430] : memref<65536x64xf32, #tpu.memory_space<hbm>> -> memref<65536x64xf32, #tpu.memory_space<hbm>>
    tpu.enqueue_indirect_dma source(%dma_start3A_431 : memref<65536x64xf32, #tpu.memory_space<hbm>>) target(%dma_start3A_421 : memref<32x64xf32, #tpu.memory_space<vmem>>) offsets(%dma_start3A_424 : memref<32xi32, #tpu.memory_space<vmem>>) semaphore(%arg27 : memref<!tpu.dma_semaphore, #tpu.memory_space<semaphore_mem>>)
    %dma_start3A_432 = arith.constant 2 : i32
    %dma_start3A_433 = arith.constant 64 : i32
    %dma_start3A_434 = arith.constant 0 : i32
    %dma_start3A_435 = tpu.memref_slice %arg23[%dma_start3A_433, %dma_start3A_434] : memref<256x64xf32, #tpu.memory_space<vmem>> -> memref<32x64xf32, #tpu.memory_space<vmem>>
    %dma_start3A_436 = arith.constant 0 : i32
    %dma_start3A_437 = tpu.memref_slice %arg22[%dma_start3A_432, %dma_start3A_436] : memref<8x32xi32, #tpu.memory_space<vmem>> -> memref<1x32xi32, #tpu.memory_space<vmem>>
    %dma_start3A_438 = tpu.memref_squeeze %dma_start3A_437 : memref<1x32xi32, #tpu.memory_space<vmem>> -> memref<32xi32, #tpu.memory_space<vmem>>
    %dma_start3A_439 = arith.constant 0 : i32
    %dma_start3A_440 = arith.constant 0 : i32
    %dma_start3A_441 = tpu.memref_slice %arg4[%add3A, %dma_start3A_439, %dma_start3A_440] : memref<4x65536x64xf32, #tpu.memory_space<hbm>> -> memref<1x65536x64xf32, #tpu.memory_space<hbm>>
    %dma_start3A_442 = tpu.memref_squeeze %dma_start3A_441 : memref<1x65536x64xf32, #tpu.memory_space<hbm>> -> memref<65536x64xf32, #tpu.memory_space<hbm>>
    %dma_start3A_443 = arith.constant 0 : i32
    %dma_start3A_444 = arith.constant 0 : i32
    %dma_start3A_445 = tpu.memref_slice %dma_start3A_442[%dma_start3A_443, %dma_start3A_444] : memref<65536x64xf32, #tpu.memory_space<hbm>> -> memref<65536x64xf32, #tpu.memory_space<hbm>>
    tpu.enqueue_indirect_dma source(%dma_start3A_445 : memref<65536x64xf32, #tpu.memory_space<hbm>>) target(%dma_start3A_435 : memref<32x64xf32, #tpu.memory_space<vmem>>) offsets(%dma_start3A_438 : memref<32xi32, #tpu.memory_space<vmem>>) semaphore(%arg27 : memref<!tpu.dma_semaphore, #tpu.memory_space<semaphore_mem>>)
    %dma_start3A_446 = arith.constant 3 : i32
    %dma_start3A_447 = arith.constant 96 : i32
    %dma_start3A_448 = arith.constant 0 : i32
    %dma_start3A_449 = tpu.memref_slice %arg23[%dma_start3A_447, %dma_start3A_448] : memref<256x64xf32, #tpu.memory_space<vmem>> -> memref<32x64xf32, #tpu.memory_space<vmem>>
    %dma_start3A_450 = arith.constant 0 : i32
    %dma_start3A_451 = tpu.memref_slice %arg22[%dma_start3A_446, %dma_start3A_450] : memref<8x32xi32, #tpu.memory_space<vmem>> -> memref<1x32xi32, #tpu.memory_space<vmem>>
    %dma_start3A_452 = tpu.memref_squeeze %dma_start3A_451 : memref<1x32xi32, #tpu.memory_space<vmem>> -> memref<32xi32, #tpu.memory_space<vmem>>
    %dma_start3A_453 = arith.constant 0 : i32
    %dma_start3A_454 = arith.constant 0 : i32
    %dma_start3A_455 = tpu.memref_slice %arg4[%add3A, %dma_start3A_453, %dma_start3A_454] : memref<4x65536x64xf32, #tpu.memory_space<hbm>> -> memref<1x65536x64xf32, #tpu.memory_space<hbm>>
    %dma_start3A_456 = tpu.memref_squeeze %dma_start3A_455 : memref<1x65536x64xf32, #tpu.memory_space<hbm>> -> memref<65536x64xf32, #tpu.memory_space<hbm>>
    %dma_start3A_457 = arith.constant 0 : i32
    %dma_start3A_458 = arith.constant 0 : i32
    %dma_start3A_459 = tpu.memref_slice %dma_start3A_456[%dma_start3A_457, %dma_start3A_458] : memref<65536x64xf32, #tpu.memory_space<hbm>> -> memref<65536x64xf32, #tpu.memory_space<hbm>>
    tpu.enqueue_indirect_dma source(%dma_start3A_459 : memref<65536x64xf32, #tpu.memory_space<hbm>>) target(%dma_start3A_449 : memref<32x64xf32, #tpu.memory_space<vmem>>) offsets(%dma_start3A_452 : memref<32xi32, #tpu.memory_space<vmem>>) semaphore(%arg27 : memref<!tpu.dma_semaphore, #tpu.memory_space<semaphore_mem>>)
    %dma_start3A_460 = arith.constant 4 : i32
    %dma_start3A_461 = arith.constant 128 : i32
    %dma_start3A_462 = arith.constant 0 : i32
    %dma_start3A_463 = tpu.memref_slice %arg23[%dma_start3A_461, %dma_start3A_462] : memref<256x64xf32, #tpu.memory_space<vmem>> -> memref<32x64xf32, #tpu.memory_space<vmem>>
    %dma_start3A_464 = arith.constant 0 : i32
    %dma_start3A_465 = tpu.memref_slice %arg22[%dma_start3A_460, %dma_start3A_464] : memref<8x32xi32, #tpu.memory_space<vmem>> -> memref<1x32xi32, #tpu.memory_space<vmem>>
    %dma_start3A_466 = tpu.memref_squeeze %dma_start3A_465 : memref<1x32xi32, #tpu.memory_space<vmem>> -> memref<32xi32, #tpu.memory_space<vmem>>
    %dma_start3A_467 = arith.constant 0 : i32
    %dma_start3A_468 = arith.constant 0 : i32
    %dma_start3A_469 = tpu.memref_slice %arg4[%add3A, %dma_start3A_467, %dma_start3A_468] : memref<4x65536x64xf32, #tpu.memory_space<hbm>> -> memref<1x65536x64xf32, #tpu.memory_space<hbm>>
    %dma_start3A_470 = tpu.memref_squeeze %dma_start3A_469 : memref<1x65536x64xf32, #tpu.memory_space<hbm>> -> memref<65536x64xf32, #tpu.memory_space<hbm>>
    %dma_start3A_471 = arith.constant 0 : i32
    %dma_start3A_472 = arith.constant 0 : i32
    %dma_start3A_473 = tpu.memref_slice %dma_start3A_470[%dma_start3A_471, %dma_start3A_472] : memref<65536x64xf32, #tpu.memory_space<hbm>> -> memref<65536x64xf32, #tpu.memory_space<hbm>>
    tpu.enqueue_indirect_dma source(%dma_start3A_473 : memref<65536x64xf32, #tpu.memory_space<hbm>>) target(%dma_start3A_463 : memref<32x64xf32, #tpu.memory_space<vmem>>) offsets(%dma_start3A_466 : memref<32xi32, #tpu.memory_space<vmem>>) semaphore(%arg27 : memref<!tpu.dma_semaphore, #tpu.memory_space<semaphore_mem>>)
    %dma_start3A_474 = arith.constant 5 : i32
    %dma_start3A_475 = arith.constant 160 : i32
    %dma_start3A_476 = arith.constant 0 : i32
    %dma_start3A_477 = tpu.memref_slice %arg23[%dma_start3A_475, %dma_start3A_476] : memref<256x64xf32, #tpu.memory_space<vmem>> -> memref<32x64xf32, #tpu.memory_space<vmem>>
    %dma_start3A_478 = arith.constant 0 : i32
    %dma_start3A_479 = tpu.memref_slice %arg22[%dma_start3A_474, %dma_start3A_478] : memref<8x32xi32, #tpu.memory_space<vmem>> -> memref<1x32xi32, #tpu.memory_space<vmem>>
    %dma_start3A_480 = tpu.memref_squeeze %dma_start3A_479 : memref<1x32xi32, #tpu.memory_space<vmem>> -> memref<32xi32, #tpu.memory_space<vmem>>
    %dma_start3A_481 = arith.constant 0 : i32
    %dma_start3A_482 = arith.constant 0 : i32
    %dma_start3A_483 = tpu.memref_slice %arg4[%add3A, %dma_start3A_481, %dma_start3A_482] : memref<4x65536x64xf32, #tpu.memory_space<hbm>> -> memref<1x65536x64xf32, #tpu.memory_space<hbm>>
    %dma_start3A_484 = tpu.memref_squeeze %dma_start3A_483 : memref<1x65536x64xf32, #tpu.memory_space<hbm>> -> memref<65536x64xf32, #tpu.memory_space<hbm>>
    %dma_start3A_485 = arith.constant 0 : i32
    %dma_start3A_486 = arith.constant 0 : i32
    %dma_start3A_487 = tpu.memref_slice %dma_start3A_484[%dma_start3A_485, %dma_start3A_486] : memref<65536x64xf32, #tpu.memory_space<hbm>> -> memref<65536x64xf32, #tpu.memory_space<hbm>>
    tpu.enqueue_indirect_dma source(%dma_start3A_487 : memref<65536x64xf32, #tpu.memory_space<hbm>>) target(%dma_start3A_477 : memref<32x64xf32, #tpu.memory_space<vmem>>) offsets(%dma_start3A_480 : memref<32xi32, #tpu.memory_space<vmem>>) semaphore(%arg27 : memref<!tpu.dma_semaphore, #tpu.memory_space<semaphore_mem>>)
    %dma_start3A_488 = arith.constant 6 : i32
    %dma_start3A_489 = arith.constant 192 : i32
    %dma_start3A_490 = arith.constant 0 : i32
    %dma_start3A_491 = tpu.memref_slice %arg23[%dma_start3A_489, %dma_start3A_490] : memref<256x64xf32, #tpu.memory_space<vmem>> -> memref<32x64xf32, #tpu.memory_space<vmem>>
    %dma_start3A_492 = arith.constant 0 : i32
    %dma_start3A_493 = tpu.memref_slice %arg22[%dma_start3A_488, %dma_start3A_492] : memref<8x32xi32, #tpu.memory_space<vmem>> -> memref<1x32xi32, #tpu.memory_space<vmem>>
    %dma_start3A_494 = tpu.memref_squeeze %dma_start3A_493 : memref<1x32xi32, #tpu.memory_space<vmem>> -> memref<32xi32, #tpu.memory_space<vmem>>
    %dma_start3A_495 = arith.constant 0 : i32
    %dma_start3A_496 = arith.constant 0 : i32
    %dma_start3A_497 = tpu.memref_slice %arg4[%add3A, %dma_start3A_495, %dma_start3A_496] : memref<4x65536x64xf32, #tpu.memory_space<hbm>> -> memref<1x65536x64xf32, #tpu.memory_space<hbm>>
    %dma_start3A_498 = tpu.memref_squeeze %dma_start3A_497 : memref<1x65536x64xf32, #tpu.memory_space<hbm>> -> memref<65536x64xf32, #tpu.memory_space<hbm>>
    %dma_start3A_499 = arith.constant 0 : i32
    %dma_start3A_500 = arith.constant 0 : i32
    %dma_start3A_501 = tpu.memref_slice %dma_start3A_498[%dma_start3A_499, %dma_start3A_500] : memref<65536x64xf32, #tpu.memory_space<hbm>> -> memref<65536x64xf32, #tpu.memory_space<hbm>>
    tpu.enqueue_indirect_dma source(%dma_start3A_501 : memref<65536x64xf32, #tpu.memory_space<hbm>>) target(%dma_start3A_491 : memref<32x64xf32, #tpu.memory_space<vmem>>) offsets(%dma_start3A_494 : memref<32xi32, #tpu.memory_space<vmem>>) semaphore(%arg27 : memref<!tpu.dma_semaphore, #tpu.memory_space<semaphore_mem>>)
    %dma_start3A_502 = arith.constant 7 : i32
    %dma_start3A_503 = arith.constant 224 : i32
    %dma_start3A_504 = arith.constant 0 : i32
    %dma_start3A_505 = tpu.memref_slice %arg23[%dma_start3A_503, %dma_start3A_504] : memref<256x64xf32, #tpu.memory_space<vmem>> -> memref<32x64xf32, #tpu.memory_space<vmem>>
    %dma_start3A_506 = arith.constant 0 : i32
    %dma_start3A_507 = tpu.memref_slice %arg22[%dma_start3A_502, %dma_start3A_506] : memref<8x32xi32, #tpu.memory_space<vmem>> -> memref<1x32xi32, #tpu.memory_space<vmem>>
    %dma_start3A_508 = tpu.memref_squeeze %dma_start3A_507 : memref<1x32xi32, #tpu.memory_space<vmem>> -> memref<32xi32, #tpu.memory_space<vmem>>
    %dma_start3A_509 = arith.constant 0 : i32
    %dma_start3A_510 = arith.constant 0 : i32
    %dma_start3A_511 = tpu.memref_slice %arg4[%add3A, %dma_start3A_509, %dma_start3A_510] : memref<4x65536x64xf32, #tpu.memory_space<hbm>> -> memref<1x65536x64xf32, #tpu.memory_space<hbm>>
    %dma_start3A_512 = tpu.memref_squeeze %dma_start3A_511 : memref<1x65536x64xf32, #tpu.memory_space<hbm>> -> memref<65536x64xf32, #tpu.memory_space<hbm>>
    %dma_start3A_513 = arith.constant 0 : i32
    %dma_start3A_514 = arith.constant 0 : i32
    %dma_start3A_515 = tpu.memref_slice %dma_start3A_512[%dma_start3A_513, %dma_start3A_514] : memref<65536x64xf32, #tpu.memory_space<hbm>> -> memref<65536x64xf32, #tpu.memory_space<hbm>>
    tpu.enqueue_indirect_dma source(%dma_start3A_515 : memref<65536x64xf32, #tpu.memory_space<hbm>>) target(%dma_start3A_505 : memref<32x64xf32, #tpu.memory_space<vmem>>) offsets(%dma_start3A_508 : memref<32xi32, #tpu.memory_space<vmem>>) semaphore(%arg27 : memref<!tpu.dma_semaphore, #tpu.memory_space<semaphore_mem>>)
    %dma_wait3A = arith.constant 0 : i32
    %dma_wait3A_516 = arith.constant 0 : i32
    %dma_wait3A_517 = tpu.memref_slice %arg4[%add3A, %dma_wait3A, %dma_wait3A_516] : memref<4x65536x64xf32, #tpu.memory_space<hbm>> -> memref<1x65536x64xf32, #tpu.memory_space<hbm>>
    %dma_wait3A_518 = tpu.memref_squeeze %dma_wait3A_517 : memref<1x65536x64xf32, #tpu.memory_space<hbm>> -> memref<65536x64xf32, #tpu.memory_space<hbm>>
    %dma_wait3A_519 = arith.constant 0 : i32
    %dma_wait3A_520 = arith.constant 0 : i32
    %dma_wait3A_521 = tpu.memref_slice %dma_wait3A_518[%dma_wait3A_519, %dma_wait3A_520] : memref<65536x64xf32, #tpu.memory_space<hbm>> -> memref<65536x64xf32, #tpu.memory_space<hbm>>
    tpu.wait_indirect_dma semaphore(%arg25 : memref<!tpu.dma_semaphore, #tpu.memory_space<semaphore_mem>>) src(%dma_wait3A_521 : memref<65536x64xf32, #tpu.memory_space<hbm>>) dst(%arg20 : memref<32x64xf32, #tpu.memory_space<vmem>>)
    %dma_wait3A_522 = arith.constant 0 : i32
    %dma_wait3A_523 = tpu.memref_slice %arg5[%add3A, %dma_wait3A_522] : memref<4x65536xf32, #tpu.memory_space<hbm>> -> memref<1x65536xf32, #tpu.memory_space<hbm>>
    %dma_wait3A_524 = tpu.memref_squeeze %dma_wait3A_523 : memref<1x65536xf32, #tpu.memory_space<hbm>> -> memref<65536xf32, #tpu.memory_space<hbm>>
    %dma_wait3A_525 = arith.constant 0 : i32
    %dma_wait3A_526 = tpu.memref_slice %dma_wait3A_524[%dma_wait3A_525] : memref<65536xf32, #tpu.memory_space<hbm>> -> memref<65536xf32, #tpu.memory_space<hbm>>
    tpu.wait_indirect_dma semaphore(%arg26 : memref<!tpu.dma_semaphore, #tpu.memory_space<semaphore_mem>>) src(%dma_wait3A_526 : memref<65536xf32, #tpu.memory_space<hbm>>) dst(%arg21 : memref<32xf32, #tpu.memory_space<vmem>>)
    %dma_wait3A_527 = arith.constant 0 : i32
    %dma_wait3A_528 = arith.constant 0 : i32
    %dma_wait3A_529 = arith.constant 0 : i32
    %dma_wait3A_530 = tpu.memref_slice %arg23[%dma_wait3A_528, %dma_wait3A_529] : memref<256x64xf32, #tpu.memory_space<vmem>> -> memref<32x64xf32, #tpu.memory_space<vmem>>
    %dma_wait3A_531 = arith.constant 0 : i32
    %dma_wait3A_532 = tpu.memref_slice %arg22[%dma_wait3A_527, %dma_wait3A_531] : memref<8x32xi32, #tpu.memory_space<vmem>> -> memref<1x32xi32, #tpu.memory_space<vmem>>
    %dma_wait3A_533 = tpu.memref_squeeze %dma_wait3A_532 : memref<1x32xi32, #tpu.memory_space<vmem>> -> memref<32xi32, #tpu.memory_space<vmem>>
    %dma_wait3A_534 = arith.constant 0 : i32
    %dma_wait3A_535 = arith.constant 0 : i32
    %dma_wait3A_536 = tpu.memref_slice %arg4[%add3A, %dma_wait3A_534, %dma_wait3A_535] : memref<4x65536x64xf32, #tpu.memory_space<hbm>> -> memref<1x65536x64xf32, #tpu.memory_space<hbm>>
    %dma_wait3A_537 = tpu.memref_squeeze %dma_wait3A_536 : memref<1x65536x64xf32, #tpu.memory_space<hbm>> -> memref<65536x64xf32, #tpu.memory_space<hbm>>
    %dma_wait3A_538 = arith.constant 0 : i32
    %dma_wait3A_539 = arith.constant 0 : i32
    %dma_wait3A_540 = tpu.memref_slice %dma_wait3A_537[%dma_wait3A_538, %dma_wait3A_539] : memref<65536x64xf32, #tpu.memory_space<hbm>> -> memref<65536x64xf32, #tpu.memory_space<hbm>>
    tpu.wait_indirect_dma semaphore(%arg27 : memref<!tpu.dma_semaphore, #tpu.memory_space<semaphore_mem>>) src(%dma_wait3A_540 : memref<65536x64xf32, #tpu.memory_space<hbm>>) dst(%dma_wait3A_530 : memref<32x64xf32, #tpu.memory_space<vmem>>)
    %dma_wait3A_541 = arith.constant 1 : i32
    %dma_wait3A_542 = arith.constant 32 : i32
    %dma_wait3A_543 = arith.constant 0 : i32
    %dma_wait3A_544 = tpu.memref_slice %arg23[%dma_wait3A_542, %dma_wait3A_543] : memref<256x64xf32, #tpu.memory_space<vmem>> -> memref<32x64xf32, #tpu.memory_space<vmem>>
    %dma_wait3A_545 = arith.constant 0 : i32
    %dma_wait3A_546 = tpu.memref_slice %arg22[%dma_wait3A_541, %dma_wait3A_545] : memref<8x32xi32, #tpu.memory_space<vmem>> -> memref<1x32xi32, #tpu.memory_space<vmem>>
    %dma_wait3A_547 = tpu.memref_squeeze %dma_wait3A_546 : memref<1x32xi32, #tpu.memory_space<vmem>> -> memref<32xi32, #tpu.memory_space<vmem>>
    %dma_wait3A_548 = arith.constant 0 : i32
    %dma_wait3A_549 = arith.constant 0 : i32
    %dma_wait3A_550 = tpu.memref_slice %arg4[%add3A, %dma_wait3A_548, %dma_wait3A_549] : memref<4x65536x64xf32, #tpu.memory_space<hbm>> -> memref<1x65536x64xf32, #tpu.memory_space<hbm>>
    %dma_wait3A_551 = tpu.memref_squeeze %dma_wait3A_550 : memref<1x65536x64xf32, #tpu.memory_space<hbm>> -> memref<65536x64xf32, #tpu.memory_space<hbm>>
    %dma_wait3A_552 = arith.constant 0 : i32
    %dma_wait3A_553 = arith.constant 0 : i32
    %dma_wait3A_554 = tpu.memref_slice %dma_wait3A_551[%dma_wait3A_552, %dma_wait3A_553] : memref<65536x64xf32, #tpu.memory_space<hbm>> -> memref<65536x64xf32, #tpu.memory_space<hbm>>
    tpu.wait_indirect_dma semaphore(%arg27 : memref<!tpu.dma_semaphore, #tpu.memory_space<semaphore_mem>>) src(%dma_wait3A_554 : memref<65536x64xf32, #tpu.memory_space<hbm>>) dst(%dma_wait3A_544 : memref<32x64xf32, #tpu.memory_space<vmem>>)
    %dma_wait3A_555 = arith.constant 2 : i32
    %dma_wait3A_556 = arith.constant 64 : i32
    %dma_wait3A_557 = arith.constant 0 : i32
    %dma_wait3A_558 = tpu.memref_slice %arg23[%dma_wait3A_556, %dma_wait3A_557] : memref<256x64xf32, #tpu.memory_space<vmem>> -> memref<32x64xf32, #tpu.memory_space<vmem>>
    %dma_wait3A_559 = arith.constant 0 : i32
    %dma_wait3A_560 = tpu.memref_slice %arg22[%dma_wait3A_555, %dma_wait3A_559] : memref<8x32xi32, #tpu.memory_space<vmem>> -> memref<1x32xi32, #tpu.memory_space<vmem>>
    %dma_wait3A_561 = tpu.memref_squeeze %dma_wait3A_560 : memref<1x32xi32, #tpu.memory_space<vmem>> -> memref<32xi32, #tpu.memory_space<vmem>>
    %dma_wait3A_562 = arith.constant 0 : i32
    %dma_wait3A_563 = arith.constant 0 : i32
    %dma_wait3A_564 = tpu.memref_slice %arg4[%add3A, %dma_wait3A_562, %dma_wait3A_563] : memref<4x65536x64xf32, #tpu.memory_space<hbm>> -> memref<1x65536x64xf32, #tpu.memory_space<hbm>>
    %dma_wait3A_565 = tpu.memref_squeeze %dma_wait3A_564 : memref<1x65536x64xf32, #tpu.memory_space<hbm>> -> memref<65536x64xf32, #tpu.memory_space<hbm>>
    %dma_wait3A_566 = arith.constant 0 : i32
    %dma_wait3A_567 = arith.constant 0 : i32
    %dma_wait3A_568 = tpu.memref_slice %dma_wait3A_565[%dma_wait3A_566, %dma_wait3A_567] : memref<65536x64xf32, #tpu.memory_space<hbm>> -> memref<65536x64xf32, #tpu.memory_space<hbm>>
    tpu.wait_indirect_dma semaphore(%arg27 : memref<!tpu.dma_semaphore, #tpu.memory_space<semaphore_mem>>) src(%dma_wait3A_568 : memref<65536x64xf32, #tpu.memory_space<hbm>>) dst(%dma_wait3A_558 : memref<32x64xf32, #tpu.memory_space<vmem>>)
    %dma_wait3A_569 = arith.constant 3 : i32
    %dma_wait3A_570 = arith.constant 96 : i32
    %dma_wait3A_571 = arith.constant 0 : i32
    %dma_wait3A_572 = tpu.memref_slice %arg23[%dma_wait3A_570, %dma_wait3A_571] : memref<256x64xf32, #tpu.memory_space<vmem>> -> memref<32x64xf32, #tpu.memory_space<vmem>>
    %dma_wait3A_573 = arith.constant 0 : i32
    %dma_wait3A_574 = tpu.memref_slice %arg22[%dma_wait3A_569, %dma_wait3A_573] : memref<8x32xi32, #tpu.memory_space<vmem>> -> memref<1x32xi32, #tpu.memory_space<vmem>>
    %dma_wait3A_575 = tpu.memref_squeeze %dma_wait3A_574 : memref<1x32xi32, #tpu.memory_space<vmem>> -> memref<32xi32, #tpu.memory_space<vmem>>
    %dma_wait3A_576 = arith.constant 0 : i32
    %dma_wait3A_577 = arith.constant 0 : i32
    %dma_wait3A_578 = tpu.memref_slice %arg4[%add3A, %dma_wait3A_576, %dma_wait3A_577] : memref<4x65536x64xf32, #tpu.memory_space<hbm>> -> memref<1x65536x64xf32, #tpu.memory_space<hbm>>
    %dma_wait3A_579 = tpu.memref_squeeze %dma_wait3A_578 : memref<1x65536x64xf32, #tpu.memory_space<hbm>> -> memref<65536x64xf32, #tpu.memory_space<hbm>>
    %dma_wait3A_580 = arith.constant 0 : i32
    %dma_wait3A_581 = arith.constant 0 : i32
    %dma_wait3A_582 = tpu.memref_slice %dma_wait3A_579[%dma_wait3A_580, %dma_wait3A_581] : memref<65536x64xf32, #tpu.memory_space<hbm>> -> memref<65536x64xf32, #tpu.memory_space<hbm>>
    tpu.wait_indirect_dma semaphore(%arg27 : memref<!tpu.dma_semaphore, #tpu.memory_space<semaphore_mem>>) src(%dma_wait3A_582 : memref<65536x64xf32, #tpu.memory_space<hbm>>) dst(%dma_wait3A_572 : memref<32x64xf32, #tpu.memory_space<vmem>>)
    %dma_wait3A_583 = arith.constant 4 : i32
    %dma_wait3A_584 = arith.constant 128 : i32
    %dma_wait3A_585 = arith.constant 0 : i32
    %dma_wait3A_586 = tpu.memref_slice %arg23[%dma_wait3A_584, %dma_wait3A_585] : memref<256x64xf32, #tpu.memory_space<vmem>> -> memref<32x64xf32, #tpu.memory_space<vmem>>
    %dma_wait3A_587 = arith.constant 0 : i32
    %dma_wait3A_588 = tpu.memref_slice %arg22[%dma_wait3A_583, %dma_wait3A_587] : memref<8x32xi32, #tpu.memory_space<vmem>> -> memref<1x32xi32, #tpu.memory_space<vmem>>
    %dma_wait3A_589 = tpu.memref_squeeze %dma_wait3A_588 : memref<1x32xi32, #tpu.memory_space<vmem>> -> memref<32xi32, #tpu.memory_space<vmem>>
    %dma_wait3A_590 = arith.constant 0 : i32
    %dma_wait3A_591 = arith.constant 0 : i32
    %dma_wait3A_592 = tpu.memref_slice %arg4[%add3A, %dma_wait3A_590, %dma_wait3A_591] : memref<4x65536x64xf32, #tpu.memory_space<hbm>> -> memref<1x65536x64xf32, #tpu.memory_space<hbm>>
    %dma_wait3A_593 = tpu.memref_squeeze %dma_wait3A_592 : memref<1x65536x64xf32, #tpu.memory_space<hbm>> -> memref<65536x64xf32, #tpu.memory_space<hbm>>
    %dma_wait3A_594 = arith.constant 0 : i32
    %dma_wait3A_595 = arith.constant 0 : i32
    %dma_wait3A_596 = tpu.memref_slice %dma_wait3A_593[%dma_wait3A_594, %dma_wait3A_595] : memref<65536x64xf32, #tpu.memory_space<hbm>> -> memref<65536x64xf32, #tpu.memory_space<hbm>>
    tpu.wait_indirect_dma semaphore(%arg27 : memref<!tpu.dma_semaphore, #tpu.memory_space<semaphore_mem>>) src(%dma_wait3A_596 : memref<65536x64xf32, #tpu.memory_space<hbm>>) dst(%dma_wait3A_586 : memref<32x64xf32, #tpu.memory_space<vmem>>)
    %dma_wait3A_597 = arith.constant 5 : i32
    %dma_wait3A_598 = arith.constant 160 : i32
    %dma_wait3A_599 = arith.constant 0 : i32
    %dma_wait3A_600 = tpu.memref_slice %arg23[%dma_wait3A_598, %dma_wait3A_599] : memref<256x64xf32, #tpu.memory_space<vmem>> -> memref<32x64xf32, #tpu.memory_space<vmem>>
    %dma_wait3A_601 = arith.constant 0 : i32
    %dma_wait3A_602 = tpu.memref_slice %arg22[%dma_wait3A_597, %dma_wait3A_601] : memref<8x32xi32, #tpu.memory_space<vmem>> -> memref<1x32xi32, #tpu.memory_space<vmem>>
    %dma_wait3A_603 = tpu.memref_squeeze %dma_wait3A_602 : memref<1x32xi32, #tpu.memory_space<vmem>> -> memref<32xi32, #tpu.memory_space<vmem>>
    %dma_wait3A_604 = arith.constant 0 : i32
    %dma_wait3A_605 = arith.constant 0 : i32
    %dma_wait3A_606 = tpu.memref_slice %arg4[%add3A, %dma_wait3A_604, %dma_wait3A_605] : memref<4x65536x64xf32, #tpu.memory_space<hbm>> -> memref<1x65536x64xf32, #tpu.memory_space<hbm>>
    %dma_wait3A_607 = tpu.memref_squeeze %dma_wait3A_606 : memref<1x65536x64xf32, #tpu.memory_space<hbm>> -> memref<65536x64xf32, #tpu.memory_space<hbm>>
    %dma_wait3A_608 = arith.constant 0 : i32
    %dma_wait3A_609 = arith.constant 0 : i32
    %dma_wait3A_610 = tpu.memref_slice %dma_wait3A_607[%dma_wait3A_608, %dma_wait3A_609] : memref<65536x64xf32, #tpu.memory_space<hbm>> -> memref<65536x64xf32, #tpu.memory_space<hbm>>
    tpu.wait_indirect_dma semaphore(%arg27 : memref<!tpu.dma_semaphore, #tpu.memory_space<semaphore_mem>>) src(%dma_wait3A_610 : memref<65536x64xf32, #tpu.memory_space<hbm>>) dst(%dma_wait3A_600 : memref<32x64xf32, #tpu.memory_space<vmem>>)
    %dma_wait3A_611 = arith.constant 6 : i32
    %dma_wait3A_612 = arith.constant 192 : i32
    %dma_wait3A_613 = arith.constant 0 : i32
    %dma_wait3A_614 = tpu.memref_slice %arg23[%dma_wait3A_612, %dma_wait3A_613] : memref<256x64xf32, #tpu.memory_space<vmem>> -> memref<32x64xf32, #tpu.memory_space<vmem>>
    %dma_wait3A_615 = arith.constant 0 : i32
    %dma_wait3A_616 = tpu.memref_slice %arg22[%dma_wait3A_611, %dma_wait3A_615] : memref<8x32xi32, #tpu.memory_space<vmem>> -> memref<1x32xi32, #tpu.memory_space<vmem>>
    %dma_wait3A_617 = tpu.memref_squeeze %dma_wait3A_616 : memref<1x32xi32, #tpu.memory_space<vmem>> -> memref<32xi32, #tpu.memory_space<vmem>>
    %dma_wait3A_618 = arith.constant 0 : i32
    %dma_wait3A_619 = arith.constant 0 : i32
    %dma_wait3A_620 = tpu.memref_slice %arg4[%add3A, %dma_wait3A_618, %dma_wait3A_619] : memref<4x65536x64xf32, #tpu.memory_space<hbm>> -> memref<1x65536x64xf32, #tpu.memory_space<hbm>>
    %dma_wait3A_621 = tpu.memref_squeeze %dma_wait3A_620 : memref<1x65536x64xf32, #tpu.memory_space<hbm>> -> memref<65536x64xf32, #tpu.memory_space<hbm>>
    %dma_wait3A_622 = arith.constant 0 : i32
    %dma_wait3A_623 = arith.constant 0 : i32
    %dma_wait3A_624 = tpu.memref_slice %dma_wait3A_621[%dma_wait3A_622, %dma_wait3A_623] : memref<65536x64xf32, #tpu.memory_space<hbm>> -> memref<65536x64xf32, #tpu.memory_space<hbm>>
    tpu.wait_indirect_dma semaphore(%arg27 : memref<!tpu.dma_semaphore, #tpu.memory_space<semaphore_mem>>) src(%dma_wait3A_624 : memref<65536x64xf32, #tpu.memory_space<hbm>>) dst(%dma_wait3A_614 : memref<32x64xf32, #tpu.memory_space<vmem>>)
    %dma_wait3A_625 = arith.constant 7 : i32
    %dma_wait3A_626 = arith.constant 224 : i32
    %dma_wait3A_627 = arith.constant 0 : i32
    %dma_wait3A_628 = tpu.memref_slice %arg23[%dma_wait3A_626, %dma_wait3A_627] : memref<256x64xf32, #tpu.memory_space<vmem>> -> memref<32x64xf32, #tpu.memory_space<vmem>>
    %dma_wait3A_629 = arith.constant 0 : i32
    %dma_wait3A_630 = tpu.memref_slice %arg22[%dma_wait3A_625, %dma_wait3A_629] : memref<8x32xi32, #tpu.memory_space<vmem>> -> memref<1x32xi32, #tpu.memory_space<vmem>>
    %dma_wait3A_631 = tpu.memref_squeeze %dma_wait3A_630 : memref<1x32xi32, #tpu.memory_space<vmem>> -> memref<32xi32, #tpu.memory_space<vmem>>
    %dma_wait3A_632 = arith.constant 0 : i32
    %dma_wait3A_633 = arith.constant 0 : i32
    %dma_wait3A_634 = tpu.memref_slice %arg4[%add3A, %dma_wait3A_632, %dma_wait3A_633] : memref<4x65536x64xf32, #tpu.memory_space<hbm>> -> memref<1x65536x64xf32, #tpu.memory_space<hbm>>
    %dma_wait3A_635 = tpu.memref_squeeze %dma_wait3A_634 : memref<1x65536x64xf32, #tpu.memory_space<hbm>> -> memref<65536x64xf32, #tpu.memory_space<hbm>>
    %dma_wait3A_636 = arith.constant 0 : i32
    %dma_wait3A_637 = arith.constant 0 : i32
    %dma_wait3A_638 = tpu.memref_slice %dma_wait3A_635[%dma_wait3A_636, %dma_wait3A_637] : memref<65536x64xf32, #tpu.memory_space<hbm>> -> memref<65536x64xf32, #tpu.memory_space<hbm>>
    tpu.wait_indirect_dma semaphore(%arg27 : memref<!tpu.dma_semaphore, #tpu.memory_space<semaphore_mem>>) src(%dma_wait3A_638 : memref<65536x64xf32, #tpu.memory_space<hbm>>) dst(%dma_wait3A_628 : memref<32x64xf32, #tpu.memory_space<vmem>>)
    "tpu.trace_stop"() : () -> ()
    "tpu.trace_start"() <{level = 10 : i32, message = "b_out"}> : () -> ()
    "tpu.region"() ({
      %run_scoped3A = tpu.sem_alloc : memref<!tpu.dma_semaphore, #tpu.memory_space<semaphore_mem>>
      %dma_start3A_641 = arith.constant 0 : i32
      %dma_start3A_642 = tpu.memref_slice %arg7[%add3A, %mul3A_101, %dma_start3A_641] : memref<4x256x64xf32, #tpu.memory_space<hbm>> -> memref<1x32x64xf32, #tpu.memory_space<hbm>>
      %dma_start3A_643 = tpu.memref_squeeze %dma_start3A_642 : memref<1x32x64xf32, #tpu.memory_space<hbm>> -> memref<32x64xf32, #tpu.memory_space<hbm>>
      %dma_start3A_644 = arith.constant 0 : i32
      %dma_start3A_645 = tpu.memref_slice %arg7[%add3A, %mul3A_101, %dma_start3A_644] : memref<4x256x64xf32, #tpu.memory_space<hbm>> -> memref<1x32x64xf32, #tpu.memory_space<hbm>>
      %dma_start3A_646 = tpu.memref_squeeze %dma_start3A_645 : memref<1x32x64xf32, #tpu.memory_space<hbm>> -> memref<32x64xf32, #tpu.memory_space<hbm>>
      tpu.enqueue_dma source(%arg20 : memref<32x64xf32, #tpu.memory_space<vmem>>) target(%dma_start3A_646 : memref<32x64xf32, #tpu.memory_space<hbm>>) target_semaphore(%run_scoped3A : memref<!tpu.dma_semaphore, #tpu.memory_space<semaphore_mem>>)
      %dma_wait3A_647 = arith.constant 0 : i32
      %dma_wait3A_648 = tpu.memref_slice %arg7[%add3A, %mul3A_101, %dma_wait3A_647] : memref<4x256x64xf32, #tpu.memory_space<hbm>> -> memref<1x32x64xf32, #tpu.memory_space<hbm>>
      %dma_wait3A_649 = tpu.memref_squeeze %dma_wait3A_648 : memref<1x32x64xf32, #tpu.memory_space<hbm>> -> memref<32x64xf32, #tpu.memory_space<hbm>>
      %dma_wait3A_650 = arith.constant 0 : i32
      %dma_wait3A_651 = tpu.memref_slice %arg7[%add3A, %mul3A_101, %dma_wait3A_650] : memref<4x256x64xf32, #tpu.memory_space<hbm>> -> memref<1x32x64xf32, #tpu.memory_space<hbm>>
      %dma_wait3A_652 = tpu.memref_squeeze %dma_wait3A_651 : memref<1x32x64xf32, #tpu.memory_space<hbm>> -> memref<32x64xf32, #tpu.memory_space<hbm>>
      tpu.wait_dma2 semaphore(%run_scoped3A : memref<!tpu.dma_semaphore, #tpu.memory_space<semaphore_mem>>) src(%arg20 : memref<32x64xf32, #tpu.memory_space<vmem>>) dst(%dma_wait3A_652 : memref<32x64xf32, #tpu.memory_space<hbm>>)
      tpu.yield
    }) : () -> ()
    "tpu.region"() ({
      %run_scoped3A = tpu.sem_alloc : memref<!tpu.dma_semaphore, #tpu.memory_space<semaphore_mem>>
      %dma_start3A_641 = tpu.memref_slice %arg8[%add3A, %mul3A_101] : memref<4x256xf32, #tpu.memory_space<hbm>> -> memref<1x32xf32, #tpu.memory_space<hbm>>
      %dma_start3A_642 = tpu.memref_squeeze %dma_start3A_641 : memref<1x32xf32, #tpu.memory_space<hbm>> -> memref<32xf32, #tpu.memory_space<hbm>>
      %dma_start3A_643 = tpu.memref_slice %arg8[%add3A, %mul3A_101] : memref<4x256xf32, #tpu.memory_space<hbm>> -> memref<1x32xf32, #tpu.memory_space<hbm>>
      %dma_start3A_644 = tpu.memref_squeeze %dma_start3A_643 : memref<1x32xf32, #tpu.memory_space<hbm>> -> memref<32xf32, #tpu.memory_space<hbm>>
      tpu.enqueue_dma source(%arg21 : memref<32xf32, #tpu.memory_space<vmem>>) target(%dma_start3A_644 : memref<32xf32, #tpu.memory_space<hbm>>) target_semaphore(%run_scoped3A : memref<!tpu.dma_semaphore, #tpu.memory_space<semaphore_mem>>)
      %dma_wait3A_645 = tpu.memref_slice %arg8[%add3A, %mul3A_101] : memref<4x256xf32, #tpu.memory_space<hbm>> -> memref<1x32xf32, #tpu.memory_space<hbm>>
      %dma_wait3A_646 = tpu.memref_squeeze %dma_wait3A_645 : memref<1x32xf32, #tpu.memory_space<hbm>> -> memref<32xf32, #tpu.memory_space<hbm>>
      %dma_wait3A_647 = tpu.memref_slice %arg8[%add3A, %mul3A_101] : memref<4x256xf32, #tpu.memory_space<hbm>> -> memref<1x32xf32, #tpu.memory_space<hbm>>
      %dma_wait3A_648 = tpu.memref_squeeze %dma_wait3A_647 : memref<1x32xf32, #tpu.memory_space<hbm>> -> memref<32xf32, #tpu.memory_space<hbm>>
      tpu.wait_dma2 semaphore(%run_scoped3A : memref<!tpu.dma_semaphore, #tpu.memory_space<semaphore_mem>>) src(%arg21 : memref<32xf32, #tpu.memory_space<vmem>>) dst(%dma_wait3A_648 : memref<32xf32, #tpu.memory_space<hbm>>)
      tpu.yield
    }) : () -> ()
    %mul3A_639 = arith.constant 256 : i32
    %mul3A_640 = arith.muli %select_n3A_30, %mul3A_639 : i32
    "tpu.region"() ({
      %run_scoped3A = tpu.sem_alloc : memref<!tpu.dma_semaphore, #tpu.memory_space<semaphore_mem>>
      %dma_start3A_641 = arith.constant 0 : i32
      %dma_start3A_642 = tpu.memref_slice %arg9[%add3A, %mul3A_640, %dma_start3A_641] : memref<4x2048x64xf32, #tpu.memory_space<hbm>> -> memref<1x256x64xf32, #tpu.memory_space<hbm>>
      %dma_start3A_643 = tpu.memref_squeeze %dma_start3A_642 : memref<1x256x64xf32, #tpu.memory_space<hbm>> -> memref<256x64xf32, #tpu.memory_space<hbm>>
      %dma_start3A_644 = arith.constant 0 : i32
      %dma_start3A_645 = tpu.memref_slice %arg9[%add3A, %mul3A_640, %dma_start3A_644] : memref<4x2048x64xf32, #tpu.memory_space<hbm>> -> memref<1x256x64xf32, #tpu.memory_space<hbm>>
      %dma_start3A_646 = tpu.memref_squeeze %dma_start3A_645 : memref<1x256x64xf32, #tpu.memory_space<hbm>> -> memref<256x64xf32, #tpu.memory_space<hbm>>
      tpu.enqueue_dma source(%arg23 : memref<256x64xf32, #tpu.memory_space<vmem>>) target(%dma_start3A_646 : memref<256x64xf32, #tpu.memory_space<hbm>>) target_semaphore(%run_scoped3A : memref<!tpu.dma_semaphore, #tpu.memory_space<semaphore_mem>>)
      %dma_wait3A_647 = arith.constant 0 : i32
      %dma_wait3A_648 = tpu.memref_slice %arg9[%add3A, %mul3A_640, %dma_wait3A_647] : memref<4x2048x64xf32, #tpu.memory_space<hbm>> -> memref<1x256x64xf32, #tpu.memory_space<hbm>>
      %dma_wait3A_649 = tpu.memref_squeeze %dma_wait3A_648 : memref<1x256x64xf32, #tpu.memory_space<hbm>> -> memref<256x64xf32, #tpu.memory_space<hbm>>
      %dma_wait3A_650 = arith.constant 0 : i32
      %dma_wait3A_651 = tpu.memref_slice %arg9[%add3A, %mul3A_640, %dma_wait3A_650] : memref<4x2048x64xf32, #tpu.memory_space<hbm>> -> memref<1x256x64xf32, #tpu.memory_space<hbm>>
      %dma_wait3A_652 = tpu.memref_squeeze %dma_wait3A_651 : memref<1x256x64xf32, #tpu.memory_space<hbm>> -> memref<256x64xf32, #tpu.memory_space<hbm>>
      tpu.wait_dma2 semaphore(%run_scoped3A : memref<!tpu.dma_semaphore, #tpu.memory_space<semaphore_mem>>) src(%arg23 : memref<256x64xf32, #tpu.memory_space<vmem>>) dst(%dma_wait3A_652 : memref<256x64xf32, #tpu.memory_space<hbm>>)
      tpu.yield
    }) : () -> ()
    "tpu.trace_stop"() : () -> ()
    return
  }
}

module attributes {stable_mosaic.version = 14 : i64} {
  func.func @_stage_c_kernel(%arg0: i32, %arg1: memref<4x2048x64xf32, #tpu.memory_space<vmem>>, %arg2: memref<4x2048xf32, #tpu.memory_space<vmem>>, %arg3: memref<4x2048xi32, #tpu.memory_space<vmem>>, %arg4: memref<4x2048xi32, #tpu.memory_space<vmem>>, %arg5: memref<4x256xf32, #tpu.memory_space<vmem>>, %arg6: memref<4x256x68xf32, #tpu.memory_space<vmem>>, %arg7: memref<4x2xf32, #tpu.memory_space<vmem>>) attributes {dimension_semantics = [#tpu.dimension_semantics<arbitrary>], iteration_bounds = array<i64: 32>, scalar_prefetch = 0 : i64, scratch_operands = 0 : i64, tpu.core_type = #tpu.core_type<tc>, window_params = [{transform_indices = @transform_0, window_bounds = array<i64: 4, 2048, 64>}, {transform_indices = @transform_1, window_bounds = array<i64: 4, 2048>}, {transform_indices = @transform_2, window_bounds = array<i64: 4, 2048>}, {transform_indices = @transform_3, window_bounds = array<i64: 4, 2048>}, {pipeline_mode = #tpu.pipeline_mode<synchronous>, transform_indices = @transform_4, window_bounds = array<i64: 4, 256>}, {pipeline_mode = #tpu.pipeline_mode<synchronous>, transform_indices = @transform_5, window_bounds = array<i64: 4, 256, 68>}, {pipeline_mode = #tpu.pipeline_mode<synchronous>, transform_indices = @transform_6, window_bounds = array<i64: 4, 2>}]} {
    %get3A = arith.constant 0 : index
    %get3A_0 = arith.constant 0 : index
    %get3A_1 = arith.constant 0 : index
    %get3A_2 = vector.load %arg1[%get3A, %get3A_0, %get3A_1] : memref<4x2048x64xf32, #tpu.memory_space<vmem>>, vector<4x2048x64xf32>
    %get3A_3 = arith.constant 0 : index
    %get3A_4 = arith.constant 0 : index
    %get3A_5 = vector.load %arg2[%get3A_3, %get3A_4] : memref<4x2048xf32, #tpu.memory_space<vmem>>, vector<4x2048xf32>
    %get3A_6 = arith.constant 0 : index
    %get3A_7 = arith.constant 0 : index
    %get3A_8 = vector.load %arg3[%get3A_6, %get3A_7] : memref<4x2048xi32, #tpu.memory_space<vmem>>, vector<4x2048xi32>
    %get3A_9 = arith.constant 0 : index
    %get3A_10 = arith.constant 0 : index
    %get3A_11 = vector.load %arg4[%get3A_9, %get3A_10] : memref<4x2048xi32, #tpu.memory_space<vmem>>, vector<4x2048xi32>
    %get3A_12 = arith.constant 0 : index
    %get3A_13 = arith.constant 0 : index
    %get3A_14 = vector.load %arg5[%get3A_12, %get3A_13] : memref<4x256xf32, #tpu.memory_space<vmem>>, vector<4x256xf32>
    %iota3A = tpu.iota {dimensions = array<i32: 0>} : vector<256x1xi32>
    %broadcast_in_dim3A = arith.constant 1.000000e+00 : f32
    %broadcast_in_dim3A_15 = vector.broadcast %broadcast_in_dim3A : f32 to vector<1x64xf32>
    %eq3A = arith.constant 0 : i32
    %eq3A_16 = arith.cmpi eq, %arg0, %eq3A : i32
    %convert_element_type3A = arith.extui %eq3A_16 : i1 to i32
    %cond3A = arith.constant 0 : i32
    %cond3A_17 = arith.cmpi ne, %convert_element_type3A, %cond3A : i32
    scf.if %cond3A_17 {
      %broadcast_in_dim3A_339 = arith.constant 0.000000e+00 : f32
      %broadcast_in_dim3A_340 = vector.broadcast %broadcast_in_dim3A_339 : f32 to vector<4x256x68xf32>
      %swap3A_341 = arith.constant 0 : index
      %swap3A_342 = arith.constant 0 : index
      %swap3A_343 = arith.constant 0 : index
      %swap3A_344 = vector.load %arg6[%swap3A_341, %swap3A_342, %swap3A_343] : memref<4x256x68xf32, #tpu.memory_space<vmem>>, vector<4x256x68xf32>
      tpu.vector_store %arg6[%swap3A_341, %swap3A_342, %swap3A_343], %broadcast_in_dim3A_340 {strides = array<i32>} : memref<4x256x68xf32, #tpu.memory_space<vmem>>, vector<4x256x68xf32>,
      %broadcast_in_dim3A_345 = arith.constant 0.000000e+00 : f32
      %broadcast_in_dim3A_346 = vector.broadcast %broadcast_in_dim3A_345 : f32 to vector<4x2xf32>
      %swap3A_347 = arith.constant 0 : index
      %swap3A_348 = arith.constant 0 : index
      %swap3A_349 = vector.load %arg7[%swap3A_347, %swap3A_348] : memref<4x2xf32, #tpu.memory_space<vmem>>, vector<4x2xf32>
      tpu.vector_store %arg7[%swap3A_347, %swap3A_348], %broadcast_in_dim3A_346 {strides = array<i32>} : memref<4x2xf32, #tpu.memory_space<vmem>>, vector<4x2xf32>,
    } else {
    }
    %slice3A = vector.extract_strided_slice %get3A_8 {offsets = [0, 0], sizes = [1, 2048], strides = [1, 1]} : vector<4x2048xi32> to vector<1x2048xi32>
    %eq3A_18 = vector.broadcast %iota3A : vector<256x1xi32> to vector<256x2048xi32>
    %eq3A_19 = vector.broadcast %slice3A : vector<1x2048xi32> to vector<256x2048xi32>
    %eq3A_20 = arith.cmpi eq, %eq3A_18, %eq3A_19 : vector<256x2048xi32>
    %convert_element_type3A_21 = arith.extui %eq3A_20 : vector<256x2048xi1> to vector<256x2048xi32>
    %convert_element_type3A_22 = arith.sitofp %convert_element_type3A_21 : vector<256x2048xi32> to vector<256x2048xf32>
    %slice3A_23 = vector.extract_strided_slice %get3A_2 {offsets = [0, 0, 0], sizes = [1, 2048, 64], strides = [1, 1, 1]} : vector<4x2048x64xf32> to vector<1x2048x64xf32>
    %squeeze3A = vector.shape_cast %slice3A_23 : vector<1x2048x64xf32> to vector<2048x64xf32>
    %mul3A = arith.mulf %squeeze3A, %squeeze3A : vector<2048x64xf32>
    %dot_general3A = arith.constant dense<0.000000e+00> : vector<1x2048xf32>
    %dot_general3A_24 = tpu.matmul %broadcast_in_dim3A_15, %mul3A, %dot_general3A {dimension_numbers = #tpu.dot_dimension_numbers<[1], [1], [0], [0], [0, 0, 1, 0], [], []>, transpose_lhs_hint = false} : vector<1x64xf32>, vector<2048x64xf32>, vector<1x2048xf32> -> vector<1x2048xf32>
    %slice3A_25 = vector.extract_strided_slice %get3A_11 {offsets = [0, 0], sizes = [1, 2048], strides = [1, 1]} : vector<4x2048xi32> to vector<1x2048xi32>
    %eq3A_26 = arith.constant 1 : i32
    %eq3A_27 = vector.broadcast %eq3A_26 : i32 to vector<1x2048xi32>
    %eq3A_28 = arith.cmpi eq, %slice3A_25, %eq3A_27 : vector<1x2048xi32>
    %convert_element_type3A_29 = arith.extui %eq3A_28 : vector<1x2048xi1> to vector<1x2048xi32>
    %convert_element_type3A_30 = arith.sitofp %convert_element_type3A_29 : vector<1x2048xi32> to vector<1x2048xf32>
    %slice3A_31 = vector.extract_strided_slice %get3A_5 {offsets = [0, 0], sizes = [1, 2048], strides = [1, 1]} : vector<4x2048xf32> to vector<1x2048xf32>
    %slice3A_32 = vector.extract_strided_slice %get3A_14 {offsets = [0, 0], sizes = [1, 256], strides = [1, 1]} : vector<4x256xf32> to vector<1x256xf32>
    %dot_general3A_33 = arith.constant dense<0.000000e+00> : vector<1x2048xf32>
    %dot_general3A_34 = tpu.matmul %slice3A_32, %convert_element_type3A_22, %dot_general3A_33 {dimension_numbers = #tpu.dot_dimension_numbers<[1], [0], [0], [1], [0, 0, 1, 1], [], []>, transpose_lhs_hint = false} : vector<1x256xf32>, vector<256x2048xf32>, vector<1x2048xf32> -> vector<1x2048xf32>
    %add3A = arith.constant 3.000000e-01 : f32
    %add3A_35 = vector.broadcast %add3A : f32 to vector<1x2048xf32>
    %add3A_36 = arith.addf %slice3A_31, %add3A_35 : vector<1x2048xf32>
    %sub3A = arith.subf %add3A_36, %dot_general3A_34 : vector<1x2048xf32>
    %max3A = arith.constant 0.000000e+00 : f32
    %max3A_37 = vector.broadcast %max3A : f32 to vector<1x2048xf32>
    %max3A_38 = arith.maximumf %sub3A, %max3A_37 : vector<1x2048xf32>
    %sub3A_39 = arith.constant 1.000000e+00 : f32
    %sub3A_40 = vector.broadcast %sub3A_39 : f32 to vector<1x2048xf32>
    %sub3A_41 = arith.subf %sub3A_40, %convert_element_type3A_30 : vector<1x2048xf32>
    %mul3A_42 = arith.mulf %max3A_38, %sub3A_41 : vector<1x2048xf32>
    %broadcast_in_dim3A_43 = arith.constant 1.000000e+00 : f32
    %broadcast_in_dim3A_44 = vector.broadcast %broadcast_in_dim3A_43 : f32 to vector<1x2048xf32>
    %concatenate3A = tpu.concatenate %dot_general3A_24, %broadcast_in_dim3A_44, %convert_element_type3A_30, %mul3A_42 in 0 : vector<1x2048xf32>, vector<1x2048xf32>, vector<1x2048xf32>, vector<1x2048xf32> -> vector<4x2048xf32>
    %dot_general3A_45 = arith.constant dense<0.000000e+00> : vector<256x64xf32>
    %dot_general3A_46 = tpu.matmul %convert_element_type3A_22, %squeeze3A, %dot_general3A_45 {dimension_numbers = #tpu.dot_dimension_numbers<[1], [0], [0], [1], [0, 0, 1, 1], [], []>, transpose_lhs_hint = false} : vector<256x2048xf32>, vector<2048x64xf32>, vector<256x64xf32> -> vector<256x64xf32>
    %dot_general3A_47 = arith.constant dense<0.000000e+00> : vector<256x4xf32>
    %dot_general3A_48 = tpu.matmul %convert_element_type3A_22, %concatenate3A, %dot_general3A_47 {dimension_numbers = #tpu.dot_dimension_numbers<[1], [1], [0], [0], [0, 0, 1, 0], [], []>, transpose_lhs_hint = false} : vector<256x2048xf32>, vector<4x2048xf32>, vector<256x4xf32> -> vector<256x4xf32>
    %get3A_49 = arith.constant 0 : index
    %get3A_50 = arith.constant 0 : index
    %get3A_51 = arith.constant 0 : index
    %get3A_52 = vector.load %arg6[%get3A_49, %get3A_50, %get3A_51] : memref<4x256x68xf32, #tpu.memory_space<vmem>>, vector<1x256x68xf32>
    %get3A_53 = vector.shape_cast %get3A_52 : vector<1x256x68xf32> to vector<256x68xf32>
    %concatenate3A_54 = tpu.concatenate %dot_general3A_46, %dot_general3A_48 in 1 : vector<256x64xf32>, vector<256x4xf32> -> vector<256x68xf32>
    %add3A_55 = arith.addf %get3A_53, %concatenate3A_54 : vector<256x68xf32>
    %swap3A = arith.constant 0 : index
    %swap3A_56 = arith.constant 0 : index
    %swap3A_57 = arith.constant 0 : index
    %swap3A_58 = vector.load %arg6[%swap3A, %swap3A_56, %swap3A_57] : memref<4x256x68xf32, #tpu.memory_space<vmem>>, vector<1x256x68xf32>
    %swap3A_59 = vector.shape_cast %swap3A_58 : vector<1x256x68xf32> to vector<256x68xf32>
    %swap3A_60 = vector.shape_cast %add3A_55 : vector<256x68xf32> to vector<1x256x68xf32>
    tpu.vector_store %arg6[%swap3A, %swap3A_56, %swap3A_57], %swap3A_60 {strides = array<i32>} : memref<4x256x68xf32, #tpu.memory_space<vmem>>, vector<1x256x68xf32>,
    %max3A_61 = arith.constant 0.000000e+00 : f32
    %max3A_62 = vector.broadcast %max3A_61 : f32 to vector<1x2048xf32>
    %max3A_63 = arith.maximumf %slice3A_31, %max3A_62 : vector<1x2048xf32>
    %mul3A_64 = arith.mulf %slice3A_31, %convert_element_type3A_30 : vector<1x2048xf32>
    %sub3A_65 = arith.subf %max3A_63, %mul3A_64 : vector<1x2048xf32>
    %abs3A = math.absf %slice3A_31 : vector<1x2048xf32>
    %neg3A = arith.constant 0.000000e+00 : f32
    %neg3A_66 = vector.broadcast %neg3A : f32 to vector<1x2048xf32>
    %neg3A_67 = arith.subf %neg3A_66, %abs3A : vector<1x2048xf32>
    %exp3A = math.exp %neg3A_67 : vector<1x2048xf32>
    %log1p3A = math.log1p %exp3A : vector<1x2048xf32>
    %add3A_68 = arith.addf %sub3A_65, %log1p3A : vector<1x2048xf32>
    %sub3A_69 = arith.constant 1.000000e+00 : f32
    %sub3A_70 = vector.broadcast %sub3A_69 : f32 to vector<1x2048xf32>
    %sub3A_71 = arith.subf %sub3A_70, %convert_element_type3A_30 : vector<1x2048xf32>
    %mul3A_72 = arith.mulf %add3A_68, %sub3A_71 : vector<1x2048xf32>
    %reduce_sum3A = vector.shape_cast %mul3A_72 : vector<1x2048xf32> to vector<1x1x2048xf32>
    %reduce_sum3A_73 = arith.constant dense<0.000000e+00> : vector<1xf32>
    %reduce_sum3A_74 = vector.multi_reduction <add>, %reduce_sum3A, %reduce_sum3A_73 [1, 2] : vector<1x1x2048xf32> to vector<1xf32>
    %reduce_sum3A_75 = vector.shape_cast %reduce_sum3A_74 : vector<1xf32> to vector<1x1x1xf32>
    %reduce_sum3A_76 = vector.extract %reduce_sum3A_75[0, 0, 0] : f32 from vector<1x1x1xf32>
    %reshape3A = vector.broadcast %reduce_sum3A_76 : f32 to vector<1x1xf32>
    %mul3A_77 = arith.mulf %add3A_68, %convert_element_type3A_30 : vector<1x2048xf32>
    %reduce_sum3A_78 = vector.shape_cast %mul3A_77 : vector<1x2048xf32> to vector<1x1x2048xf32>
    %reduce_sum3A_79 = arith.constant dense<0.000000e+00> : vector<1xf32>
    %reduce_sum3A_80 = vector.multi_reduction <add>, %reduce_sum3A_78, %reduce_sum3A_79 [1, 2] : vector<1x1x2048xf32> to vector<1xf32>
    %reduce_sum3A_81 = vector.shape_cast %reduce_sum3A_80 : vector<1xf32> to vector<1x1x1xf32>
    %reduce_sum3A_82 = vector.extract %reduce_sum3A_81[0, 0, 0] : f32 from vector<1x1x1xf32>
    %reshape3A_83 = vector.broadcast %reduce_sum3A_82 : f32 to vector<1x1xf32>
    %concatenate3A_84 = tpu.concatenate %reshape3A, %reshape3A_83 in 1 : vector<1x1xf32>, vector<1x1xf32> -> vector<1x2xf32>
    %slice3A_85 = vector.extract_strided_slice %get3A_8 {offsets = [1, 0], sizes = [1, 2048], strides = [1, 1]} : vector<4x2048xi32> to vector<1x2048xi32>
    %eq3A_86 = vector.broadcast %iota3A : vector<256x1xi32> to vector<256x2048xi32>
    %eq3A_87 = vector.broadcast %slice3A_85 : vector<1x2048xi32> to vector<256x2048xi32>
    %eq3A_88 = arith.cmpi eq, %eq3A_86, %eq3A_87 : vector<256x2048xi32>
    %convert_element_type3A_89 = arith.extui %eq3A_88 : vector<256x2048xi1> to vector<256x2048xi32>
    %convert_element_type3A_90 = arith.sitofp %convert_element_type3A_89 : vector<256x2048xi32> to vector<256x2048xf32>
    %slice3A_91 = vector.extract_strided_slice %get3A_2 {offsets = [1, 0, 0], sizes = [1, 2048, 64], strides = [1, 1, 1]} : vector<4x2048x64xf32> to vector<1x2048x64xf32>
    %squeeze3A_92 = vector.shape_cast %slice3A_91 : vector<1x2048x64xf32> to vector<2048x64xf32>
    %mul3A_93 = arith.mulf %squeeze3A_92, %squeeze3A_92 : vector<2048x64xf32>
    %dot_general3A_94 = arith.constant dense<0.000000e+00> : vector<1x2048xf32>
    %dot_general3A_95 = tpu.matmul %broadcast_in_dim3A_15, %mul3A_93, %dot_general3A_94 {dimension_numbers = #tpu.dot_dimension_numbers<[1], [1], [0], [0], [0, 0, 1, 0], [], []>, transpose_lhs_hint = false} : vector<1x64xf32>, vector<2048x64xf32>, vector<1x2048xf32> -> vector<1x2048xf32>
    %slice3A_96 = vector.extract_strided_slice %get3A_11 {offsets = [1, 0], sizes = [1, 2048], strides = [1, 1]} : vector<4x2048xi32> to vector<1x2048xi32>
    %eq3A_97 = arith.constant 1 : i32
    %eq3A_98 = vector.broadcast %eq3A_97 : i32 to vector<1x2048xi32>
    %eq3A_99 = arith.cmpi eq, %slice3A_96, %eq3A_98 : vector<1x2048xi32>
    %convert_element_type3A_100 = arith.extui %eq3A_99 : vector<1x2048xi1> to vector<1x2048xi32>
    %convert_element_type3A_101 = arith.sitofp %convert_element_type3A_100 : vector<1x2048xi32> to vector<1x2048xf32>
    %slice3A_102 = vector.extract_strided_slice %get3A_5 {offsets = [1, 0], sizes = [1, 2048], strides = [1, 1]} : vector<4x2048xf32> to vector<1x2048xf32>
    %slice3A_103 = vector.extract_strided_slice %get3A_14 {offsets = [1, 0], sizes = [1, 256], strides = [1, 1]} : vector<4x256xf32> to vector<1x256xf32>
    %dot_general3A_104 = arith.constant dense<0.000000e+00> : vector<1x2048xf32>
    %dot_general3A_105 = tpu.matmul %slice3A_103, %convert_element_type3A_90, %dot_general3A_104 {dimension_numbers = #tpu.dot_dimension_numbers<[1], [0], [0], [1], [0, 0, 1, 1], [], []>, transpose_lhs_hint = false} : vector<1x256xf32>, vector<256x2048xf32>, vector<1x2048xf32> -> vector<1x2048xf32>
    %add3A_106 = arith.constant 3.000000e-01 : f32
    %add3A_107 = vector.broadcast %add3A_106 : f32 to vector<1x2048xf32>
    %add3A_108 = arith.addf %slice3A_102, %add3A_107 : vector<1x2048xf32>
    %sub3A_109 = arith.subf %add3A_108, %dot_general3A_105 : vector<1x2048xf32>
    %max3A_110 = arith.constant 0.000000e+00 : f32
    %max3A_111 = vector.broadcast %max3A_110 : f32 to vector<1x2048xf32>
    %max3A_112 = arith.maximumf %sub3A_109, %max3A_111 : vector<1x2048xf32>
    %sub3A_113 = arith.constant 1.000000e+00 : f32
    %sub3A_114 = vector.broadcast %sub3A_113 : f32 to vector<1x2048xf32>
    %sub3A_115 = arith.subf %sub3A_114, %convert_element_type3A_101 : vector<1x2048xf32>
    %mul3A_116 = arith.mulf %max3A_112, %sub3A_115 : vector<1x2048xf32>
    %broadcast_in_dim3A_117 = arith.constant 1.000000e+00 : f32
    %broadcast_in_dim3A_118 = vector.broadcast %broadcast_in_dim3A_117 : f32 to vector<1x2048xf32>
    %concatenate3A_119 = tpu.concatenate %dot_general3A_95, %broadcast_in_dim3A_118, %convert_element_type3A_101, %mul3A_116 in 0 : vector<1x2048xf32>, vector<1x2048xf32>, vector<1x2048xf32>, vector<1x2048xf32> -> vector<4x2048xf32>
    %dot_general3A_120 = arith.constant dense<0.000000e+00> : vector<256x64xf32>
    %dot_general3A_121 = tpu.matmul %convert_element_type3A_90, %squeeze3A_92, %dot_general3A_120 {dimension_numbers = #tpu.dot_dimension_numbers<[1], [0], [0], [1], [0, 0, 1, 1], [], []>, transpose_lhs_hint = false} : vector<256x2048xf32>, vector<2048x64xf32>, vector<256x64xf32> -> vector<256x64xf32>
    %dot_general3A_122 = arith.constant dense<0.000000e+00> : vector<256x4xf32>
    %dot_general3A_123 = tpu.matmul %convert_element_type3A_90, %concatenate3A_119, %dot_general3A_122 {dimension_numbers = #tpu.dot_dimension_numbers<[1], [1], [0], [0], [0, 0, 1, 0], [], []>, transpose_lhs_hint = false} : vector<256x2048xf32>, vector<4x2048xf32>, vector<256x4xf32> -> vector<256x4xf32>
    %get3A_124 = arith.constant 1 : index
    %get3A_125 = arith.constant 0 : index
    %get3A_126 = arith.constant 0 : index
    %get3A_127 = vector.load %arg6[%get3A_124, %get3A_125, %get3A_126] : memref<4x256x68xf32, #tpu.memory_space<vmem>>, vector<1x256x68xf32>
    %get3A_128 = vector.shape_cast %get3A_127 : vector<1x256x68xf32> to vector<256x68xf32>
    %concatenate3A_129 = tpu.concatenate %dot_general3A_121, %dot_general3A_123 in 1 : vector<256x64xf32>, vector<256x4xf32> -> vector<256x68xf32>
    %add3A_130 = arith.addf %get3A_128, %concatenate3A_129 : vector<256x68xf32>
    %swap3A_131 = arith.constant 1 : index
    %swap3A_132 = arith.constant 0 : index
    %swap3A_133 = arith.constant 0 : index
    %swap3A_134 = vector.load %arg6[%swap3A_131, %swap3A_132, %swap3A_133] : memref<4x256x68xf32, #tpu.memory_space<vmem>>, vector<1x256x68xf32>
    %swap3A_135 = vector.shape_cast %swap3A_134 : vector<1x256x68xf32> to vector<256x68xf32>
    %swap3A_136 = vector.shape_cast %add3A_130 : vector<256x68xf32> to vector<1x256x68xf32>
    tpu.vector_store %arg6[%swap3A_131, %swap3A_132, %swap3A_133], %swap3A_136 {strides = array<i32>} : memref<4x256x68xf32, #tpu.memory_space<vmem>>, vector<1x256x68xf32>,
    %max3A_137 = arith.constant 0.000000e+00 : f32
    %max3A_138 = vector.broadcast %max3A_137 : f32 to vector<1x2048xf32>
    %max3A_139 = arith.maximumf %slice3A_102, %max3A_138 : vector<1x2048xf32>
    %mul3A_140 = arith.mulf %slice3A_102, %convert_element_type3A_101 : vector<1x2048xf32>
    %sub3A_141 = arith.subf %max3A_139, %mul3A_140 : vector<1x2048xf32>
    %abs3A_142 = math.absf %slice3A_102 : vector<1x2048xf32>
    %neg3A_143 = arith.constant 0.000000e+00 : f32
    %neg3A_144 = vector.broadcast %neg3A_143 : f32 to vector<1x2048xf32>
    %neg3A_145 = arith.subf %neg3A_144, %abs3A_142 : vector<1x2048xf32>
    %exp3A_146 = math.exp %neg3A_145 : vector<1x2048xf32>
    %log1p3A_147 = math.log1p %exp3A_146 : vector<1x2048xf32>
    %add3A_148 = arith.addf %sub3A_141, %log1p3A_147 : vector<1x2048xf32>
    %sub3A_149 = arith.constant 1.000000e+00 : f32
    %sub3A_150 = vector.broadcast %sub3A_149 : f32 to vector<1x2048xf32>
    %sub3A_151 = arith.subf %sub3A_150, %convert_element_type3A_101 : vector<1x2048xf32>
    %mul3A_152 = arith.mulf %add3A_148, %sub3A_151 : vector<1x2048xf32>
    %reduce_sum3A_153 = vector.shape_cast %mul3A_152 : vector<1x2048xf32> to vector<1x1x2048xf32>
    %reduce_sum3A_154 = arith.constant dense<0.000000e+00> : vector<1xf32>
    %reduce_sum3A_155 = vector.multi_reduction <add>, %reduce_sum3A_153, %reduce_sum3A_154 [1, 2] : vector<1x1x2048xf32> to vector<1xf32>
    %reduce_sum3A_156 = vector.shape_cast %reduce_sum3A_155 : vector<1xf32> to vector<1x1x1xf32>
    %reduce_sum3A_157 = vector.extract %reduce_sum3A_156[0, 0, 0] : f32 from vector<1x1x1xf32>
    %reshape3A_158 = vector.broadcast %reduce_sum3A_157 : f32 to vector<1x1xf32>
    %mul3A_159 = arith.mulf %add3A_148, %convert_element_type3A_101 : vector<1x2048xf32>
    %reduce_sum3A_160 = vector.shape_cast %mul3A_159 : vector<1x2048xf32> to vector<1x1x2048xf32>
    %reduce_sum3A_161 = arith.constant dense<0.000000e+00> : vector<1xf32>
    %reduce_sum3A_162 = vector.multi_reduction <add>, %reduce_sum3A_160, %reduce_sum3A_161 [1, 2] : vector<1x1x2048xf32> to vector<1xf32>
    %reduce_sum3A_163 = vector.shape_cast %reduce_sum3A_162 : vector<1xf32> to vector<1x1x1xf32>
    %reduce_sum3A_164 = vector.extract %reduce_sum3A_163[0, 0, 0] : f32 from vector<1x1x1xf32>
    %reshape3A_165 = vector.broadcast %reduce_sum3A_164 : f32 to vector<1x1xf32>
    %concatenate3A_166 = tpu.concatenate %reshape3A_158, %reshape3A_165 in 1 : vector<1x1xf32>, vector<1x1xf32> -> vector<1x2xf32>
    %slice3A_167 = vector.extract_strided_slice %get3A_8 {offsets = [2, 0], sizes = [1, 2048], strides = [1, 1]} : vector<4x2048xi32> to vector<1x2048xi32>
    %eq3A_168 = vector.broadcast %iota3A : vector<256x1xi32> to vector<256x2048xi32>
    %eq3A_169 = vector.broadcast %slice3A_167 : vector<1x2048xi32> to vector<256x2048xi32>
    %eq3A_170 = arith.cmpi eq, %eq3A_168, %eq3A_169 : vector<256x2048xi32>
    %convert_element_type3A_171 = arith.extui %eq3A_170 : vector<256x2048xi1> to vector<256x2048xi32>
    %convert_element_type3A_172 = arith.sitofp %convert_element_type3A_171 : vector<256x2048xi32> to vector<256x2048xf32>
    %slice3A_173 = vector.extract_strided_slice %get3A_2 {offsets = [2, 0, 0], sizes = [1, 2048, 64], strides = [1, 1, 1]} : vector<4x2048x64xf32> to vector<1x2048x64xf32>
    %squeeze3A_174 = vector.shape_cast %slice3A_173 : vector<1x2048x64xf32> to vector<2048x64xf32>
    %mul3A_175 = arith.mulf %squeeze3A_174, %squeeze3A_174 : vector<2048x64xf32>
    %dot_general3A_176 = arith.constant dense<0.000000e+00> : vector<1x2048xf32>
    %dot_general3A_177 = tpu.matmul %broadcast_in_dim3A_15, %mul3A_175, %dot_general3A_176 {dimension_numbers = #tpu.dot_dimension_numbers<[1], [1], [0], [0], [0, 0, 1, 0], [], []>, transpose_lhs_hint = false} : vector<1x64xf32>, vector<2048x64xf32>, vector<1x2048xf32> -> vector<1x2048xf32>
    %slice3A_178 = vector.extract_strided_slice %get3A_11 {offsets = [2, 0], sizes = [1, 2048], strides = [1, 1]} : vector<4x2048xi32> to vector<1x2048xi32>
    %eq3A_179 = arith.constant 1 : i32
    %eq3A_180 = vector.broadcast %eq3A_179 : i32 to vector<1x2048xi32>
    %eq3A_181 = arith.cmpi eq, %slice3A_178, %eq3A_180 : vector<1x2048xi32>
    %convert_element_type3A_182 = arith.extui %eq3A_181 : vector<1x2048xi1> to vector<1x2048xi32>
    %convert_element_type3A_183 = arith.sitofp %convert_element_type3A_182 : vector<1x2048xi32> to vector<1x2048xf32>
    %slice3A_184 = vector.extract_strided_slice %get3A_5 {offsets = [2, 0], sizes = [1, 2048], strides = [1, 1]} : vector<4x2048xf32> to vector<1x2048xf32>
    %slice3A_185 = vector.extract_strided_slice %get3A_14 {offsets = [2, 0], sizes = [1, 256], strides = [1, 1]} : vector<4x256xf32> to vector<1x256xf32>
    %dot_general3A_186 = arith.constant dense<0.000000e+00> : vector<1x2048xf32>
    %dot_general3A_187 = tpu.matmul %slice3A_185, %convert_element_type3A_172, %dot_general3A_186 {dimension_numbers = #tpu.dot_dimension_numbers<[1], [0], [0], [1], [0, 0, 1, 1], [], []>, transpose_lhs_hint = false} : vector<1x256xf32>, vector<256x2048xf32>, vector<1x2048xf32> -> vector<1x2048xf32>
    %add3A_188 = arith.constant 3.000000e-01 : f32
    %add3A_189 = vector.broadcast %add3A_188 : f32 to vector<1x2048xf32>
    %add3A_190 = arith.addf %slice3A_184, %add3A_189 : vector<1x2048xf32>
    %sub3A_191 = arith.subf %add3A_190, %dot_general3A_187 : vector<1x2048xf32>
    %max3A_192 = arith.constant 0.000000e+00 : f32
    %max3A_193 = vector.broadcast %max3A_192 : f32 to vector<1x2048xf32>
    %max3A_194 = arith.maximumf %sub3A_191, %max3A_193 : vector<1x2048xf32>
    %sub3A_195 = arith.constant 1.000000e+00 : f32
    %sub3A_196 = vector.broadcast %sub3A_195 : f32 to vector<1x2048xf32>
    %sub3A_197 = arith.subf %sub3A_196, %convert_element_type3A_183 : vector<1x2048xf32>
    %mul3A_198 = arith.mulf %max3A_194, %sub3A_197 : vector<1x2048xf32>
    %broadcast_in_dim3A_199 = arith.constant 1.000000e+00 : f32
    %broadcast_in_dim3A_200 = vector.broadcast %broadcast_in_dim3A_199 : f32 to vector<1x2048xf32>
    %concatenate3A_201 = tpu.concatenate %dot_general3A_177, %broadcast_in_dim3A_200, %convert_element_type3A_183, %mul3A_198 in 0 : vector<1x2048xf32>, vector<1x2048xf32>, vector<1x2048xf32>, vector<1x2048xf32> -> vector<4x2048xf32>
    %dot_general3A_202 = arith.constant dense<0.000000e+00> : vector<256x64xf32>
    %dot_general3A_203 = tpu.matmul %convert_element_type3A_172, %squeeze3A_174, %dot_general3A_202 {dimension_numbers = #tpu.dot_dimension_numbers<[1], [0], [0], [1], [0, 0, 1, 1], [], []>, transpose_lhs_hint = false} : vector<256x2048xf32>, vector<2048x64xf32>, vector<256x64xf32> -> vector<256x64xf32>
    %dot_general3A_204 = arith.constant dense<0.000000e+00> : vector<256x4xf32>
    %dot_general3A_205 = tpu.matmul %convert_element_type3A_172, %concatenate3A_201, %dot_general3A_204 {dimension_numbers = #tpu.dot_dimension_numbers<[1], [1], [0], [0], [0, 0, 1, 0], [], []>, transpose_lhs_hint = false} : vector<256x2048xf32>, vector<4x2048xf32>, vector<256x4xf32> -> vector<256x4xf32>
    %get3A_206 = arith.constant 2 : index
    %get3A_207 = arith.constant 0 : index
    %get3A_208 = arith.constant 0 : index
    %get3A_209 = vector.load %arg6[%get3A_206, %get3A_207, %get3A_208] : memref<4x256x68xf32, #tpu.memory_space<vmem>>, vector<1x256x68xf32>
    %get3A_210 = vector.shape_cast %get3A_209 : vector<1x256x68xf32> to vector<256x68xf32>
    %concatenate3A_211 = tpu.concatenate %dot_general3A_203, %dot_general3A_205 in 1 : vector<256x64xf32>, vector<256x4xf32> -> vector<256x68xf32>
    %add3A_212 = arith.addf %get3A_210, %concatenate3A_211 : vector<256x68xf32>
    %swap3A_213 = arith.constant 2 : index
    %swap3A_214 = arith.constant 0 : index
    %swap3A_215 = arith.constant 0 : index
    %swap3A_216 = vector.load %arg6[%swap3A_213, %swap3A_214, %swap3A_215] : memref<4x256x68xf32, #tpu.memory_space<vmem>>, vector<1x256x68xf32>
    %swap3A_217 = vector.shape_cast %swap3A_216 : vector<1x256x68xf32> to vector<256x68xf32>
    %swap3A_218 = vector.shape_cast %add3A_212 : vector<256x68xf32> to vector<1x256x68xf32>
    tpu.vector_store %arg6[%swap3A_213, %swap3A_214, %swap3A_215], %swap3A_218 {strides = array<i32>} : memref<4x256x68xf32, #tpu.memory_space<vmem>>, vector<1x256x68xf32>,
    %max3A_219 = arith.constant 0.000000e+00 : f32
    %max3A_220 = vector.broadcast %max3A_219 : f32 to vector<1x2048xf32>
    %max3A_221 = arith.maximumf %slice3A_184, %max3A_220 : vector<1x2048xf32>
    %mul3A_222 = arith.mulf %slice3A_184, %convert_element_type3A_183 : vector<1x2048xf32>
    %sub3A_223 = arith.subf %max3A_221, %mul3A_222 : vector<1x2048xf32>
    %abs3A_224 = math.absf %slice3A_184 : vector<1x2048xf32>
    %neg3A_225 = arith.constant 0.000000e+00 : f32
    %neg3A_226 = vector.broadcast %neg3A_225 : f32 to vector<1x2048xf32>
    %neg3A_227 = arith.subf %neg3A_226, %abs3A_224 : vector<1x2048xf32>
    %exp3A_228 = math.exp %neg3A_227 : vector<1x2048xf32>
    %log1p3A_229 = math.log1p %exp3A_228 : vector<1x2048xf32>
    %add3A_230 = arith.addf %sub3A_223, %log1p3A_229 : vector<1x2048xf32>
    %sub3A_231 = arith.constant 1.000000e+00 : f32
    %sub3A_232 = vector.broadcast %sub3A_231 : f32 to vector<1x2048xf32>
    %sub3A_233 = arith.subf %sub3A_232, %convert_element_type3A_183 : vector<1x2048xf32>
    %mul3A_234 = arith.mulf %add3A_230, %sub3A_233 : vector<1x2048xf32>
    %reduce_sum3A_235 = vector.shape_cast %mul3A_234 : vector<1x2048xf32> to vector<1x1x2048xf32>
    %reduce_sum3A_236 = arith.constant dense<0.000000e+00> : vector<1xf32>
    %reduce_sum3A_237 = vector.multi_reduction <add>, %reduce_sum3A_235, %reduce_sum3A_236 [1, 2] : vector<1x1x2048xf32> to vector<1xf32>
    %reduce_sum3A_238 = vector.shape_cast %reduce_sum3A_237 : vector<1xf32> to vector<1x1x1xf32>
    %reduce_sum3A_239 = vector.extract %reduce_sum3A_238[0, 0, 0] : f32 from vector<1x1x1xf32>
    %reshape3A_240 = vector.broadcast %reduce_sum3A_239 : f32 to vector<1x1xf32>
    %mul3A_241 = arith.mulf %add3A_230, %convert_element_type3A_183 : vector<1x2048xf32>
    %reduce_sum3A_242 = vector.shape_cast %mul3A_241 : vector<1x2048xf32> to vector<1x1x2048xf32>
    %reduce_sum3A_243 = arith.constant dense<0.000000e+00> : vector<1xf32>
    %reduce_sum3A_244 = vector.multi_reduction <add>, %reduce_sum3A_242, %reduce_sum3A_243 [1, 2] : vector<1x1x2048xf32> to vector<1xf32>
    %reduce_sum3A_245 = vector.shape_cast %reduce_sum3A_244 : vector<1xf32> to vector<1x1x1xf32>
    %reduce_sum3A_246 = vector.extract %reduce_sum3A_245[0, 0, 0] : f32 from vector<1x1x1xf32>
    %reshape3A_247 = vector.broadcast %reduce_sum3A_246 : f32 to vector<1x1xf32>
    %concatenate3A_248 = tpu.concatenate %reshape3A_240, %reshape3A_247 in 1 : vector<1x1xf32>, vector<1x1xf32> -> vector<1x2xf32>
    %slice3A_249 = vector.extract_strided_slice %get3A_8 {offsets = [3, 0], sizes = [1, 2048], strides = [1, 1]} : vector<4x2048xi32> to vector<1x2048xi32>
    %eq3A_250 = vector.broadcast %iota3A : vector<256x1xi32> to vector<256x2048xi32>
    %eq3A_251 = vector.broadcast %slice3A_249 : vector<1x2048xi32> to vector<256x2048xi32>
    %eq3A_252 = arith.cmpi eq, %eq3A_250, %eq3A_251 : vector<256x2048xi32>
    %convert_element_type3A_253 = arith.extui %eq3A_252 : vector<256x2048xi1> to vector<256x2048xi32>
    %convert_element_type3A_254 = arith.sitofp %convert_element_type3A_253 : vector<256x2048xi32> to vector<256x2048xf32>
    %slice3A_255 = vector.extract_strided_slice %get3A_2 {offsets = [3, 0, 0], sizes = [1, 2048, 64], strides = [1, 1, 1]} : vector<4x2048x64xf32> to vector<1x2048x64xf32>
    %squeeze3A_256 = vector.shape_cast %slice3A_255 : vector<1x2048x64xf32> to vector<2048x64xf32>
    %mul3A_257 = arith.mulf %squeeze3A_256, %squeeze3A_256 : vector<2048x64xf32>
    %dot_general3A_258 = arith.constant dense<0.000000e+00> : vector<1x2048xf32>
    %dot_general3A_259 = tpu.matmul %broadcast_in_dim3A_15, %mul3A_257, %dot_general3A_258 {dimension_numbers = #tpu.dot_dimension_numbers<[1], [1], [0], [0], [0, 0, 1, 0], [], []>, transpose_lhs_hint = false} : vector<1x64xf32>, vector<2048x64xf32>, vector<1x2048xf32> -> vector<1x2048xf32>
    %slice3A_260 = vector.extract_strided_slice %get3A_11 {offsets = [3, 0], sizes = [1, 2048], strides = [1, 1]} : vector<4x2048xi32> to vector<1x2048xi32>
    %eq3A_261 = arith.constant 1 : i32
    %eq3A_262 = vector.broadcast %eq3A_261 : i32 to vector<1x2048xi32>
    %eq3A_263 = arith.cmpi eq, %slice3A_260, %eq3A_262 : vector<1x2048xi32>
    %convert_element_type3A_264 = arith.extui %eq3A_263 : vector<1x2048xi1> to vector<1x2048xi32>
    %convert_element_type3A_265 = arith.sitofp %convert_element_type3A_264 : vector<1x2048xi32> to vector<1x2048xf32>
    %slice3A_266 = vector.extract_strided_slice %get3A_5 {offsets = [3, 0], sizes = [1, 2048], strides = [1, 1]} : vector<4x2048xf32> to vector<1x2048xf32>
    %slice3A_267 = vector.extract_strided_slice %get3A_14 {offsets = [3, 0], sizes = [1, 256], strides = [1, 1]} : vector<4x256xf32> to vector<1x256xf32>
    %dot_general3A_268 = arith.constant dense<0.000000e+00> : vector<1x2048xf32>
    %dot_general3A_269 = tpu.matmul %slice3A_267, %convert_element_type3A_254, %dot_general3A_268 {dimension_numbers = #tpu.dot_dimension_numbers<[1], [0], [0], [1], [0, 0, 1, 1], [], []>, transpose_lhs_hint = false} : vector<1x256xf32>, vector<256x2048xf32>, vector<1x2048xf32> -> vector<1x2048xf32>
    %add3A_270 = arith.constant 3.000000e-01 : f32
    %add3A_271 = vector.broadcast %add3A_270 : f32 to vector<1x2048xf32>
    %add3A_272 = arith.addf %slice3A_266, %add3A_271 : vector<1x2048xf32>
    %sub3A_273 = arith.subf %add3A_272, %dot_general3A_269 : vector<1x2048xf32>
    %max3A_274 = arith.constant 0.000000e+00 : f32
    %max3A_275 = vector.broadcast %max3A_274 : f32 to vector<1x2048xf32>
    %max3A_276 = arith.maximumf %sub3A_273, %max3A_275 : vector<1x2048xf32>
    %sub3A_277 = arith.constant 1.000000e+00 : f32
    %sub3A_278 = vector.broadcast %sub3A_277 : f32 to vector<1x2048xf32>
    %sub3A_279 = arith.subf %sub3A_278, %convert_element_type3A_265 : vector<1x2048xf32>
    %mul3A_280 = arith.mulf %max3A_276, %sub3A_279 : vector<1x2048xf32>
    %broadcast_in_dim3A_281 = arith.constant 1.000000e+00 : f32
    %broadcast_in_dim3A_282 = vector.broadcast %broadcast_in_dim3A_281 : f32 to vector<1x2048xf32>
    %concatenate3A_283 = tpu.concatenate %dot_general3A_259, %broadcast_in_dim3A_282, %convert_element_type3A_265, %mul3A_280 in 0 : vector<1x2048xf32>, vector<1x2048xf32>, vector<1x2048xf32>, vector<1x2048xf32> -> vector<4x2048xf32>
    %dot_general3A_284 = arith.constant dense<0.000000e+00> : vector<256x64xf32>
    %dot_general3A_285 = tpu.matmul %convert_element_type3A_254, %squeeze3A_256, %dot_general3A_284 {dimension_numbers = #tpu.dot_dimension_numbers<[1], [0], [0], [1], [0, 0, 1, 1], [], []>, transpose_lhs_hint = false} : vector<256x2048xf32>, vector<2048x64xf32>, vector<256x64xf32> -> vector<256x64xf32>
    %dot_general3A_286 = arith.constant dense<0.000000e+00> : vector<256x4xf32>
    %dot_general3A_287 = tpu.matmul %convert_element_type3A_254, %concatenate3A_283, %dot_general3A_286 {dimension_numbers = #tpu.dot_dimension_numbers<[1], [1], [0], [0], [0, 0, 1, 0], [], []>, transpose_lhs_hint = false} : vector<256x2048xf32>, vector<4x2048xf32>, vector<256x4xf32> -> vector<256x4xf32>
    %get3A_288 = arith.constant 3 : index
    %get3A_289 = arith.constant 0 : index
    %get3A_290 = arith.constant 0 : index
    %get3A_291 = vector.load %arg6[%get3A_288, %get3A_289, %get3A_290] : memref<4x256x68xf32, #tpu.memory_space<vmem>>, vector<1x256x68xf32>
    %get3A_292 = vector.shape_cast %get3A_291 : vector<1x256x68xf32> to vector<256x68xf32>
    %concatenate3A_293 = tpu.concatenate %dot_general3A_285, %dot_general3A_287 in 1 : vector<256x64xf32>, vector<256x4xf32> -> vector<256x68xf32>
    %add3A_294 = arith.addf %get3A_292, %concatenate3A_293 : vector<256x68xf32>
    %swap3A_295 = arith.constant 3 : index
    %swap3A_296 = arith.constant 0 : index
    %swap3A_297 = arith.constant 0 : index
    %swap3A_298 = vector.load %arg6[%swap3A_295, %swap3A_296, %swap3A_297] : memref<4x256x68xf32, #tpu.memory_space<vmem>>, vector<1x256x68xf32>
    %swap3A_299 = vector.shape_cast %swap3A_298 : vector<1x256x68xf32> to vector<256x68xf32>
    %swap3A_300 = vector.shape_cast %add3A_294 : vector<256x68xf32> to vector<1x256x68xf32>
    tpu.vector_store %arg6[%swap3A_295, %swap3A_296, %swap3A_297], %swap3A_300 {strides = array<i32>} : memref<4x256x68xf32, #tpu.memory_space<vmem>>, vector<1x256x68xf32>,
    %max3A_301 = arith.constant 0.000000e+00 : f32
    %max3A_302 = vector.broadcast %max3A_301 : f32 to vector<1x2048xf32>
    %max3A_303 = arith.maximumf %slice3A_266, %max3A_302 : vector<1x2048xf32>
    %mul3A_304 = arith.mulf %slice3A_266, %convert_element_type3A_265 : vector<1x2048xf32>
    %sub3A_305 = arith.subf %max3A_303, %mul3A_304 : vector<1x2048xf32>
    %abs3A_306 = math.absf %slice3A_266 : vector<1x2048xf32>
    %neg3A_307 = arith.constant 0.000000e+00 : f32
    %neg3A_308 = vector.broadcast %neg3A_307 : f32 to vector<1x2048xf32>
    %neg3A_309 = arith.subf %neg3A_308, %abs3A_306 : vector<1x2048xf32>
    %exp3A_310 = math.exp %neg3A_309 : vector<1x2048xf32>
    %log1p3A_311 = math.log1p %exp3A_310 : vector<1x2048xf32>
    %add3A_312 = arith.addf %sub3A_305, %log1p3A_311 : vector<1x2048xf32>
    %sub3A_313 = arith.constant 1.000000e+00 : f32
    %sub3A_314 = vector.broadcast %sub3A_313 : f32 to vector<1x2048xf32>
    %sub3A_315 = arith.subf %sub3A_314, %convert_element_type3A_265 : vector<1x2048xf32>
    %mul3A_316 = arith.mulf %add3A_312, %sub3A_315 : vector<1x2048xf32>
    %reduce_sum3A_317 = vector.shape_cast %mul3A_316 : vector<1x2048xf32> to vector<1x1x2048xf32>
    %reduce_sum3A_318 = arith.constant dense<0.000000e+00> : vector<1xf32>
    %reduce_sum3A_319 = vector.multi_reduction <add>, %reduce_sum3A_317, %reduce_sum3A_318 [1, 2] : vector<1x1x2048xf32> to vector<1xf32>
    %reduce_sum3A_320 = vector.shape_cast %reduce_sum3A_319 : vector<1xf32> to vector<1x1x1xf32>
    %reduce_sum3A_321 = vector.extract %reduce_sum3A_320[0, 0, 0] : f32 from vector<1x1x1xf32>
    %reshape3A_322 = vector.broadcast %reduce_sum3A_321 : f32 to vector<1x1xf32>
    %mul3A_323 = arith.mulf %add3A_312, %convert_element_type3A_265 : vector<1x2048xf32>
    %reduce_sum3A_324 = vector.shape_cast %mul3A_323 : vector<1x2048xf32> to vector<1x1x2048xf32>
    %reduce_sum3A_325 = arith.constant dense<0.000000e+00> : vector<1xf32>
    %reduce_sum3A_326 = vector.multi_reduction <add>, %reduce_sum3A_324, %reduce_sum3A_325 [1, 2] : vector<1x1x2048xf32> to vector<1xf32>
    %reduce_sum3A_327 = vector.shape_cast %reduce_sum3A_326 : vector<1xf32> to vector<1x1x1xf32>
    %reduce_sum3A_328 = vector.extract %reduce_sum3A_327[0, 0, 0] : f32 from vector<1x1x1xf32>
    %reshape3A_329 = vector.broadcast %reduce_sum3A_328 : f32 to vector<1x1xf32>
    %concatenate3A_330 = tpu.concatenate %reshape3A_322, %reshape3A_329 in 1 : vector<1x1xf32>, vector<1x1xf32> -> vector<1x2xf32>
    %get3A_331 = arith.constant 0 : index
    %get3A_332 = arith.constant 0 : index
    %get3A_333 = vector.load %arg7[%get3A_331, %get3A_332] : memref<4x2xf32, #tpu.memory_space<vmem>>, vector<4x2xf32>
    %concatenate3A_334 = tpu.concatenate %concatenate3A_84, %concatenate3A_166, %concatenate3A_248, %concatenate3A_330 in 0 : vector<1x2xf32>, vector<1x2xf32>, vector<1x2xf32>, vector<1x2xf32> -> vector<4x2xf32>
    %add3A_335 = arith.addf %get3A_333, %concatenate3A_334 : vector<4x2xf32>
    %swap3A_336 = arith.constant 0 : index
    %swap3A_337 = arith.constant 0 : index
    %swap3A_338 = vector.load %arg7[%swap3A_336, %swap3A_337] : memref<4x2xf32, #tpu.memory_space<vmem>>, vector<4x2xf32>
    tpu.vector_store %arg7[%swap3A_336, %swap3A_337], %add3A_335 {strides = array<i32>} : memref<4x2xf32, #tpu.memory_space<vmem>>, vector<4x2xf32>,
    return
  }
  func.func @transform_0(%arg0: i32) -> (i32, i32, i32) {
    %c0_i32 = arith.constant 0 : i32
    %c0_i32_0 = arith.constant 0 : i32
    %c0_i32_1 = arith.constant 0 : i32
    return %c0_i32, %arg0, %c0_i32_0 : i32, i32, i32
  }
  func.func @transform_1(%arg0: i32) -> (i32, i32) {
    %c0_i32 = arith.constant 0 : i32
    %c0_i32_0 = arith.constant 0 : i32
    return %c0_i32, %arg0 : i32, i32
  }
  func.func @transform_2(%arg0: i32) -> (i32, i32) {
    %c0_i32 = arith.constant 0 : i32
    %c0_i32_0 = arith.constant 0 : i32
    return %c0_i32, %arg0 : i32, i32
  }
  func.func @transform_3(%arg0: i32) -> (i32, i32) {
    %c0_i32 = arith.constant 0 : i32
    %c0_i32_0 = arith.constant 0 : i32
    return %c0_i32, %arg0 : i32, i32
  }
  func.func @transform_4(%arg0: i32) -> (i32, i32) {
    %c0_i32 = arith.constant 0 : i32
    %c0_i32_0 = arith.constant 0 : i32
    %c0_i32_1 = arith.constant 0 : i32
    return %c0_i32, %c0_i32_0 : i32, i32
  }
  func.func @transform_5(%arg0: i32) -> (i32, i32, i32) {
    %c0_i32 = arith.constant 0 : i32
    %c0_i32_0 = arith.constant 0 : i32
    %c0_i32_1 = arith.constant 0 : i32
    %c0_i32_2 = arith.constant 0 : i32
    return %c0_i32, %c0_i32_0, %c0_i32_1 : i32, i32, i32
  }
  func.func @transform_6(%arg0: i32) -> (i32, i32) {
    %c0_i32 = arith.constant 0 : i32
    %c0_i32_0 = arith.constant 0 : i32
    %c0_i32_1 = arith.constant 0 : i32
    return %c0_i32, %c0_i32_0 : i32, i32
  }
}

module attributes {stable_mosaic.version = 14 : i64} {
  func.func @_stage_d_kernel(%arg0: i32, %arg1: i32, %arg2: memref<1x512x64xf32, #tpu.memory_space<vmem>>, %arg3: memref<1x2048x64xf32, #tpu.memory_space<vmem>>, %arg4: memref<1x8x16xi32, #tpu.memory_space<vmem>>, %arg5: memref<1x1x128xf32, #tpu.memory_space<vmem>>) attributes {dimension_semantics = [#tpu.dimension_semantics<arbitrary>, #tpu.dimension_semantics<arbitrary>], iteration_bounds = array<i64: 4, 4>, scalar_prefetch = 0 : i64, scratch_operands = 0 : i64, tpu.core_type = #tpu.core_type<tc>, window_params = [{transform_indices = @transform_0, window_bounds = array<i64: 1, 512, 64>}, {transform_indices = @transform_1, window_bounds = array<i64: 1, 2048, 64>}, {transform_indices = @transform_2, window_bounds = array<i64: 1, 8, 16>}, {transform_indices = @transform_3, window_bounds = array<i64: 1, 1, 128>}]} {
    %get3A = arith.constant 0 : index
    %get3A_0 = arith.constant 0 : index
    %get3A_1 = arith.constant 0 : index
    %get3A_2 = vector.load %arg2[%get3A, %get3A_0, %get3A_1] : memref<1x512x64xf32, #tpu.memory_space<vmem>>, vector<1x512x64xf32>
    %get3A_3 = vector.shape_cast %get3A_2 : vector<1x512x64xf32> to vector<512x64xf32>
    %get3A_4 = arith.constant 0 : index
    %get3A_5 = arith.constant 0 : index
    %get3A_6 = arith.constant 0 : index
    %get3A_7 = vector.load %arg3[%get3A_4, %get3A_5, %get3A_6] : memref<1x2048x64xf32, #tpu.memory_space<vmem>>, vector<1x2048x64xf32>
    %get3A_8 = vector.shape_cast %get3A_7 : vector<1x2048x64xf32> to vector<2048x64xf32>
    %get3A_9 = arith.constant 0 : index
    %get3A_10 = arith.constant 0 : index
    %get3A_11 = arith.constant 0 : index
    %get3A_12 = vector.load %arg4[%get3A_9, %get3A_10, %get3A_11] : memref<1x8x16xi32, #tpu.memory_space<vmem>>, vector<1x8x16xi32>
    %get3A_13 = vector.shape_cast %get3A_12 : vector<1x8x16xi32> to vector<8x16xi32>
    %slice3A = vector.extract_strided_slice %get3A_13 {offsets = [0, 0], sizes = [8, 1], strides = [1, 1]} : vector<8x16xi32> to vector<8x1xi32>
    %convert_element_type3A = arith.sitofp %slice3A : vector<8x1xi32> to vector<8x1xf32>
    %mul3A = arith.constant 512 : i32
    %mul3A_14 = arith.muli %arg1, %mul3A : i32
    %iota3A = tpu.iota {dimensions = array<i32: 0>} : vector<512x1xi32>
    %add3A = vector.broadcast %mul3A_14 : i32 to vector<512x1xi32>
    %add3A_15 = arith.addi %add3A, %iota3A : vector<512x1xi32>
    %jit3A = arith.constant 256 : i32
    %div3A = vector.broadcast %jit3A : i32 to vector<512x1xi32>
    %div3A_16 = arith.divsi %add3A_15, %div3A : vector<512x1xi32>
    %sign3A = arith.constant 0 : i32
    %sign3A_17 = vector.broadcast %sign3A : i32 to vector<512x1xi32>
    %sign3A_18 = arith.cmpi sgt, %add3A_15, %sign3A_17 : vector<512x1xi32>
    %sign3A_19 = arith.extui %sign3A_18 : vector<512x1xi1> to vector<512x1xi32>
    %sign3A_20 = arith.constant 0 : i32
    %sign3A_21 = vector.broadcast %sign3A_20 : i32 to vector<512x1xi32>
    %sign3A_22 = arith.cmpi slt, %add3A_15, %sign3A_21 : vector<512x1xi32>
    %sign3A_23 = arith.extui %sign3A_22 : vector<512x1xi1> to vector<512x1xi32>
    %sign3A_24 = arith.subi %sign3A_19, %sign3A_23 : vector<512x1xi32>
    %sign3A_25 = arith.constant 0 : i32
    %sign3A_26 = arith.cmpi sgt, %jit3A, %sign3A_25 : i32
    %sign3A_27 = arith.extui %sign3A_26 : i1 to i32
    %sign3A_28 = arith.constant 0 : i32
    %sign3A_29 = arith.cmpi slt, %jit3A, %sign3A_28 : i32
    %sign3A_30 = arith.extui %sign3A_29 : i1 to i32
    %sign3A_31 = arith.subi %sign3A_27, %sign3A_30 : i32
    %ne3A = vector.broadcast %sign3A_31 : i32 to vector<512x1xi32>
    %ne3A_32 = arith.cmpi ne, %sign3A_24, %ne3A : vector<512x1xi32>
    %rem3A = vector.broadcast %jit3A : i32 to vector<512x1xi32>
    %rem3A_33 = arith.remsi %add3A_15, %rem3A : vector<512x1xi32>
    %ne3A_34 = arith.constant 0 : i32
    %ne3A_35 = vector.broadcast %ne3A_34 : i32 to vector<512x1xi32>
    %ne3A_36 = arith.cmpi ne, %rem3A_33, %ne3A_35 : vector<512x1xi32>
    %and3A = arith.andi %ne3A_32, %ne3A_36 : vector<512x1xi1>
    %sub3A = arith.constant 1 : i32
    %sub3A_37 = vector.broadcast %sub3A : i32 to vector<512x1xi32>
    %sub3A_38 = arith.subi %div3A_16, %sub3A_37 : vector<512x1xi32>
    %select_n3A = arith.select %and3A, %sub3A_38, %div3A_16 : vector<512x1xi1>, vector<512x1xi32>
    %iota3A_39 = tpu.iota {dimensions = array<i32: 1>} : vector<1x8xi32>
    %eq3A = vector.broadcast %select_n3A : vector<512x1xi32> to vector<512x8xi32>
    %eq3A_40 = vector.broadcast %iota3A_39 : vector<1x8xi32> to vector<512x8xi32>
    %eq3A_41 = arith.cmpi eq, %eq3A, %eq3A_40 : vector<512x8xi32>
    %convert_element_type3A_42 = arith.extui %eq3A_41 : vector<512x8xi1> to vector<512x8xi32>
    %convert_element_type3A_43 = arith.sitofp %convert_element_type3A_42 : vector<512x8xi32> to vector<512x8xf32>
    %dot_general3A = arith.constant dense<0.000000e+00> : vector<512x1xf32>
    %dot_general3A_44 = tpu.matmul %convert_element_type3A_43, %convert_element_type3A, %dot_general3A {dimension_numbers = #tpu.dot_dimension_numbers<[1], [0], [0], [1], [0, 0, 1, 1], [], []>, transpose_lhs_hint = false} : vector<512x8xf32>, vector<8x1xf32>, vector<512x1xf32> -> vector<512x1xf32>
    %jit3A_45 = arith.constant 256 : i32
    %eq3A_46 = arith.constant 0 : i32
    %eq3A_47 = arith.cmpi eq, %jit3A_45, %eq3A_46 : i32
    %jit3A_48 = arith.constant 1 : i32
    %select_n3A_49 = arith.select %eq3A_47, %jit3A_48, %jit3A_45 : i32
    %rem3A_50 = vector.broadcast %select_n3A_49 : i32 to vector<512x1xi32>
    %rem3A_51 = arith.remsi %add3A_15, %rem3A_50 : vector<512x1xi32>
    %ne3A_52 = arith.constant 0 : i32
    %ne3A_53 = vector.broadcast %ne3A_52 : i32 to vector<512x1xi32>
    %ne3A_54 = arith.cmpi ne, %rem3A_51, %ne3A_53 : vector<512x1xi32>
    %lt3A = arith.constant 0 : i32
    %lt3A_55 = vector.broadcast %lt3A : i32 to vector<512x1xi32>
    %lt3A_56 = arith.cmpi slt, %rem3A_51, %lt3A_55 : vector<512x1xi32>
    %lt3A_57 = arith.constant 0 : i32
    %lt3A_58 = arith.cmpi slt, %select_n3A_49, %lt3A_57 : i32
    %ne3A_59 = vector.broadcast %lt3A_58 : i1 to vector<512x1xi1>
    %ne3A_60 = vector.broadcast %ne3A_59 : vector<512x1xi1> to vector<512x1xi1>
    %ne3A_61 = arith.xori %lt3A_56, %ne3A_60 : vector<512x1xi1>
    %and3A_62 = arith.andi %ne3A_61, %ne3A_54 : vector<512x1xi1>
    %add3A_63 = vector.broadcast %select_n3A_49 : i32 to vector<512x1xi32>
    %add3A_64 = arith.addi %rem3A_51, %add3A_63 : vector<512x1xi32>
    %select_n3A_65 = arith.select %and3A_62, %add3A_64, %rem3A_51 : vector<512x1xi1>, vector<512x1xi32>
    %convert_element_type3A_66 = arith.sitofp %select_n3A_65 : vector<512x1xi32> to vector<512x1xf32>
    %lt3A_67 = arith.cmpf olt, %convert_element_type3A_66, %dot_general3A_44 : vector<512x1xf32>
    %convert_element_type3A_68 = arith.extui %lt3A_67 : vector<512x1xi1> to vector<512x1xi32>
    %convert_element_type3A_69 = arith.sitofp %convert_element_type3A_68 : vector<512x1xi32> to vector<512x1xf32>
    %iota3A_70 = tpu.iota {dimensions = array<i32: 0>} : vector<2048x1xi32>
    %add3A_71 = arith.constant 0 : i32
    %add3A_72 = vector.broadcast %add3A_71 : i32 to vector<2048x1xi32>
    %add3A_73 = arith.addi %add3A_72, %iota3A_70 : vector<2048x1xi32>
    %jit3A_74 = arith.constant 256 : i32
    %div3A_75 = vector.broadcast %jit3A_74 : i32 to vector<2048x1xi32>
    %div3A_76 = arith.divsi %add3A_73, %div3A_75 : vector<2048x1xi32>
    %sign3A_77 = arith.constant 0 : i32
    %sign3A_78 = vector.broadcast %sign3A_77 : i32 to vector<2048x1xi32>
    %sign3A_79 = arith.cmpi sgt, %add3A_73, %sign3A_78 : vector<2048x1xi32>
    %sign3A_80 = arith.extui %sign3A_79 : vector<2048x1xi1> to vector<2048x1xi32>
    %sign3A_81 = arith.constant 0 : i32
    %sign3A_82 = vector.broadcast %sign3A_81 : i32 to vector<2048x1xi32>
    %sign3A_83 = arith.cmpi slt, %add3A_73, %sign3A_82 : vector<2048x1xi32>
    %sign3A_84 = arith.extui %sign3A_83 : vector<2048x1xi1> to vector<2048x1xi32>
    %sign3A_85 = arith.subi %sign3A_80, %sign3A_84 : vector<2048x1xi32>
    %sign3A_86 = arith.constant 0 : i32
    %sign3A_87 = arith.cmpi sgt, %jit3A_74, %sign3A_86 : i32
    %sign3A_88 = arith.extui %sign3A_87 : i1 to i32
    %sign3A_89 = arith.constant 0 : i32
    %sign3A_90 = arith.cmpi slt, %jit3A_74, %sign3A_89 : i32
    %sign3A_91 = arith.extui %sign3A_90 : i1 to i32
    %sign3A_92 = arith.subi %sign3A_88, %sign3A_91 : i32
    %ne3A_93 = vector.broadcast %sign3A_92 : i32 to vector<2048x1xi32>
    %ne3A_94 = arith.cmpi ne, %sign3A_85, %ne3A_93 : vector<2048x1xi32>
    %rem3A_95 = vector.broadcast %jit3A_74 : i32 to vector<2048x1xi32>
    %rem3A_96 = arith.remsi %add3A_73, %rem3A_95 : vector<2048x1xi32>
    %ne3A_97 = arith.constant 0 : i32
    %ne3A_98 = vector.broadcast %ne3A_97 : i32 to vector<2048x1xi32>
    %ne3A_99 = arith.cmpi ne, %rem3A_96, %ne3A_98 : vector<2048x1xi32>
    %and3A_100 = arith.andi %ne3A_94, %ne3A_99 : vector<2048x1xi1>
    %sub3A_101 = arith.constant 1 : i32
    %sub3A_102 = vector.broadcast %sub3A_101 : i32 to vector<2048x1xi32>
    %sub3A_103 = arith.subi %div3A_76, %sub3A_102 : vector<2048x1xi32>
    %select_n3A_104 = arith.select %and3A_100, %sub3A_103, %div3A_76 : vector<2048x1xi1>, vector<2048x1xi32>
    %iota3A_105 = tpu.iota {dimensions = array<i32: 1>} : vector<1x8xi32>
    %eq3A_106 = vector.broadcast %select_n3A_104 : vector<2048x1xi32> to vector<2048x8xi32>
    %eq3A_107 = vector.broadcast %iota3A_105 : vector<1x8xi32> to vector<2048x8xi32>
    %eq3A_108 = arith.cmpi eq, %eq3A_106, %eq3A_107 : vector<2048x8xi32>
    %convert_element_type3A_109 = arith.extui %eq3A_108 : vector<2048x8xi1> to vector<2048x8xi32>
    %convert_element_type3A_110 = arith.sitofp %convert_element_type3A_109 : vector<2048x8xi32> to vector<2048x8xf32>
    %dot_general3A_111 = arith.constant dense<0.000000e+00> : vector<2048x1xf32>
    %dot_general3A_112 = tpu.matmul %convert_element_type3A_110, %convert_element_type3A, %dot_general3A_111 {dimension_numbers = #tpu.dot_dimension_numbers<[1], [0], [0], [1], [0, 0, 1, 1], [], []>, transpose_lhs_hint = false} : vector<2048x8xf32>, vector<8x1xf32>, vector<2048x1xf32> -> vector<2048x1xf32>
    %jit3A_113 = arith.constant 256 : i32
    %eq3A_114 = arith.constant 0 : i32
    %eq3A_115 = arith.cmpi eq, %jit3A_113, %eq3A_114 : i32
    %jit3A_116 = arith.constant 1 : i32
    %select_n3A_117 = arith.select %eq3A_115, %jit3A_116, %jit3A_113 : i32
    %rem3A_118 = vector.broadcast %select_n3A_117 : i32 to vector<2048x1xi32>
    %rem3A_119 = arith.remsi %add3A_73, %rem3A_118 : vector<2048x1xi32>
    %ne3A_120 = arith.constant 0 : i32
    %ne3A_121 = vector.broadcast %ne3A_120 : i32 to vector<2048x1xi32>
    %ne3A_122 = arith.cmpi ne, %rem3A_119, %ne3A_121 : vector<2048x1xi32>
    %lt3A_123 = arith.constant 0 : i32
    %lt3A_124 = vector.broadcast %lt3A_123 : i32 to vector<2048x1xi32>
    %lt3A_125 = arith.cmpi slt, %rem3A_119, %lt3A_124 : vector<2048x1xi32>
    %lt3A_126 = arith.constant 0 : i32
    %lt3A_127 = arith.cmpi slt, %select_n3A_117, %lt3A_126 : i32
    %ne3A_128 = vector.broadcast %lt3A_127 : i1 to vector<2048x1xi1>
    %ne3A_129 = vector.broadcast %ne3A_128 : vector<2048x1xi1> to vector<2048x1xi1>
    %ne3A_130 = arith.xori %lt3A_125, %ne3A_129 : vector<2048x1xi1>
    %and3A_131 = arith.andi %ne3A_130, %ne3A_122 : vector<2048x1xi1>
    %add3A_132 = vector.broadcast %select_n3A_117 : i32 to vector<2048x1xi32>
    %add3A_133 = arith.addi %rem3A_119, %add3A_132 : vector<2048x1xi32>
    %select_n3A_134 = arith.select %and3A_131, %add3A_133, %rem3A_119 : vector<2048x1xi1>, vector<2048x1xi32>
    %convert_element_type3A_135 = arith.sitofp %select_n3A_134 : vector<2048x1xi32> to vector<2048x1xf32>
    %lt3A_136 = arith.cmpf olt, %convert_element_type3A_135, %dot_general3A_112 : vector<2048x1xf32>
    %convert_element_type3A_137 = arith.extui %lt3A_136 : vector<2048x1xi1> to vector<2048x1xi32>
    %convert_element_type3A_138 = arith.sitofp %convert_element_type3A_137 : vector<2048x1xi32> to vector<2048x1xf32>
    %eq3A_139 = arith.constant 0 : i32
    %eq3A_140 = arith.cmpi eq, %arg1, %eq3A_139 : i32
    %mul3A_141 = arith.mulf %get3A_3, %get3A_3 : vector<512x64xf32>
    %reduce_sum3A = arith.constant dense<0.000000e+00> : vector<512xf32>
    %reduce_sum3A_142 = vector.multi_reduction <add>, %mul3A_141, %reduce_sum3A [1] : vector<512x64xf32> to vector<512xf32>
    %broadcast_in_dim3A = vector.shape_cast %reduce_sum3A_142 : vector<512xf32> to vector<512x1xf32>
    %mul3A_143 = arith.mulf %get3A_8, %get3A_8 : vector<2048x64xf32>
    %reduce_sum3A_144 = arith.constant dense<0.000000e+00> : vector<2048xf32>
    %reduce_sum3A_145 = vector.multi_reduction <add>, %mul3A_143, %reduce_sum3A_144 [1] : vector<2048x64xf32> to vector<2048xf32>
    %broadcast_in_dim3A_146 = vector.shape_cast %reduce_sum3A_145 : vector<2048xf32> to vector<2048x1xf32>
    %sub3A_147 = arith.constant 1.000000e+00 : f32
    %sub3A_148 = vector.broadcast %sub3A_147 : f32 to vector<2048x1xf32>
    %sub3A_149 = arith.subf %sub3A_148, %convert_element_type3A_138 : vector<2048x1xf32>
    %mul3A_150 = arith.constant 1.000000e+09 : f32
    %mul3A_151 = vector.broadcast %mul3A_150 : f32 to vector<2048x1xf32>
    %mul3A_152 = arith.mulf %sub3A_149, %mul3A_151 : vector<2048x1xf32>
    %add3A_153 = arith.addf %broadcast_in_dim3A_146, %mul3A_152 : vector<2048x1xf32>
    %broadcast_in_dim3A_154 = arith.constant 1.000000e+00 : f32
    %broadcast_in_dim3A_155 = vector.broadcast %broadcast_in_dim3A_154 : f32 to vector<1x1xf32>
    %dot_general3A_156 = arith.constant dense<0.000000e+00> : vector<1x2048xf32>
    %dot_general3A_157 = tpu.matmul %broadcast_in_dim3A_155, %add3A_153, %dot_general3A_156 {dimension_numbers = #tpu.dot_dimension_numbers<[1], [1], [0], [0], [0, 0, 1, 0], [], []>, precision = #tpu.contract_precision<fp32>, transpose_lhs_hint = false} : vector<1x1xf32>, vector<2048x1xf32>, vector<1x2048xf32> -> vector<1x2048xf32>
    %dot_general3A_158 = arith.constant dense<0.000000e+00> : vector<512x2048xf32>
    %dot_general3A_159 = tpu.matmul %get3A_3, %get3A_8, %dot_general3A_158 {dimension_numbers = #tpu.dot_dimension_numbers<[1], [1], [0], [0], [0, 0, 1, 0], [], []>, transpose_lhs_hint = false} : vector<512x64xf32>, vector<2048x64xf32>, vector<512x2048xf32> -> vector<512x2048xf32>
    %add3A_160 = vector.broadcast %broadcast_in_dim3A : vector<512x1xf32> to vector<512x2048xf32>
    %add3A_161 = vector.broadcast %dot_general3A_157 : vector<1x2048xf32> to vector<512x2048xf32>
    %add3A_162 = arith.addf %add3A_160, %add3A_161 : vector<512x2048xf32>
    %mul3A_163 = arith.constant 2.000000e+00 : f32
    %mul3A_164 = vector.broadcast %mul3A_163 : f32 to vector<512x2048xf32>
    %mul3A_165 = arith.mulf %mul3A_164, %dot_general3A_159 : vector<512x2048xf32>
    %sub3A_166 = arith.subf %add3A_162, %mul3A_165 : vector<512x2048xf32>
    %max3A = arith.constant 0.000000e+00 : f32
    %max3A_167 = vector.broadcast %max3A : f32 to vector<512x2048xf32>
    %max3A_168 = arith.maximumf %sub3A_166, %max3A_167 : vector<512x2048xf32>
    %neg3A = arith.constant 0.000000e+00 : f32
    %neg3A_169 = vector.broadcast %neg3A : f32 to vector<512x2048xf32>
    %neg3A_170 = arith.subf %neg3A_169, %max3A_168 : vector<512x2048xf32>
    %exp3A = math.exp %neg3A_170 : vector<512x2048xf32>
    %mul3A_171 = vector.broadcast %convert_element_type3A_69 : vector<512x1xf32> to vector<512x2048xf32>
    %mul3A_172 = arith.mulf %exp3A, %mul3A_171 : vector<512x2048xf32>
    %reduce_sum3A_173 = vector.shape_cast %mul3A_172 : vector<512x2048xf32> to vector<1x512x2048xf32>
    %reduce_sum3A_174 = arith.constant dense<0.000000e+00> : vector<1xf32>
    %reduce_sum3A_175 = vector.multi_reduction <add>, %reduce_sum3A_173, %reduce_sum3A_174 [1, 2] : vector<1x512x2048xf32> to vector<1xf32>
    %reduce_sum3A_176 = vector.shape_cast %reduce_sum3A_175 : vector<1xf32> to vector<1x1x1xf32>
    %reduce_sum3A_177 = vector.extract %reduce_sum3A_176[0, 0, 0] : f32 from vector<1x1x1xf32>
    %reshape3A = vector.broadcast %reduce_sum3A_177 : f32 to vector<1x1x1xf32>
    %broadcast_in_dim3A_178 = vector.shape_cast %reshape3A : vector<1x1x1xf32> to vector<1x1x1xf32>
    %broadcast_in_dim3A_179 = vector.broadcast %broadcast_in_dim3A_178 : vector<1x1x1xf32> to vector<1x1x128xf32>
    %convert_element_type3A_180 = arith.extui %eq3A_140 : i1 to i32
    %cond3A = arith.constant 0 : i32
    %cond3A_181 = arith.cmpi ne, %convert_element_type3A_180, %cond3A : i32
    scf.if %cond3A_181 {
      %broadcast_in_dim3A_190 = arith.constant 0.000000e+00 : f32
      %broadcast_in_dim3A_191 = vector.broadcast %broadcast_in_dim3A_190 : f32 to vector<1x1x128xf32>
      %swap3A_192 = arith.constant 0 : index
      %swap3A_193 = arith.constant 0 : index
      %swap3A_194 = arith.constant 0 : index
      %swap3A_195 = vector.load %arg5[%swap3A_192, %swap3A_193, %swap3A_194] : memref<1x1x128xf32, #tpu.memory_space<vmem>>, vector<1x1x128xf32>
      tpu.vector_store %arg5[%swap3A_192, %swap3A_193, %swap3A_194], %broadcast_in_dim3A_191 {strides = array<i32>} : memref<1x1x128xf32, #tpu.memory_space<vmem>>, vector<1x1x128xf32>,
    } else {
    }
    %get3A_182 = arith.constant 0 : index
    %get3A_183 = arith.constant 0 : index
    %get3A_184 = arith.constant 0 : index
    %get3A_185 = vector.load %arg5[%get3A_182, %get3A_183, %get3A_184] : memref<1x1x128xf32, #tpu.memory_space<vmem>>, vector<1x1x128xf32>
    %add3A_186 = arith.addf %get3A_185, %broadcast_in_dim3A_179 : vector<1x1x128xf32>
    %swap3A = arith.constant 0 : index
    %swap3A_187 = arith.constant 0 : index
    %swap3A_188 = arith.constant 0 : index
    %swap3A_189 = vector.load %arg5[%swap3A, %swap3A_187, %swap3A_188] : memref<1x1x128xf32, #tpu.memory_space<vmem>>, vector<1x1x128xf32>
    tpu.vector_store %arg5[%swap3A, %swap3A_187, %swap3A_188], %add3A_186 {strides = array<i32>} : memref<1x1x128xf32, #tpu.memory_space<vmem>>, vector<1x1x128xf32>,
    return
  }
  func.func @transform_0(%arg0: i32, %arg1: i32) -> (i32, i32, i32) {
    %c0_i32 = arith.constant 0 : i32
    %c0_i32_0 = arith.constant 0 : i32
    return %arg0, %arg1, %c0_i32 : i32, i32, i32
  }
  func.func @transform_1(%arg0: i32, %arg1: i32) -> (i32, i32, i32) {
    %c0_i32 = arith.constant 0 : i32
    %c0_i32_0 = arith.constant 0 : i32
    %c0_i32_1 = arith.constant 0 : i32
    return %arg0, %c0_i32, %c0_i32_0 : i32, i32, i32
  }
  func.func @transform_2(%arg0: i32, %arg1: i32) -> (i32, i32, i32) {
    %c0_i32 = arith.constant 0 : i32
    %c0_i32_0 = arith.constant 0 : i32
    %c0_i32_1 = arith.constant 0 : i32
    return %arg0, %c0_i32, %c0_i32_0 : i32, i32, i32
  }
  func.func @transform_3(%arg0: i32, %arg1: i32) -> (i32, i32, i32) {
    %c0_i32 = arith.constant 0 : i32
    %c0_i32_0 = arith.constant 0 : i32
    %c0_i32_1 = arith.constant 0 : i32
    return %arg0, %c0_i32, %c0_i32_0 : i32, i32, i32
  }
}

module attributes {stable_mosaic.version = 14 : i64} {
  func.func @_stage_e_kernel(%arg0: memref<4x1x256xi32, #tpu.memory_space<vmem>>, %arg1: memref<4x256x64xf32, #tpu.memory_space<vmem>>, %arg2: memref<4x256x68xf32, #tpu.memory_space<vmem>>, %arg3: memref<4x2xf32, #tpu.memory_space<vmem>>, %arg4: memref<4x1x128xf32, #tpu.memory_space<vmem>>, %arg5: memref<1x1x8xf32, #tpu.memory_space<vmem>>) attributes {dimension_semantics = [], scalar_prefetch = 0 : i64, scratch_operands = 0 : i64, tpu.core_type = #tpu.core_type<tc>} {
    %get3A = arith.constant 0 : index
    %get3A_0 = arith.constant 0 : index
    %get3A_1 = arith.constant 0 : index
    %get3A_2 = vector.load %arg0[%get3A, %get3A_0, %get3A_1] : memref<4x1x256xi32, #tpu.memory_space<vmem>>, vector<4x1x256xi32>
    %squeeze3A = vector.shape_cast %get3A_2 : vector<4x1x256xi32> to vector<4x256xi32>
    %get3A_3 = arith.constant 0 : index
    %get3A_4 = arith.constant 0 : index
    %get3A_5 = arith.constant 0 : index
    %get3A_6 = vector.load %arg2[%get3A_3, %get3A_4, %get3A_5] : memref<4x256x68xf32, #tpu.memory_space<vmem>>, vector<4x256x68xf32>
    %slice3A = vector.extract_strided_slice %get3A_6 {offsets = [0, 0, 0], sizes = [4, 256, 64], strides = [1, 1, 1]} : vector<4x256x68xf32> to vector<4x256x64xf32>
    %slice3A_7 = vector.extract_strided_slice %get3A_6 {offsets = [0, 0, 64], sizes = [4, 256, 1], strides = [1, 1, 1]} : vector<4x256x68xf32> to vector<4x256x1xf32>
    %squeeze3A_8 = vector.shape_cast %slice3A_7 : vector<4x256x1xf32> to vector<4x256xf32>
    %slice3A_9 = vector.extract_strided_slice %get3A_6 {offsets = [0, 0, 65], sizes = [4, 256, 1], strides = [1, 1, 1]} : vector<4x256x68xf32> to vector<4x256x1xf32>
    %squeeze3A_10 = vector.shape_cast %slice3A_9 : vector<4x256x1xf32> to vector<4x256xf32>
    %slice3A_11 = vector.extract_strided_slice %get3A_6 {offsets = [0, 0, 66], sizes = [4, 256, 1], strides = [1, 1, 1]} : vector<4x256x68xf32> to vector<4x256x1xf32>
    %squeeze3A_12 = vector.shape_cast %slice3A_11 : vector<4x256x1xf32> to vector<4x256xf32>
    %slice3A_13 = vector.extract_strided_slice %get3A_6 {offsets = [0, 0, 67], sizes = [4, 256, 1], strides = [1, 1, 1]} : vector<4x256x68xf32> to vector<4x256x1xf32>
    %squeeze3A_14 = vector.shape_cast %slice3A_13 : vector<4x256x1xf32> to vector<4x256xf32>
    %sub3A = arith.subf %squeeze3A_10, %squeeze3A_12 : vector<4x256xf32>
    %get3A_15 = arith.constant 0 : index
    %get3A_16 = arith.constant 0 : index
    %get3A_17 = arith.constant 0 : index
    %get3A_18 = vector.load %arg1[%get3A_15, %get3A_16, %get3A_17] : memref<4x256x64xf32, #tpu.memory_space<vmem>>, vector<4x256x64xf32>
    %mul3A = arith.mulf %get3A_18, %get3A_18 : vector<4x256x64xf32>
    %reduce_sum3A = arith.constant dense<0.000000e+00> : vector<4x256xf32>
    %reduce_sum3A_19 = vector.multi_reduction <add>, %mul3A, %reduce_sum3A [2] : vector<4x256x64xf32> to vector<4x256xf32>
    %mul3A_20 = arith.mulf %get3A_18, %slice3A : vector<4x256x64xf32>
    %reduce_sum3A_21 = arith.constant dense<0.000000e+00> : vector<4x256xf32>
    %reduce_sum3A_22 = vector.multi_reduction <add>, %mul3A_20, %reduce_sum3A_21 [2] : vector<4x256x64xf32> to vector<4x256xf32>
    %mul3A_23 = arith.constant 2.000000e+00 : f32
    %mul3A_24 = vector.broadcast %mul3A_23 : f32 to vector<4x256xf32>
    %mul3A_25 = arith.mulf %mul3A_24, %reduce_sum3A_22 : vector<4x256xf32>
    %sub3A_26 = arith.subf %squeeze3A_8, %mul3A_25 : vector<4x256xf32>
    %mul3A_27 = arith.mulf %squeeze3A_10, %reduce_sum3A_19 : vector<4x256xf32>
    %add3A = arith.addf %sub3A_26, %mul3A_27 : vector<4x256xf32>
    %lt3A = arith.constant 65536 : i32
    %lt3A_28 = vector.broadcast %lt3A : i32 to vector<4x256xi32>
    %lt3A_29 = arith.cmpi slt, %squeeze3A, %lt3A_28 : vector<4x256xi32>
    %convert_element_type3A = arith.extui %lt3A_29 : vector<4x256xi1> to vector<4x256xi32>
    %convert_element_type3A_30 = arith.sitofp %convert_element_type3A : vector<4x256xi32> to vector<4x256xf32>
    %reduce_sum3A_31 = arith.constant dense<0.000000e+00> : vector<4xf32>
    %reduce_sum3A_32 = vector.multi_reduction <add>, %squeeze3A_12, %reduce_sum3A_31 [1] : vector<4x256xf32> to vector<4xf32>
    %broadcast_in_dim3A = vector.shape_cast %reduce_sum3A_32 : vector<4xf32> to vector<4x1xf32>
    %sub3A_33 = arith.constant 6.553600e+04 : f32
    %sub3A_34 = vector.broadcast %sub3A_33 : f32 to vector<4x1xf32>
    %sub3A_35 = arith.subf %sub3A_34, %broadcast_in_dim3A : vector<4x1xf32>
    %add3A_36 = arith.constant 9.99999997E-7 : f32
    %add3A_37 = vector.broadcast %add3A_36 : f32 to vector<4x1xf32>
    %add3A_38 = arith.addf %broadcast_in_dim3A, %add3A_37 : vector<4x1xf32>
    %div3A = arith.divf %sub3A_35, %add3A_38 : vector<4x1xf32>
    %get3A_39 = arith.constant 0 : index
    %get3A_40 = arith.constant 0 : index
    %get3A_41 = vector.load %arg3[%get3A_39, %get3A_40] : memref<4x2xf32, #tpu.memory_space<vmem>>, vector<4x2xf32>
    %slice3A_42 = vector.extract_strided_slice %get3A_41 {offsets = [0, 0], sizes = [4, 1], strides = [1, 1]} : vector<4x2xf32> to vector<4x1xf32>
    %slice3A_43 = vector.extract_strided_slice %get3A_41 {offsets = [0, 1], sizes = [4, 1], strides = [1, 1]} : vector<4x2xf32> to vector<4x1xf32>
    %mul3A_44 = arith.mulf %div3A, %slice3A_43 : vector<4x1xf32>
    %add3A_45 = arith.addf %slice3A_42, %mul3A_44 : vector<4x1xf32>
    %mul3A_46 = arith.constant 1.52587891E-5 : f32
    %mul3A_47 = vector.broadcast %mul3A_46 : f32 to vector<4x1xf32>
    %mul3A_48 = arith.mulf %add3A_45, %mul3A_47 : vector<4x1xf32>
    %max3A = arith.constant 1.000000e+00 : f32
    %max3A_49 = vector.broadcast %max3A : f32 to vector<4x256xf32>
    %max3A_50 = arith.maximumf %squeeze3A_10, %max3A_49 : vector<4x256xf32>
    %div3A_51 = arith.divf %add3A, %max3A_50 : vector<4x256xf32>
    %mul3A_52 = arith.mulf %convert_element_type3A_30, %div3A_51 : vector<4x256xf32>
    %reduce_sum3A_53 = arith.constant dense<0.000000e+00> : vector<4xf32>
    %reduce_sum3A_54 = vector.multi_reduction <add>, %mul3A_52, %reduce_sum3A_53 [1] : vector<4x256xf32> to vector<4xf32>
    %broadcast_in_dim3A_55 = vector.shape_cast %reduce_sum3A_54 : vector<4xf32> to vector<4x1xf32>
    %mul3A_56 = arith.constant 1.000000e+00 : f32
    %mul3A_57 = vector.broadcast %mul3A_56 : f32 to vector<4x1xf32>
    %mul3A_58 = arith.mulf %broadcast_in_dim3A_55, %mul3A_57 : vector<4x1xf32>
    %max3A_59 = arith.constant 1.000000e+00 : f32
    %max3A_60 = vector.broadcast %max3A_59 : f32 to vector<4x256xf32>
    %max3A_61 = arith.maximumf %sub3A, %max3A_60 : vector<4x256xf32>
    %div3A_62 = arith.divf %squeeze3A_14, %max3A_61 : vector<4x256xf32>
    %eq3A = arith.constant 1.000000e+00 : f32
    %eq3A_63 = vector.broadcast %eq3A : f32 to vector<4x256xf32>
    %eq3A_64 = arith.cmpf oeq, %squeeze3A_12, %eq3A_63 : vector<4x256xf32>
    %gt3A = arith.constant 0.000000e+00 : f32
    %gt3A_65 = vector.broadcast %gt3A : f32 to vector<4x256xf32>
    %gt3A_66 = arith.cmpf ogt, %sub3A, %gt3A_65 : vector<4x256xf32>
    %and3A = arith.andi %eq3A_64, %gt3A_66 : vector<4x256xi1>
    %convert_element_type3A_67 = arith.extui %and3A : vector<4x256xi1> to vector<4x256xi32>
    %convert_element_type3A_68 = arith.sitofp %convert_element_type3A_67 : vector<4x256xi32> to vector<4x256xf32>
    %gt3A_69 = arith.constant 0.000000e+00 : f32
    %gt3A_70 = vector.broadcast %gt3A_69 : f32 to vector<4x256xf32>
    %gt3A_71 = arith.cmpf ogt, %squeeze3A_10, %gt3A_70 : vector<4x256xf32>
    %convert_element_type3A_72 = arith.extui %gt3A_71 : vector<4x256xi1> to vector<4x256xi32>
    %convert_element_type3A_73 = arith.sitofp %convert_element_type3A_72 : vector<4x256xi32> to vector<4x256xf32>
    %reduce_sum3A_74 = arith.constant dense<0.000000e+00> : vector<4xf32>
    %reduce_sum3A_75 = vector.multi_reduction <add>, %convert_element_type3A_73, %reduce_sum3A_74 [1] : vector<4x256xf32> to vector<4xf32>
    %broadcast_in_dim3A_76 = vector.shape_cast %reduce_sum3A_75 : vector<4xf32> to vector<4x1xf32>
    %mul3A_77 = arith.mulf %convert_element_type3A_68, %div3A_62 : vector<4x256xf32>
    %reduce_sum3A_78 = arith.constant dense<0.000000e+00> : vector<4xf32>
    %reduce_sum3A_79 = vector.multi_reduction <add>, %mul3A_77, %reduce_sum3A_78 [1] : vector<4x256xf32> to vector<4xf32>
    %broadcast_in_dim3A_80 = vector.shape_cast %reduce_sum3A_79 : vector<4xf32> to vector<4x1xf32>
    %max3A_81 = arith.constant 1.000000e+00 : f32
    %max3A_82 = vector.broadcast %max3A_81 : f32 to vector<4x1xf32>
    %max3A_83 = arith.maximumf %broadcast_in_dim3A_76, %max3A_82 : vector<4x1xf32>
    %div3A_84 = arith.divf %broadcast_in_dim3A_80, %max3A_83 : vector<4x1xf32>
    %mul3A_85 = arith.constant 2.000000e+00 : f32
    %mul3A_86 = vector.broadcast %mul3A_85 : f32 to vector<4x1xf32>
    %mul3A_87 = arith.mulf %mul3A_86, %div3A_84 : vector<4x1xf32>
    %add3A_88 = arith.addf %mul3A_48, %mul3A_87 : vector<4x1xf32>
    %get3A_89 = arith.constant 0 : index
    %get3A_90 = arith.constant 0 : index
    %get3A_91 = arith.constant 0 : index
    %get3A_92 = vector.load %arg4[%get3A_89, %get3A_90, %get3A_91] : memref<4x1x128xf32, #tpu.memory_space<vmem>>, vector<4x1x128xf32>
    %slice3A_93 = vector.extract_strided_slice %get3A_92 {offsets = [0, 0, 0], sizes = [4, 1, 1], strides = [1, 1, 1]} : vector<4x1x128xf32> to vector<4x1x1xf32>
    %squeeze3A_94 = vector.shape_cast %slice3A_93 : vector<4x1x1xf32> to vector<4x1xf32>
    %gt3A_95 = arith.constant 1.000000e+00 : f32
    %gt3A_96 = vector.broadcast %gt3A_95 : f32 to vector<4x1xf32>
    %gt3A_97 = arith.cmpf ogt, %broadcast_in_dim3A, %gt3A_96 : vector<4x1xf32>
    %mul3A_98 = arith.mulf %broadcast_in_dim3A, %broadcast_in_dim3A : vector<4x1xf32>
    %max3A_99 = arith.constant 1.000000e+00 : f32
    %max3A_100 = vector.broadcast %max3A_99 : f32 to vector<4x1xf32>
    %max3A_101 = arith.maximumf %mul3A_98, %max3A_100 : vector<4x1xf32>
    %div3A_102 = arith.divf %squeeze3A_94, %max3A_101 : vector<4x1xf32>
    %jit3A = arith.constant 0.000000e+00 : f32
    %broadcast_in_dim3A_103 = vector.broadcast %jit3A : f32 to vector<4x1xf32>
    %select_n3A = arith.select %gt3A_97, %div3A_102, %broadcast_in_dim3A_103 : vector<4x1xi1>, vector<4x1xf32>
    %mul3A_104 = arith.constant 1.000000e+00 : f32
    %mul3A_105 = vector.broadcast %mul3A_104 : f32 to vector<4x1xf32>
    %mul3A_106 = arith.mulf %select_n3A, %mul3A_105 : vector<4x1xf32>
    %add3A_107 = arith.addf %add3A_88, %mul3A_58 : vector<4x1xf32>
    %add3A_108 = arith.addf %add3A_107, %mul3A_106 : vector<4x1xf32>
    %ge3A = arith.constant 1.000000e+00 : f32
    %ge3A_109 = vector.broadcast %ge3A : f32 to vector<4x1xf32>
    %ge3A_110 = arith.cmpf oge, %broadcast_in_dim3A, %ge3A_109 : vector<4x1xf32>
    %ge3A_111 = arith.constant 1.000000e+00 : f32
    %ge3A_112 = vector.broadcast %ge3A_111 : f32 to vector<4x1xf32>
    %ge3A_113 = arith.cmpf oge, %sub3A_35, %ge3A_112 : vector<4x1xf32>
    %and3A_114 = arith.andi %ge3A_110, %ge3A_113 : vector<4x1xi1>
    %convert_element_type3A_115 = arith.extui %and3A_114 : vector<4x1xi1> to vector<4x1xi32>
    %convert_element_type3A_116 = arith.sitofp %convert_element_type3A_115 : vector<4x1xi32> to vector<4x1xf32>
    %reduce_sum3A_117 = vector.shape_cast %convert_element_type3A_116 : vector<4x1xf32> to vector<1x4x1xf32>
    %reduce_sum3A_118 = arith.constant dense<0.000000e+00> : vector<1xf32>
    %reduce_sum3A_119 = vector.multi_reduction <add>, %reduce_sum3A_117, %reduce_sum3A_118 [1, 2] : vector<1x4x1xf32> to vector<1xf32>
    %reduce_sum3A_120 = vector.shape_cast %reduce_sum3A_119 : vector<1xf32> to vector<1x1x1xf32>
    %reduce_sum3A_121 = vector.extract %reduce_sum3A_120[0, 0, 0] : f32 from vector<1x1x1xf32>
    %max3A_122 = arith.constant 1.000000e+00 : f32
    %max3A_123 = arith.maximumf %reduce_sum3A_121, %max3A_122 : f32
    %mul3A_124 = arith.mulf %convert_element_type3A_116, %add3A_108 : vector<4x1xf32>
    %reduce_sum3A_125 = vector.shape_cast %mul3A_124 : vector<4x1xf32> to vector<1x4x1xf32>
    %reduce_sum3A_126 = arith.constant dense<0.000000e+00> : vector<1xf32>
    %reduce_sum3A_127 = vector.multi_reduction <add>, %reduce_sum3A_125, %reduce_sum3A_126 [1, 2] : vector<1x4x1xf32> to vector<1xf32>
    %reduce_sum3A_128 = vector.shape_cast %reduce_sum3A_127 : vector<1xf32> to vector<1x1x1xf32>
    %reduce_sum3A_129 = vector.extract %reduce_sum3A_128[0, 0, 0] : f32 from vector<1x1x1xf32>
    %div3A_130 = arith.divf %reduce_sum3A_129, %max3A_123 : f32
    %gt3A_131 = arith.constant 0.000000e+00 : f32
    %gt3A_132 = arith.cmpf ogt, %reduce_sum3A_121, %gt3A_131 : f32
    %jit3A_133 = arith.constant 0.000000e+00 : f32
    %select_n3A_134 = arith.select %gt3A_132, %div3A_130, %jit3A_133 : f32
    %mul3A_135 = arith.mulf %convert_element_type3A_116, %add3A_88 : vector<4x1xf32>
    %reduce_sum3A_136 = vector.shape_cast %mul3A_135 : vector<4x1xf32> to vector<1x4x1xf32>
    %reduce_sum3A_137 = arith.constant dense<0.000000e+00> : vector<1xf32>
    %reduce_sum3A_138 = vector.multi_reduction <add>, %reduce_sum3A_136, %reduce_sum3A_137 [1, 2] : vector<1x4x1xf32> to vector<1xf32>
    %reduce_sum3A_139 = vector.shape_cast %reduce_sum3A_138 : vector<1xf32> to vector<1x1x1xf32>
    %reduce_sum3A_140 = vector.extract %reduce_sum3A_139[0, 0, 0] : f32 from vector<1x1x1xf32>
    %div3A_141 = arith.divf %reduce_sum3A_140, %max3A_123 : f32
    %mul3A_142 = arith.mulf %convert_element_type3A_116, %mul3A_58 : vector<4x1xf32>
    %reduce_sum3A_143 = vector.shape_cast %mul3A_142 : vector<4x1xf32> to vector<1x4x1xf32>
    %reduce_sum3A_144 = arith.constant dense<0.000000e+00> : vector<1xf32>
    %reduce_sum3A_145 = vector.multi_reduction <add>, %reduce_sum3A_143, %reduce_sum3A_144 [1, 2] : vector<1x4x1xf32> to vector<1xf32>
    %reduce_sum3A_146 = vector.shape_cast %reduce_sum3A_145 : vector<1xf32> to vector<1x1x1xf32>
    %reduce_sum3A_147 = vector.extract %reduce_sum3A_146[0, 0, 0] : f32 from vector<1x1x1xf32>
    %div3A_148 = arith.divf %reduce_sum3A_147, %max3A_123 : f32
    %mul3A_149 = arith.mulf %convert_element_type3A_116, %mul3A_106 : vector<4x1xf32>
    %reduce_sum3A_150 = vector.shape_cast %mul3A_149 : vector<4x1xf32> to vector<1x4x1xf32>
    %reduce_sum3A_151 = arith.constant dense<0.000000e+00> : vector<1xf32>
    %reduce_sum3A_152 = vector.multi_reduction <add>, %reduce_sum3A_150, %reduce_sum3A_151 [1, 2] : vector<1x4x1xf32> to vector<1xf32>
    %reduce_sum3A_153 = vector.shape_cast %reduce_sum3A_152 : vector<1xf32> to vector<1x1x1xf32>
    %reduce_sum3A_154 = vector.extract %reduce_sum3A_153[0, 0, 0] : f32 from vector<1x1x1xf32>
    %div3A_155 = arith.divf %reduce_sum3A_154, %max3A_123 : f32
    %reshape3A = vector.broadcast %select_n3A_134 : f32 to vector<1x1xf32>
    %reshape3A_156 = vector.broadcast %div3A_141 : f32 to vector<1x1xf32>
    %reshape3A_157 = vector.broadcast %div3A_148 : f32 to vector<1x1xf32>
    %reshape3A_158 = vector.broadcast %div3A_155 : f32 to vector<1x1xf32>
    %broadcast_in_dim3A_159 = arith.constant 0.000000e+00 : f32
    %broadcast_in_dim3A_160 = vector.broadcast %broadcast_in_dim3A_159 : f32 to vector<1x4xf32>
    %concatenate3A = tpu.concatenate %reshape3A, %reshape3A_156, %reshape3A_157, %reshape3A_158, %broadcast_in_dim3A_160 in 1 : vector<1x1xf32>, vector<1x1xf32>, vector<1x1xf32>, vector<1x1xf32>, vector<1x4xf32> -> vector<1x8xf32>
    %reshape3A_161 = vector.shape_cast %concatenate3A : vector<1x8xf32> to vector<1x1x8xf32>
    %swap3A = arith.constant 0 : index
    %swap3A_162 = arith.constant 0 : index
    %swap3A_163 = arith.constant 0 : index
    %swap3A_164 = vector.load %arg5[%swap3A, %swap3A_162, %swap3A_163] : memref<1x1x8xf32, #tpu.memory_space<vmem>>, vector<1x1x8xf32>
    tpu.vector_store %arg5[%swap3A, %swap3A_162, %swap3A_163], %reshape3A_161 {strides = array<i32>} : memref<1x1x8xf32, #tpu.memory_space<vmem>>, vector<1x1x8xf32>,
    return
  }
}

module attributes {stable_mosaic.version = 14 : i64} {
  func.func @_stage_d_dense_kernel(%arg0: i32, %arg1: i32, %arg2: i32, %arg3: memref<1x2048x64xf32, #tpu.memory_space<vmem>>, %arg4: memref<1x2048x64xf32, #tpu.memory_space<vmem>>, %arg5: memref<1x2048x1xi32, #tpu.memory_space<vmem>>, %arg6: memref<1x2048x1xi32, #tpu.memory_space<vmem>>, %arg7: memref<1x1x128xf32, #tpu.memory_space<vmem>>) attributes {dimension_semantics = [#tpu.dimension_semantics<arbitrary>, #tpu.dimension_semantics<arbitrary>, #tpu.dimension_semantics<arbitrary>], iteration_bounds = array<i64: 4, 32, 32>, scalar_prefetch = 0 : i64, scratch_operands = 0 : i64, tpu.core_type = #tpu.core_type<tc>, window_params = [{transform_indices = @transform_0, window_bounds = array<i64: 1, 2048, 64>}, {transform_indices = @transform_1, window_bounds = array<i64: 1, 2048, 64>}, {transform_indices = @transform_2, window_bounds = array<i64: 1, 2048, 1>}, {transform_indices = @transform_3, window_bounds = array<i64: 1, 2048, 1>}, {transform_indices = @transform_4, window_bounds = array<i64: 1, 1, 128>}]} {
    %get3A = arith.constant 0 : index
    %get3A_0 = arith.constant 0 : index
    %get3A_1 = arith.constant 0 : index
    %get3A_2 = vector.load %arg5[%get3A, %get3A_0, %get3A_1] : memref<1x2048x1xi32, #tpu.memory_space<vmem>>, vector<1x2048x1xi32>
    %get3A_3 = vector.shape_cast %get3A_2 : vector<1x2048x1xi32> to vector<2048x1xi32>
    %eq3A = arith.constant 1 : i32
    %eq3A_4 = vector.broadcast %eq3A : i32 to vector<2048x1xi32>
    %eq3A_5 = arith.cmpi eq, %get3A_3, %eq3A_4 : vector<2048x1xi32>
    %convert_element_type3A = arith.extui %eq3A_5 : vector<2048x1xi1> to vector<2048x1xi32>
    %convert_element_type3A_6 = arith.sitofp %convert_element_type3A : vector<2048x1xi32> to vector<2048x1xf32>
    %get3A_7 = arith.constant 0 : index
    %get3A_8 = arith.constant 0 : index
    %get3A_9 = arith.constant 0 : index
    %get3A_10 = vector.load %arg6[%get3A_7, %get3A_8, %get3A_9] : memref<1x2048x1xi32, #tpu.memory_space<vmem>>, vector<1x2048x1xi32>
    %get3A_11 = vector.shape_cast %get3A_10 : vector<1x2048x1xi32> to vector<2048x1xi32>
    %eq3A_12 = arith.constant 1 : i32
    %eq3A_13 = vector.broadcast %eq3A_12 : i32 to vector<2048x1xi32>
    %eq3A_14 = arith.cmpi eq, %get3A_11, %eq3A_13 : vector<2048x1xi32>
    %convert_element_type3A_15 = arith.extui %eq3A_14 : vector<2048x1xi1> to vector<2048x1xi32>
    %convert_element_type3A_16 = arith.sitofp %convert_element_type3A_15 : vector<2048x1xi32> to vector<2048x1xf32>
    %get3A_17 = arith.constant 0 : index
    %get3A_18 = arith.constant 0 : index
    %get3A_19 = arith.constant 0 : index
    %get3A_20 = vector.load %arg3[%get3A_17, %get3A_18, %get3A_19] : memref<1x2048x64xf32, #tpu.memory_space<vmem>>, vector<1x2048x64xf32>
    %get3A_21 = vector.shape_cast %get3A_20 : vector<1x2048x64xf32> to vector<2048x64xf32>
    %get3A_22 = arith.constant 0 : index
    %get3A_23 = arith.constant 0 : index
    %get3A_24 = arith.constant 0 : index
    %get3A_25 = vector.load %arg4[%get3A_22, %get3A_23, %get3A_24] : memref<1x2048x64xf32, #tpu.memory_space<vmem>>, vector<1x2048x64xf32>
    %get3A_26 = vector.shape_cast %get3A_25 : vector<1x2048x64xf32> to vector<2048x64xf32>
    %eq3A_27 = arith.constant 0 : i32
    %eq3A_28 = arith.cmpi eq, %arg1, %eq3A_27 : i32
    %eq3A_29 = arith.constant 0 : i32
    %eq3A_30 = arith.cmpi eq, %arg2, %eq3A_29 : i32
    %and3A = arith.andi %eq3A_28, %eq3A_30 : i1
    %mul3A = arith.mulf %get3A_21, %get3A_21 : vector<2048x64xf32>
    %reduce_sum3A = arith.constant dense<0.000000e+00> : vector<2048xf32>
    %reduce_sum3A_31 = vector.multi_reduction <add>, %mul3A, %reduce_sum3A [1] : vector<2048x64xf32> to vector<2048xf32>
    %broadcast_in_dim3A = vector.shape_cast %reduce_sum3A_31 : vector<2048xf32> to vector<2048x1xf32>
    %mul3A_32 = arith.mulf %get3A_26, %get3A_26 : vector<2048x64xf32>
    %reduce_sum3A_33 = arith.constant dense<0.000000e+00> : vector<2048xf32>
    %reduce_sum3A_34 = vector.multi_reduction <add>, %mul3A_32, %reduce_sum3A_33 [1] : vector<2048x64xf32> to vector<2048xf32>
    %broadcast_in_dim3A_35 = vector.shape_cast %reduce_sum3A_34 : vector<2048xf32> to vector<2048x1xf32>
    %sub3A = arith.constant 1.000000e+00 : f32
    %sub3A_36 = vector.broadcast %sub3A : f32 to vector<2048x1xf32>
    %sub3A_37 = arith.subf %sub3A_36, %convert_element_type3A_16 : vector<2048x1xf32>
    %mul3A_38 = arith.constant 1.000000e+09 : f32
    %mul3A_39 = vector.broadcast %mul3A_38 : f32 to vector<2048x1xf32>
    %mul3A_40 = arith.mulf %sub3A_37, %mul3A_39 : vector<2048x1xf32>
    %add3A = arith.addf %broadcast_in_dim3A_35, %mul3A_40 : vector<2048x1xf32>
    %broadcast_in_dim3A_41 = arith.constant 1.000000e+00 : f32
    %broadcast_in_dim3A_42 = vector.broadcast %broadcast_in_dim3A_41 : f32 to vector<1x1xf32>
    %dot_general3A = arith.constant dense<0.000000e+00> : vector<1x2048xf32>
    %dot_general3A_43 = tpu.matmul %broadcast_in_dim3A_42, %add3A, %dot_general3A {dimension_numbers = #tpu.dot_dimension_numbers<[1], [1], [0], [0], [0, 0, 1, 0], [], []>, precision = #tpu.contract_precision<fp32>, transpose_lhs_hint = false} : vector<1x1xf32>, vector<2048x1xf32>, vector<1x2048xf32> -> vector<1x2048xf32>
    %dot_general3A_44 = arith.constant dense<0.000000e+00> : vector<2048x2048xf32>
    %dot_general3A_45 = tpu.matmul %get3A_21, %get3A_26, %dot_general3A_44 {dimension_numbers = #tpu.dot_dimension_numbers<[1], [1], [0], [0], [0, 0, 1, 0], [], []>, transpose_lhs_hint = false} : vector<2048x64xf32>, vector<2048x64xf32>, vector<2048x2048xf32> -> vector<2048x2048xf32>
    %add3A_46 = vector.broadcast %broadcast_in_dim3A : vector<2048x1xf32> to vector<2048x2048xf32>
    %add3A_47 = vector.broadcast %dot_general3A_43 : vector<1x2048xf32> to vector<2048x2048xf32>
    %add3A_48 = arith.addf %add3A_46, %add3A_47 : vector<2048x2048xf32>
    %mul3A_49 = arith.constant 2.000000e+00 : f32
    %mul3A_50 = vector.broadcast %mul3A_49 : f32 to vector<2048x2048xf32>
    %mul3A_51 = arith.mulf %mul3A_50, %dot_general3A_45 : vector<2048x2048xf32>
    %sub3A_52 = arith.subf %add3A_48, %mul3A_51 : vector<2048x2048xf32>
    %max3A = arith.constant 0.000000e+00 : f32
    %max3A_53 = vector.broadcast %max3A : f32 to vector<2048x2048xf32>
    %max3A_54 = arith.maximumf %sub3A_52, %max3A_53 : vector<2048x2048xf32>
    %neg3A = arith.constant 0.000000e+00 : f32
    %neg3A_55 = vector.broadcast %neg3A : f32 to vector<2048x2048xf32>
    %neg3A_56 = arith.subf %neg3A_55, %max3A_54 : vector<2048x2048xf32>
    %exp3A = math.exp %neg3A_56 : vector<2048x2048xf32>
    %mul3A_57 = vector.broadcast %convert_element_type3A_6 : vector<2048x1xf32> to vector<2048x2048xf32>
    %mul3A_58 = arith.mulf %exp3A, %mul3A_57 : vector<2048x2048xf32>
    %reduce_sum3A_59 = vector.shape_cast %mul3A_58 : vector<2048x2048xf32> to vector<1x2048x2048xf32>
    %reduce_sum3A_60 = arith.constant dense<0.000000e+00> : vector<1xf32>
    %reduce_sum3A_61 = vector.multi_reduction <add>, %reduce_sum3A_59, %reduce_sum3A_60 [1, 2] : vector<1x2048x2048xf32> to vector<1xf32>
    %reduce_sum3A_62 = vector.shape_cast %reduce_sum3A_61 : vector<1xf32> to vector<1x1x1xf32>
    %reduce_sum3A_63 = vector.extract %reduce_sum3A_62[0, 0, 0] : f32 from vector<1x1x1xf32>
    %reshape3A = vector.broadcast %reduce_sum3A_63 : f32 to vector<1x1x1xf32>
    %broadcast_in_dim3A_64 = vector.shape_cast %reshape3A : vector<1x1x1xf32> to vector<1x1x1xf32>
    %broadcast_in_dim3A_65 = vector.broadcast %broadcast_in_dim3A_64 : vector<1x1x1xf32> to vector<1x1x128xf32>
    %convert_element_type3A_66 = arith.extui %and3A : i1 to i32
    %cond3A = arith.constant 0 : i32
    %cond3A_67 = arith.cmpi ne, %convert_element_type3A_66, %cond3A : i32
    scf.if %cond3A_67 {
      %broadcast_in_dim3A_76 = arith.constant 0.000000e+00 : f32
      %broadcast_in_dim3A_77 = vector.broadcast %broadcast_in_dim3A_76 : f32 to vector<1x1x128xf32>
      %swap3A_78 = arith.constant 0 : index
      %swap3A_79 = arith.constant 0 : index
      %swap3A_80 = arith.constant 0 : index
      %swap3A_81 = vector.load %arg7[%swap3A_78, %swap3A_79, %swap3A_80] : memref<1x1x128xf32, #tpu.memory_space<vmem>>, vector<1x1x128xf32>
      tpu.vector_store %arg7[%swap3A_78, %swap3A_79, %swap3A_80], %broadcast_in_dim3A_77 {strides = array<i32>} : memref<1x1x128xf32, #tpu.memory_space<vmem>>, vector<1x1x128xf32>,
    } else {
    }
    %get3A_68 = arith.constant 0 : index
    %get3A_69 = arith.constant 0 : index
    %get3A_70 = arith.constant 0 : index
    %get3A_71 = vector.load %arg7[%get3A_68, %get3A_69, %get3A_70] : memref<1x1x128xf32, #tpu.memory_space<vmem>>, vector<1x1x128xf32>
    %add3A_72 = arith.addf %get3A_71, %broadcast_in_dim3A_65 : vector<1x1x128xf32>
    %swap3A = arith.constant 0 : index
    %swap3A_73 = arith.constant 0 : index
    %swap3A_74 = arith.constant 0 : index
    %swap3A_75 = vector.load %arg7[%swap3A, %swap3A_73, %swap3A_74] : memref<1x1x128xf32, #tpu.memory_space<vmem>>, vector<1x1x128xf32>
    tpu.vector_store %arg7[%swap3A, %swap3A_73, %swap3A_74], %add3A_72 {strides = array<i32>} : memref<1x1x128xf32, #tpu.memory_space<vmem>>, vector<1x1x128xf32>,
    return
  }
  func.func @transform_0(%arg0: i32, %arg1: i32, %arg2: i32) -> (i32, i32, i32) {
    %c0_i32 = arith.constant 0 : i32
    %c0_i32_0 = arith.constant 0 : i32
    return %arg0, %arg1, %c0_i32 : i32, i32, i32
  }
  func.func @transform_1(%arg0: i32, %arg1: i32, %arg2: i32) -> (i32, i32, i32) {
    %c0_i32 = arith.constant 0 : i32
    %c0_i32_0 = arith.constant 0 : i32
    return %arg0, %arg2, %c0_i32 : i32, i32, i32
  }
  func.func @transform_2(%arg0: i32, %arg1: i32, %arg2: i32) -> (i32, i32, i32) {
    %c0_i32 = arith.constant 0 : i32
    %c0_i32_0 = arith.constant 0 : i32
    return %arg0, %arg1, %c0_i32 : i32, i32, i32
  }
  func.func @transform_3(%arg0: i32, %arg1: i32, %arg2: i32) -> (i32, i32, i32) {
    %c0_i32 = arith.constant 0 : i32
    %c0_i32_0 = arith.constant 0 : i32
    return %arg0, %arg2, %c0_i32 : i32, i32, i32
  }
  func.func @transform_4(%arg0: i32, %arg1: i32, %arg2: i32) -> (i32, i32, i32) {
    %c0_i32 = arith.constant 0 : i32
    %c0_i32_0 = arith.constant 0 : i32
    %c0_i32_1 = arith.constant 0 : i32
    return %arg0, %c0_i32, %c0_i32_0 : i32, i32, i32
  }
}

</mosaic_0001>

<sc_bundles>
// kernel: kernel.5.cloned.1.call-start
scs
__scs_entry_jumppad:
0x0: {  	(pc) =	sbr.rel $0x88, $3  }
0x1: {  	(tag) =	ssettag $0x0;
	lr =	simm.s32 $0x1  }
0x2: {  	[smem:$0x3F9D] =	sst lr;
	_ =	strace $0xD0000000  }
0x3: {  	_ = 	snop  }
0x4: {  	_ = 	snop  }
0x5: {  	_ = 	snop  }
0x6: {  	_ = 	snop  }
0x7: {  	_ = 	snop  }
__scs_overlays_trampoline_lowered:
0x8: {  	[smem:$0x3FAC] =	sst s0  }
0x9: {  	[smem:$0x3FAD] =	sst s1  }
0xa: {  	[smem:$0x3FAE] =	sst s2  }
0xb: {  	[smem:$0x3FAF] =	sst s3  }
0xc: {  	[smem:$0x3FB0] =	sst s4  }
0xd: {  	[smem:$0x3FB1] =	sst s5  }
0xe: {  	[smem:$0x3FB2] =	sst s6  }
0xf: {  	[smem:$0x3FB3] =	sst s7  }
0x10: {  	[smem:$0x3FB4] =	sst s8  }
0x11: {  	[smem:$0x3FB5] =	sst s9;
	s0 =	simm.s32 @!p0 $0x0  }
0x12: {  	s1 =	sld [smem:$0x3F9B];
	s0 =	simm.s32 @p0 $0x1  }
0x13: {  	[smem:$0x3FB6] =	sst s0;
	s0 =	simm.s32 @!p1 $0x0  }
0x14: {  	s2 =	sld [smem:$0x3F9A];
	s0 =	simm.s32 @p1 $0x1  }
0x15: {  	[smem:$0x3FB7] =	sst s0;
	s0 =	simm.s32 @!p2 $0x0  }
0x16: {  	s3 =	sld [smem:$0x3FDB];
	s0 =	simm.s32 @p2 $0x1  }
0x17: {  	s4 =	simm.s32 $0x1BF5;
	[smem:$0x3FB9] =	sst s0  }
0x18: {  	s0 =	sld [smem:$0x3F9C];
	_ =	swait.ge [sflag:s4], $0x0  }
0x19: {  	s7 =	sld [smem:$0x3F9D]  }
0x1a: {  	s8 =	sadd.s32 $0xFFFFE003, lr  }
0x1b: {  	s9 =	sadd.s32 $0xFFFFFEF7, lr;
	s5 =	simm.s32 $0xFFFFFFFF;
	p2 =	slt.u32 s8, $0xFFFFF086  }
0x1c: {  	p1 =	slt.u32 s9, $0xF7A;
	s5 =	simm.s32 @!p2 $0x0  }
0x1d: {  	s5 =	simm.s32 @p1 $0x1;
	p0 =	seq.s32 s7, s2  }
0x1e: {  	s7 =	smul.u32 @!p0 $0xF7A, s2;
	p2 =	seq.s32 @!p0 s5, $0x0  }
0x1f: {  	s9 =	smul.u32 $0xF7A, s1;
	s8 =	simm.s32 @!p0 $0x1BF5;
	p2 =	por !p2, p0  }
0x20: {  	[sflag:s8] =	ssyncset.s32 @!p0 $0xFFFFF086;
	s6 =	sadd.s32 @!p0 s3, s7;
	s7 =	simm.s32 @!p0 $0x108  }
0x21: {  	s3 =	sadd.s32 s3, s9;
	s6 =	sadd.s32 @!p0 $0x88, s6;
	s7 =	simm.s32 @p2 $0x1082  }
0x22: {  	[simem:s7], [sflag:s8] =	dma.local @!p0 [hbm:s6], $0xF7A  }
0x23: {  	s9 =	sor.u32 $0xD0000000, s2;
	s6 =	simm.s32 $0x108;
	_ =	swait.ge @!p0 [sflag:s8], $0x0  }
0x24: {  	s3 =	sadd.s32 $0x88, s3;
	s6 =	simm.s32 @!p1 $0x1082;
	[sflag:s4] =	ssyncset.s32 $0xFFFFF086  }
0x25: {  	[simem:s6], [sflag:s4] =	dma.local [hbm:s3], $0xF7A  }
0x26: {  	[smem:$0x3F9D] =	sst s1;
	(tag) =	ssettag s2;
	_ =	strace s9  }
0x27: {  	s1 =	sld [smem:$0x3FAD]  }
0x28: {  	s2 =	sld [smem:$0x3FAE]  }
0x29: {  	s4 =	sld [smem:$0x3FB0]  }
0x2a: {  	p0 =	seq.s32 s5, $0x0;
	s5 =	sld [smem:$0x3FB1]  }
0x2b: {  	s6 =	sld [smem:$0x3FB2]  }
0x2c: {  	s7 =	sld [smem:$0x3FB3]  }
0x2d: {  	s3 =	simm.s32 $0x108;
	s8 =	sld [smem:$0x3FB4]  }
0x2e: {  	s3 =	simm.s32 @!p0 $0x1082;
	s9 =	sld [smem:$0x3FB5]  }
0x2f: {  	lr =	sadd.s32 s0, s3;
	s0 =	sld [smem:$0x3FAC]  }
0x30: {  	s3 =	sld [smem:$0x3FAF]  }
0x31: {  	[smem:$0x3FB8] =	sst s10  }
0x32: {  	s10 =	sld [smem:$0x3FB6];
	_ =	sdelay $0x3  }
0x33: {  	p0 =	seq.s32 s10, $0x1;
	s10 =	sld [smem:$0x3FB8];
	_ =	sdelay $0x3  }
0x34: {  	[smem:$0x3FB8] =	sst s10  }
0x35: {  	s10 =	sld [smem:$0x3FB7];
	_ =	sdelay $0x3  }
0x36: {  	p1 =	seq.s32 s10, $0x1;
	s10 =	sld [smem:$0x3FB8];
	_ =	sdelay $0x3  }
0x37: {  	[smem:$0x3FB8] =	sst s10  }
0x38: {  	s10 =	sld [smem:$0x3FB9]  }
0x39: {  	_ = 	snop;
	(pc) =	sbr.ind lr, $3  }
0x3a: {  	_ = 	snop  }
0x3b: {  	_ = 	snop  }
0x3c: {  	p2 =	seq.s32 s10, $0x1;
	s10 =	sld [smem:$0x3FB8]  }
0x3d: {  	_ =	shalt  }
0x3e: {  	_ =	shalt  }
0x3f: {  	_ =	shalt  }
0x40: {  	_ =	shalt  }
0x41: {  	_ =	shalt  }
0x42: {  	_ =	shalt  }
0x43: {  	_ =	shalt  }
0x44: {  	_ =	shalt  }
0x45: {  	_ =	shalt  }
0x46: {  	_ =	shalt  }
0x47: {  	_ =	shalt  }
0x48: {  	_ =	shalt  }
0x49: {  	_ =	shalt  }
0x4a: {  	_ =	shalt  }
0x4b: {  	_ =	shalt  }
0x4c: {  	_ =	shalt  }
0x4d: {  	_ =	shalt  }
0x4e: {  	_ =	shalt  }
0x4f: {  	_ =	shalt  }
0x50: {  	_ =	shalt  }
0x51: {  	_ =	shalt  }
0x52: {  	_ =	shalt  }
0x53: {  	_ =	shalt  }
0x54: {  	_ =	shalt  }
0x55: {  	_ =	shalt  }
0x56: {  	_ =	shalt  }
0x57: {  	_ =	shalt  }
0x58: {  	_ =	shalt  }
0x59: {  	_ =	shalt  }
0x5a: {  	_ =	shalt  }
0x5b: {  	_ =	shalt  }
0x5c: {  	_ =	shalt  }
0x5d: {  	_ =	shalt  }
0x5e: {  	_ =	shalt  }
0x5f: {  	_ =	shalt  }
0x60: {  	_ =	shalt  }
0x61: {  	_ =	shalt  }
0x62: {  	_ =	shalt  }
0x63: {  	_ =	shalt  }
0x64: {  	_ =	shalt  }
0x65: {  	_ =	shalt  }
0x66: {  	_ =	shalt  }
0x67: {  	_ =	shalt  }
0x68: {  	_ =	shalt  }
0x69: {  	_ =	shalt  }
0x6a: {  	_ =	shalt  }
0x6b: {  	_ =	shalt  }
0x6c: {  	_ =	shalt  }
0x6d: {  	_ =	shalt  }
0x6e: {  	_ =	shalt  }
0x6f: {  	_ =	shalt  }
0x70: {  	_ =	shalt  }
0x71: {  	_ =	shalt  }
0x72: {  	_ =	shalt  }
0x73: {  	_ =	shalt  }
0x74: {  	_ =	shalt  }
0x75: {  	_ =	shalt  }
0x76: {  	_ =	shalt  }
0x77: {  	_ =	shalt  }
0x78: {  	_ =	shalt  }
0x79: {  	_ =	shalt  }
0x7a: {  	_ =	shalt  }
0x7b: {  	_ =	shalt  }
0x7c: {  	_ =	shalt  }
0x7d: {  	_ =	shalt  }
0x7e: {  	_ =	shalt  }
0x7f: {  	_ =	shalt  }
0x80: {  	_ =	shalt  }
0x81: {  	_ =	shalt  }
0x82: {  	_ =	shalt  }
0x83: {  	_ =	shalt  }
0x84: {  	_ =	shalt  }
0x85: {  	_ =	shalt  }
0x86: {  	_ =	shalt  }
0x87: {  	_ =	shalt  }
.Lfunc_end0:
.L_simem_size_0:
called_computation_lowered:
.L_overlay_start_0:
0x88: {  	s2 =	sld [smem:$0x3FD9]  }
0x89: {  	s3 =	sld [smem:$0x3FFE];
	_ =	sdelay $0x1  }
0x8a: {  	s1 =	srdreg.scid  }
0x8b: {  	s0 =	sand.u32 $0x1, s1  }
0x8c: {  	s17 =	sshll.u32 s0, $0xA;
	s2 =	sadd.s32 s3, s2  }
0x8d: {  	s2 =	sadd.s32 s2, s17  }
0x8e: {  	[smem:$0x3FC4] =	sst s2  }
0x8f: {  	_ = 	snop  }
0x90: {  	s2 =	sld [smem:$0x3FC9];
	(tm) =	ssettm $0x1  }
0x91: {  	s18 =	sld [smem:$0x3FFB];
	_ =	sdelay $0x3  }
0x92: {  	_ =	strace s18  }
0x93: {  	s3 =	sld [smem:$0x3FFC];
	_ =	sdelay $0x3  }
0x94: {  	_ =	strace s3  }
0x95: {  	s3 =	sld [smem:$0x3FFD];
	_ =	sdelay $0x3  }
0x96: {  	_ =	strace s3  }
0x97: {  	_ =	strace $0x8FFFFFFF  }
0x98: {  	s19 =	sld [smem:$0x3FDB];
	_ =	sdelay $0x1  }
0x99: {  	s4 =	simm.s32 $_scs_section_size  }
0x9a: {  	s5 =	simm.s32 $_size__tile_overlayer_lowered;
	s6 =	simm.s32 $_tile_overlayer_lowered  }
0x9b: {  	s22 =	simm.s32 $0x1BFF;
	s21 =	sshll.u32 s6, $0x1;
	s3 =	sadd.s32 s4, s19  }
0x9c: {  	s7 =	simm.s32 $0x0;
	s20 =	sshll.u32 s5, $0x1;
	s5 =	sadd.s32 s21, s3  }
0x9d: {  	[timem:s7], [sflag:s22] =	dma.local [hbm:s5], s20  }
0x9e: {  	_ =	swait.ge [sflag:s22], s20  }
0x9f: {  	s4 =	ssub.s32 $0x0, s20;
	[sflag:s22] =	ssyncset.done $0x0  }
0xa0: {  	[sflag:s22] =	ssyncadd.s32 s4;
	_ =	sdelay $0x1  }
0xa1: {  	s23 =	simm.s32 $0x1B8B  }
0xa2: {  	_ =	swait.ge [sflag:s23], $0x1  }
0xa3: {  	[sflag:s23] =	ssyncset.done $0x0  }
0xa4: {  	s25 =	simm.s32 $0x1B8E;
	s24 =	sld [smem:$0x3FFE];
	[sflag:s23] =	ssyncadd.s32 $0xFFFFFFFF  }
0xa5: {  	s26 =	simm.s32 $execute0_lowered;
	[smem:$0x3FD2] =	sst s25  }
0xa6: {  	s5 =	sshll.u32 s26, $0x1;
	_ =	strace $0x80000046;
	[dreg:$0x1] =	wrdreg $0xFFFFFFFF  }
0xa7: {  	s28 =	simm.s32 $_size_execute0_lowered;
	s3 =	sadd.s32 s3, s5;
	[dreg:$0x0] =	wrdreg $0x0  }
0xa8: {  	s5 =	sshll.u32 s28, $0x1;
	[dreg:$0x2] =	wrdreg s3  }
0xa9: {  	[dreg:$0x3] =	wrdreg s5  }
0xaa: {  	[dreg:$0x4] =	wrdreg $0xC0  }
0xab: {  	_ =	task [dreg:s7], $0x5FFFF  }
0xac: {  	[dreg:$0x1] =	wrdreg $0xFFFFFFFF  }
0xad: {  	[dreg:$0x0] =	wrdreg $0x60  }
0xae: {  	[dreg:$0x2] =	wrdreg s24  }
0xaf: {  	[dreg:$0x3] =	wrdreg s2  }
0xb0: {  	[dreg:$0x4] =	wrdreg $0xBB700  }
0xb1: {  	[dreg:$0x5] =	wrdreg $0x9  }
0xb2: {  	_ =	task.clear_ibuf [dreg:s7], $0x6FFFF;
	_ =	strace $0x90000046  }
0xb3: {  	s29 =	simm.s32 $0x9;
	_ =	strace $0x8000004C  }
0xb4: {  	_ =	swait.ge [sflag:s29], $0x1  }
0xb5: {  	[sflag:s29] =	ssyncadd.s32 $0xFFFFFFFF  }
0xb6: {  	_ =	strace $0x9000004C  }
0xb7: {  	_ =	sfence  }
0xb8: {  	s30 =	sld [smem:$0x0];
	_ =	sdelay $0x2  }
0xb9: {  	s31 =	sshll.u32 s1, $0xD;
	s1 =	sshrl.u32 s1, $0x2  }
0xba: {  	s3 =	sand.u32 $0x4000, s31;
	s1 =	sadd.s32 s1, s30  }
0xbb: {  	s0 =	sor.u32 s3, s0;
	s1 =	sshll.u32 s1, $0x11  }
0xbc: {  	s0 =	sor.u32 s1, s0  }
0xbd: {  	s0 =	sadd.s32 $0x8F2B, s0  }
0xbe: {  	[sflag:s0] =	ssyncadd.remote.s32 $0x1  }
0xbf: {  	_ =	sfence.sel $0xFFFF  }
0xc0: {  	[dreg:$0x0] =	wrdreg $0xFFFFFFFF;
	(pc) =	sbr.abs _section_cstart, $3  }
0xc1: {  	[dreg:$0x1] =	wrdreg $0xFFFFFFFF  }
0xc2: {  	_ =	task.clear_ibuf [dreg:s7], $0x2FFFF;
	_ =	strace $0x9FFFFFFF  }
0xc3: {  	(tm) =	ssettm $0x7FFFFFFF  }
tec
execute0_lowered:
.L_overlay_start_1:
0x0: {  	(tag) =	ssettag $0x1  }
0x1: {  	s0 =	rddreg [dreg:$0x0]  }
0x2: {  	s1 =	srdreg.scid;
	s4 =	rddreg [dreg:$0x1]  }
0x3: {  	s14 =	stileid.u32;
	s5 =	rddreg [dreg:$0x2]  }
0x4: {  	s28 =	simm.s32 $0x7A50;
	s30 =	simm.s32 $0x7B70;
	s31 =	simm.s32 $0x2  }
0x5: {  	s29 =	simm.s32 $0x3;
	s1 =	sand.u32 $0x1, s1;
	s6 =	sshrl.u32 s14, $0x3  }
0x6: {  	s7 =	sand.u32 $0x7, s14;
	s15 =	sshll.u32 s14, $0x8;
	s2 =	sshll.u32 s1, $0x1  }
0x7: {  	s3 =	sshll.u32 s7, $0xD;
	s10 =	sshll.u32 s7, $0x5;
	s13 =	sshll.u32 s7, $0x8  }
0x8: {  	s25 =	sshll.u32 s7, $0xB;
	s1 =	ssub.s32 $0x2, s1;
	s7 =	sshll.u32 s7, $0x1  }
0x9: {  	s16 =	sadd.s32 s15, s5;
	s9 =	sor.u32 s6, s2;
	s2 =	simm.s32 $0x0  }
0xa: {  	s18 =	sadd.s32 s13, s0;
	s19 =	sadd.s32 s25, s0;
	s26 =	sshrl.u32 s1, $0x1  }
0xb: {  	s6 =	sshll.u32 s6, $0xB;
	s8 =	sshll.u32 s9, $0x10;
	[smem:$0x7FF] =	sst s2  }
0xc: {  	s11 =	sshll.u32 s9, $0x8;
	s12 =	sshll.u32 s9, $0x13;
	s1 =	ssub.s32 s1, s26  }
0xd: {  	s13 =	sshll.u32 s9, $0x4;
	s6 =	sadd.s32 s6, s5;
	s23 =	sshll.u32 s9, $0xB  }
0xe: {  	s24 =	sshll.u32 s9, $0xE;
	s25 =	sshll.u32 s9, $0xD;
	s8 =	sor.u32 s3, s8  }
0xf: {  	_ =	strace $0x80000047;
	s11 =	sor.u32 s10, s11;
	s17 =	sadd.s32 s12, s0  }
0x10: {  	[dreg:$0x7] =	wrdreg s16;
	s26 =	sadd.s32 s24, s19;
	s19 =	sadd.s32 s4, s25  }
0x11: {  	s25 =	simm.s32 $0x1;
	s24 =	simm.s32 $0x7250;
	s4 =	simm.s32 $0x0  }
0x12: {  	s8 =	sshrl.u32 s8, $0x3;
	s11 =	sshrl.u32 s11, $0x3;
	s17 =	sadd.s32 $0x412000, s17  }
0x13: {  	s8 =	sadd.s32 s8, s0;
	s20 =	sadd.s32 s11, s0;
	s0 =	sadd.s32 s7, s0  }
0x14: {  	s11 =	sadd.s32 $0xA000, s8;
	s12 =	sadd.s32 $0x2000, s8;
	s0 =	sadd.s32 s13, s0  }
0x15: {  	s8 =	sadd.s32 s10, s6;
	s16 =	sadd.s32 $0x624400, s20;
	[dreg:$0x4] =	wrdreg s11  }
0x16: {  	s20 =	sadd.s32 $0x612000, s20;
	[dreg:$0x5] =	wrdreg s12;
	s0 =	sadd.s32 $0x612200, s0  }
0x17: {  	s21 =	sadd.s32 $0x100, s8;
	s22 =	sadd.s32 $0x200, s8;
	s11 =	sadd.s32 $0x300, s8  }
0x18: {  	s12 =	sadd.s32 $0x400, s8;
	s13 =	sadd.s32 $0x500, s8;
	[dreg:$0x6] =	wrdreg s0  }
0x19: {  	s14 =	sadd.s32 $0x600, s8;
	s15 =	sadd.s32 $0x700, s8;
	[dreg:$0x8] =	wrdreg s21  }
0x1a: {  	[dreg:$0x9] =	wrdreg s22;
	s0 =	sadd.s32 s23, s18;
	s21 =	sadd.s32 $0x614400, s26  }
0x1b: {  	v1 =	vlaneseq.u32;
	v2 =	vimm.s32 $0x10000;
	s22 =	smax.u32 s1, $0x1;
	s23 =	simm.s32 $0x4;
	s26 =	simm.s32 $0x4000  }
0x1c: {  	v3 =	vimm.s32 $0x0;
	v4 =	vmul.u32 $0x100, v1;
	v0 =	vmov s3;
	s1 =	simm.s32 $0x20;
	s18 =	sadd.s32 $0x612400, s0;
	s0 =	simm.s32 $0x7230  }
.LBB2_1:
0x1d: {  	s5 =	rddreg [dreg:$0x4]  }
0x1e: {  	[tilespmem:s2], [sflag:$0x4] =	stream.linear.gather [hbm4b:s5+s2], $0x2000, $0x38;
	[tilespmem:$0xBC70] =	vst v63  }
0x1f: {  	_ =	swait.ge [sflag:s23], $0x2000  }
0x20: {  	[sflag:s23] =	ssyncset.done $0x0  }
0x21: {  	s6 =	simm.s32 $0x2000;
	s10 =	rddreg [dreg:$0x5];
	[sflag:s23] =	ssyncadd.s32 $0xFFFFE000  }
0x22: {  	[tilespmem:s6], [sflag:$0x4] =	stream.linear.gather [hbm4b:s10+s2], $0x2000, $0x38;
	[tilespmem:$0xBC70] =	vst v63  }
0x23: {  	_ =	swait.ge [sflag:s23], $0x2000  }
0x24: {  	[sflag:s23] =	ssyncset.done $0x0  }
0x25: {  	s5 =	simm.s32 $0x40;
	s6 =	simm.s32 $0x0;
	[sflag:s23] =	ssyncadd.s32 $0xFFFFE000  }
.LBB2_2:
0x26: {  	p0 =	sne.s32 s5, $0x3FC0;
	[tilespmem:s6+$0x4000] =	vst v2;
	s6 =	smov.u32 s5;
	s5 =	sadd.s32 $0x40, s5  }
.Ltmp0:
0x27: {  	(pc) =	sbr.rel @p0 .LBB2_2-.Ltmp0, $2  }
0x28: {  	_ =	sdelay $0x2  }
0x29: {  	s6 =	sshra.s32 s6, $0x2  }
0x2a: {  	[tilespmem:s6+$0x4000] =	vst v2  }
0x2b: {  	[tilespmem:$0x5000] =	vst v3  }
0x2c: {  	[tilespmem:$0x5010] =	vst v3  }
0x2d: {  	[tilespmem:$0x5020] =	vst v3  }
0x2e: {  	[tilespmem:$0x5030] =	vst v3  }
0x2f: {  	[tilespmem:$0x5040] =	vst v3  }
0x30: {  	[tilespmem:$0x5050] =	vst v3  }
0x31: {  	[tilespmem:$0x5060] =	vst v3  }
0x32: {  	[tilespmem:$0x5070] =	vst v3  }
0x33: {  	[tilespmem:$0x5080] =	vst v3  }
0x34: {  	[tilespmem:$0x5090] =	vst v3  }
0x35: {  	[tilespmem:$0x50A0] =	vst v3  }
0x36: {  	[tilespmem:$0x50B0] =	vst v3  }
0x37: {  	[tilespmem:$0x50C0] =	vst v3  }
0x38: {  	[tilespmem:$0x50D0] =	vst v3  }
0x39: {  	[tilespmem:$0x50E0] =	vst v3  }
0x3a: {  	s5 =	simm.s32 $0x0;
	[tilespmem:$0x50F0] =	vst v3  }
0x3b: {  	v5 =	vld [tilespmem:s5+$0x2000];
	_ =	sdelay $0x4  }
0x3c: {  	vm0 =	veq.s32 v5, $0x1  }
0x3d: {  	v5 =	vmpcnt.ones.xlane vm0;
	_ =	sdelay $0x1  }
0x3e: {  	(v2sf) =	vpush v5, $0x0;
	_ =	sdelay $0x5  }
0x3f: {  	s6 =	simm.s32 $0x0;
	v6 =	vor.u32 s3, v1  }
0x40: {  	s9 =	simm.s32 $0x10;
	s7 =	simm.s32 $0x80;
	s5 =	smov.u32 s3;
	[tilespmem:s6+$0x5000] =	vst.msk vm0, v6  }
.LBB2_4:
0x41: {  	p0 =	sne.s32 s7, $0x7FC0;
	v5 =	vld [tilespmem:s9+$0x2000];
	_ =	sdelay $0x4  }
0x42: {  	vm0 =	veq.s32 v5, $0x1  }
0x43: {  	v5 =	vmpcnt.ones.xlane vm0  }
0x44: {  	s5 =	sadd.s32 $0x10, s5;
	s9 =	spop (v2sf)  }
0x45: {  	v6 =	vor.u32 s5, v1;
	(v2sf) =	vpush v5, $0x0;
	s6 =	sadd.s32 s6, s9  }
0x46: {  	[tilespmem:s6+$0x5000] =	vst.msk vm0, v6;
	_ =	sdelay $0x1  }
.Ltmp1:
0x47: {  	(pc) =	sbr.rel @p0 .LBB2_4-.Ltmp1, $2  }
0x48: {  	_ =	sdelay $0x2  }
0x49: {  	s9 =	sshra.s32 s7, $0x2;
	s7 =	sadd.s32 $0x40, s7  }
0x4a: {  	v5 =	vld [tilespmem:s9+$0x2000];
	_ =	sdelay $0x4  }
0x4b: {  	vm0 =	veq.s32 v5, $0x1  }
0x4c: {  	v5 =	vmpcnt.ones.xlane vm0;
	_ =	sdelay $0x1  }
0x4d: {  	(v2sf) =	vpush v5, $0x0;
	_ =	sdelay $0xd  }
0x4e: {  	s7 =	spop (v2sf)  }
0x4f: {  	s7 =	sadd.s32 s6, s7;
	s10 =	spop (v2sf)  }
0x50: {  	s9 =	sadd.s32 s7, s10  }
0x51: {  	s6 =	sadd.s32 $0xF, s9  }
0x52: {  	s10 =	sand.u32 $0xF, s6  }
0x53: {  	p1 =	slt.s32 s6, $0x1;
	p0 =	sne.s32 s10, $0x0;
	s10 =	sshra.s32 s6, $0x1F  }
0x54: {  	s10 =	sshrl.u32 s10, $0x1C;
	p0 =	por !p1, !p0  }
0x55: {  	s6 =	sadd.s32 s10, s6;
	p0 =	por !p0, !p0;
	s10 =	simm.s32 $0x1  }
0x56: {  	s6 =	sshra.s32 s6, $0x4;
	s10 =	simm.s32 @!p0 $0x0  }
0x57: {  	s6 =	ssub.s32 s6, s10  }
0x58: {  	p0 =	slt.s32 s6, $0x1  }
.Ltmp2:
0x59: {  	_ = 	snop;
	(pc) =	sbr.rel @p0 .LBB2_8-.Ltmp2, $4  }
0x5a: {  	_ = 	snop  }
0x5b: {  	s5 =	sadd.s32 $0x10, s5  }
0x5c: {  	v5 =	vor.u32 s5, v1  }
0x5d: {  	[tilespmem:s7+$0x5000] =	vst.msk vm0, v5;
	v5 =	vmov s9  }
0x5e: {  	s5 =	simm.s32 $0x5000;
	s7 =	simm.s32 $0x0  }
.LBB2_7:
0x5f: {  	v6 =	vld [tilespmem:s5+$0x0];
	_ =	sdelay $0x3  }
0x60: {  	v7 =	vor.u32 s7, v1  }
0x61: {  	vm0 =	vlt.s32 v7, v5;
	v7 =	vsub.s32 v6, v0  }
0x62: {  	v7 =	vnsel vm0, $0x0, v7;
	_ =	sdelay $0x4  }
0x63: {  	v7 =	vld.idx.msk [tilespmem:v7+s2+$0x0], $0xffff;
	_ =	sdelay $0x4  }
0x64: {  	v7 =	vadd.s32 v4, v7;
	_ =	sdelay $0x4  }
0x65: {  	v8 =	vld.idx.msk [tilespmem:v7+s26+$0x0], $0xffff;
	_ =	sdelay $0x1  }
0x66: {  	p0 =	sne.s32 s6, $0x1  }
.Ltmp3:
0x67: {  	_ = 	snop;
	(pc) =	sbr.rel @p0 .LBB2_7-.Ltmp3, $4  }
0x68: {  	v6 =	vnsel vm0, $0x10000, v6  }
0x69: {  	vm0 =	vlt.s32 v8, v6  }
0x6a: {  	v6 =	vsel vm0, v8, v6  }
0x6b: {  	s5 =	sadd.s32 $0x10, s5;
	s7 =	sadd.s32 $0x10, s7;
	s6 =	sadd.s32 $0xFFFFFFFF, s6;
	[tilespmem:v7+s26+$0x0] =	vst.idx.msk $0xffff, v6  }
.LBB2_8:
0x6c: {  	s6 =	simm.s32 $0x0  }
0x6d: {  	v6 =	vld [tilespmem:s6+$0x4000]  }
0x6e: {  	v7 =	vld [tilespmem:s6+$0x4100];
	_ =	sdelay $0x1  }
0x6f: {  	v8 =	vld [tilespmem:s6+$0x4200];
	_ =	sdelay $0x1  }
0x70: {  	v9 =	vld [tilespmem:s6+$0x4300]  }
0x71: {  	vm0 =	vlt.s32 v6, v7  }
0x72: {  	v6 =	vsel vm0, v6, v7;
	v7 =	vld [tilespmem:s6+$0x4400]  }
0x73: {  	vm0 =	vlt.s32 v6, v8  }
0x74: {  	v6 =	vsel vm0, v6, v8;
	v8 =	vld [tilespmem:s6+$0x4500]  }
0x75: {  	vm0 =	vlt.s32 v6, v9  }
0x76: {  	v6 =	vsel vm0, v6, v9;
	v9 =	vld [tilespmem:s6+$0x4600]  }
0x77: {  	vm0 =	vlt.s32 v6, v7  }
0x78: {  	v6 =	vsel vm0, v6, v7;
	v7 =	vld [tilespmem:s6+$0x4700]  }
0x79: {  	v10 =	vld [tilespmem:s6+$0x4900];
	vm0 =	vlt.s32 v6, v8  }
0x7a: {  	s5 =	simm.s32 $0x10;
	v6 =	vsel vm0, v6, v8;
	v8 =	vld [tilespmem:s6+$0x4800]  }
0x7b: {  	v11 =	vld [tilespmem:s5+$0x4000];
	vm0 =	vlt.s32 v6, v9  }
0x7c: {  	v12 =	vld [tilespmem:s5+$0x4100];
	v6 =	vsel vm0, v6, v9  }
0x7d: {  	v13 =	vld [tilespmem:s5+$0x4200];
	vm0 =	vlt.s32 v6, v7  }
0x7e: {  	v9 =	vld [tilespmem:s6+$0x4A00];
	v6 =	vsel vm0, v6, v7  }
0x7f: {  	v14 =	vld [tilespmem:s6+$0x4B00];
	vm0 =	vlt.s32 v6, v8  }
0x80: {  	v15 =	vld [tilespmem:s5+$0x4300];
	v6 =	vsel vm0, v6, v8  }
0x81: {  	v16 =	vld [tilespmem:s6+$0x4C00];
	vm0 =	vlt.s32 v11, v12;
	vm1 =	vlt.s32 v6, v10  }
0x82: {  	v7 =	vsel vm0, v11, v12;
	v11 =	vld [tilespmem:s5+$0x4400];
	v6 =	vsel vm1, v6, v10  }
0x83: {  	v17 =	vld [tilespmem:s6+$0x4D00];
	vm0 =	vlt.s32 v7, v13;
	vm1 =	vlt.s32 v6, v9  }
0x84: {  	v12 =	vld [tilespmem:s5+$0x4500];
	v8 =	vsel vm0, v7, v13;
	v6 =	vsel vm1, v6, v9  }
0x85: {  	v7 =	vld [tilespmem:s6+$0x4E00];
	vm0 =	vlt.s32 v8, v15;
	vm1 =	vlt.s32 v6, v14  }
0x86: {  	v9 =	vld [tilespmem:s5+$0x4600];
	v10 =	vsel vm0, v8, v15;
	v6 =	vsel vm1, v6, v14  }
0x87: {  	v8 =	vld [tilespmem:s6+$0x4F00];
	vm0 =	vlt.s32 v10, v11;
	vm1 =	vlt.s32 v6, v16  }
0x88: {  	v11 =	vsel vm0, v10, v11;
	v10 =	vld [tilespmem:s5+$0x4700];
	v14 =	vsel vm1, v6, v16  }
0x89: {  	vm0 =	vlt.s32 v11, v12;
	v6 =	vld [tilespmem:s5+$0x4900];
	vm1 =	vlt.s32 v14, v17  }
0x8a: {  	s7 =	simm.s32 $0x20;
	v13 =	vsel vm0, v11, v12;
	v12 =	vld [tilespmem:s5+$0x4800];
	v14 =	vsel vm1, v14, v17  }
0x8b: {  	s9 =	simm.s32 $0xC0;
	v11 =	vld [tilespmem:s7+$0x4000];
	vm0 =	vlt.s32 v13, v9;
	vm1 =	vlt.s32 v14, v7  }
.LBB2_9:
0x8c: {  	p0 =	sne.s32 s9, $0x3C0;
	v15 =	vld [tilespmem:s7+$0x4100];
	v9 =	vsel vm0, v13, v9;
	v7 =	vsel vm1, v14, v7  }
0x8d: {  	vm0 =	vlt.s32 v9, v10;
	v13 =	vld [tilespmem:s5+$0x4A00];
	vm1 =	vlt.s32 v7, v8  }
0x8e: {  	v14 =	vld [tilespmem:s7+$0x4200];
	v9 =	vsel vm0, v9, v10;
	v7 =	vsel vm1, v7, v8  }
0x8f: {  	vm0 =	vlt.s32 v9, v12;
	v8 =	vld [tilespmem:s5+$0x4B00];
	[tilespmem:s6+$0x7000] =	vst v7;
	s6 =	smov.u32 s5;
	s5 =	smov.u32 s7  }
0x90: {  	v10 =	vld [tilespmem:s5+$0x4300];
	v7 =	vsel vm0, v9, v12  }
0x91: {  	vm0 =	vlt.s32 v11, v15;
	vm1 =	vlt.s32 v7, v6;
	v12 =	vld [tilespmem:s6+$0x4C00]  }
0x92: {  	v9 =	vsel vm0, v11, v15;
	v11 =	vld [tilespmem:s5+$0x4400];
	v6 =	vsel vm1, v7, v6  }
0x93: {  	vm0 =	vlt.s32 v9, v14;
	vm1 =	vlt.s32 v6, v13;
	v15 =	vld [tilespmem:s6+$0x4D00]  }
0x94: {  	v9 =	vsel vm0, v9, v14;
	v14 =	vld [tilespmem:s5+$0x4500];
	v6 =	vsel vm1, v6, v13  }
0x95: {  	vm0 =	vlt.s32 v9, v10;
	vm1 =	vlt.s32 v6, v8;
	v7 =	vld [tilespmem:s6+$0x4E00]  }
0x96: {  	v10 =	vsel vm0, v9, v10;
	v9 =	vld [tilespmem:s5+$0x4600];
	v6 =	vsel vm1, v6, v8  }
.Ltmp4:
0x97: {  	vm0 =	vlt.s32 v10, v11;
	vm1 =	vlt.s32 v6, v12;
	v8 =	vld [tilespmem:s6+$0x4F00];
	(pc) =	sbr.rel @p0 .LBB2_9-.Ltmp4, $4  }
0x98: {  	v11 =	vsel vm0, v10, v11;
	v10 =	vld [tilespmem:s5+$0x4700];
	v16 =	vsel vm1, v6, v12  }
0x99: {  	vm0 =	vlt.s32 v11, v14;
	v6 =	vld [tilespmem:s5+$0x4900];
	vm1 =	vlt.s32 v16, v15  }
0x9a: {  	s7 =	sshra.s32 s9, $0x2;
	v13 =	vsel vm0, v11, v14;
	v12 =	vld [tilespmem:s5+$0x4800];
	v14 =	vsel vm1, v16, v15  }
0x9b: {  	s9 =	sadd.s32 $0x40, s9;
	v11 =	vld [tilespmem:s7+$0x4000];
	vm0 =	vlt.s32 v13, v9;
	vm1 =	vlt.s32 v14, v7  }
0x9c: {  	v15 =	vld [tilespmem:s7+$0x4100];
	v7 =	vsel vm1, v14, v7  }
0x9d: {  	v23 =	vld [tilespmem:s5+$0x4A00];
	vm1 =	vlt.s32 v7, v8  }
0x9e: {  	v16 =	vld [tilespmem:s7+$0x4200];
	v9 =	vsel vm0, v13, v9;
	v7 =	vsel vm1, v7, v8  }
0x9f: {  	v24 =	vld [tilespmem:s5+$0x4B00];
	vm0 =	vlt.s32 v9, v10;
	[tilespmem:s6+$0x7000] =	vst v7  }
0xa0: {  	v7 =	vsel vm0, v9, v10;
	v25 =	vld [tilespmem:s7+$0x4300]  }
0xa1: {  	vm0 =	vlt.s32 v7, v12;
	vm7 =	vlt.s32 v11, v15  }
0xa2: {  	v27 =	vld [tilespmem:s7+$0x4400];
	v7 =	vsel vm0, v7, v12;
	v26 =	vsel vm7, v11, v15  }
0xa3: {  	v28 =	vld [tilespmem:s5+$0x4C00];
	vm0 =	vlt.s32 v7, v6;
	vm1 =	vlt.s32 v26, v16  }
0xa4: {  	v29 =	vld [tilespmem:s7+$0x4500];
	v6 =	vsel vm0, v7, v6;
	v7 =	vsel vm1, v26, v16  }
0xa5: {  	v30 =	vld [tilespmem:s5+$0x4D00];
	vm0 =	vlt.s32 v6, v23;
	vm1 =	vlt.s32 v7, v25  }
0xa6: {  	v31 =	vld [tilespmem:s7+$0x4600];
	v6 =	vsel vm0, v6, v23;
	v7 =	vsel vm1, v7, v25  }
0xa7: {  	v32 =	vld [tilespmem:s5+$0x4E00];
	vm0 =	vlt.s32 v6, v24;
	vm1 =	vlt.s32 v7, v27  }
0xa8: {  	v33 =	vld [tilespmem:s7+$0x4700];
	v6 =	vsel vm0, v6, v24;
	v7 =	vsel vm1, v7, v27  }
0xa9: {  	v34 =	vld [tilespmem:s5+$0x4F00];
	vm0 =	vlt.s32 v6, v28;
	vm1 =	vlt.s32 v7, v29  }
0xaa: {  	v35 =	vld [tilespmem:s7+$0x4800];
	v6 =	vsel vm0, v6, v28;
	v7 =	vsel vm1, v7, v29  }
0xab: {  	vm0 =	vlt.s32 v6, v30;
	vm1 =	vlt.s32 v7, v31  }
0xac: {  	v36 =	vld [tilespmem:s7+$0x4900];
	v6 =	vsel vm0, v6, v30;
	v7 =	vsel vm1, v7, v31  }
0xad: {  	vm0 =	vlt.s32 v6, v32;
	vm1 =	vlt.s32 v7, v33  }
0xae: {  	v37 =	vld [tilespmem:s7+$0x4A00];
	v6 =	vsel vm0, v6, v32;
	v7 =	vsel vm1, v7, v33  }
0xaf: {  	vm0 =	vlt.s32 v6, v34;
	vm1 =	vlt.s32 v7, v35  }
0xb0: {  	v38 =	vld [tilespmem:s7+$0x4B00];
	v6 =	vsel vm0, v6, v34;
	v7 =	vsel vm1, v7, v35  }
0xb1: {  	[tilespmem:s5+$0x7000] =	vst v6;
	vm8 =	vlt.s32 v7, v36  }
0xb2: {  	v6 =	vld [tilespmem:s7+$0x4C00];
	v7 =	vsel vm8, v7, v36  }
0xb3: {  	vm0 =	vlt.s32 v7, v37  }
0xb4: {  	v39 =	vld [tilespmem:s7+$0x4D00];
	v7 =	vsel vm0, v7, v37  }
0xb5: {  	vm0 =	vlt.s32 v7, v38  }
0xb6: {  	v40 =	vld [tilespmem:s7+$0x4E00];
	v7 =	vsel vm0, v7, v38  }
0xb7: {  	vm0 =	vlt.s32 v7, v6  }
0xb8: {  	v41 =	vld [tilespmem:s7+$0x4F00];
	v6 =	vsel vm0, v7, v6  }
0xb9: {  	vm0 =	vlt.s32 v6, v39  }
0xba: {  	v6 =	vsel vm0, v6, v39  }
0xbb: {  	vm0 =	vlt.s32 v6, v40  }
0xbc: {  	v6 =	vsel vm0, v6, v40  }
0xbd: {  	vm0 =	vlt.s32 v6, v41  }
0xbe: {  	v6 =	vsel vm0, v6, v41  }
0xbf: {  	[tilespmem:s7+$0x7000] =	vst v6  }
0xc0: {  	s6 =	rddreg [dreg:$0x6];
	s7 =	simm.s32 $0x7100;
	[tilespmem:$0x7100] =	vst v5  }
0xc1: {  	[hbm4b:s6+s2] =	stream.linear.scatter [tilespmem:s7], [sflag:$0x4], $0x10, $0x38;
	[tilespmem:$0xBC70] =	vst v63  }
0xc2: {  	_ =	swait.ge [sflag:s23], $0x10  }
0xc3: {  	[sflag:s23] =	ssyncset.done $0x0  }
0xc4: {  	s10 =	simm.s32 $0x7000;
	s9 =	rddreg [dreg:$0x7];
	[sflag:s23] =	ssyncadd.s32 $0xFFFFFFF0  }
0xc5: {  	[spmem:s9] =	stream.linear.scatter [tilespmem:s10], [sflag:$0x4], $0x100, $0x38;
	[tilespmem:$0xBC70] =	vst v63  }
0xc6: {  	_ =	swait.ge [sflag:s23], $0x100  }
0xc7: {  	[sflag:s23] =	ssyncset.done $0x0  }
0xc8: {  	[sflag:s23] =	ssyncadd.s32 $0xFFFFFF00  }
0xc9: {  	[bflag:$0x0] =	sbarrier.arrive $0xFFFF  }
0xca: {  	s7 =	simm.s32 $0x7110;
	_ =	strace $0x80000048  }
0xcb: {  	[tilespmem:s7], [sflag:$0x4] =	stream.linear.gather [spmem:s8], $0x20, $0x200038;
	[tilespmem:$0xBC70] =	vst v63  }
0xcc: {  	_ =	swait.ge [sflag:s23], $0x20  }
0xcd: {  	[sflag:s23] =	ssyncset.done $0x0  }
0xce: {  	s10 =	simm.s32 $0x7130;
	s9 =	rddreg [dreg:$0x8];
	[sflag:s23] =	ssyncadd.s32 $0xFFFFFFE0  }
0xcf: {  	[tilespmem:s10], [sflag:$0x4] =	stream.linear.gather [spmem:s9], $0x20, $0x200038;
	[tilespmem:$0xBC70] =	vst v63  }
0xd0: {  	_ =	swait.ge [sflag:s23], $0x20  }
0xd1: {  	[sflag:s23] =	ssyncset.done $0x0  }
0xd2: {  	s9 =	simm.s32 $0x7150;
	s7 =	rddreg [dreg:$0x9];
	[sflag:s23] =	ssyncadd.s32 $0xFFFFFFE0  }
0xd3: {  	[tilespmem:s9], [sflag:$0x4] =	stream.linear.gather [spmem:s7], $0x20, $0x200038;
	[tilespmem:$0xBC70] =	vst v63  }
0xd4: {  	_ =	swait.ge [sflag:s23], $0x20  }
0xd5: {  	[sflag:s23] =	ssyncset.done $0x0  }
0xd6: {  	s10 =	simm.s32 $0x7170;
	[sflag:s23] =	ssyncadd.s32 $0xFFFFFFE0  }
0xd7: {  	[tilespmem:s10], [sflag:$0x4] =	stream.linear.gather [spmem:s11], $0x20, $0x200038;
	[tilespmem:$0xBC70] =	vst v63  }
0xd8: {  	_ =	swait.ge [sflag:s23], $0x20  }
0xd9: {  	[sflag:s23] =	ssyncset.done $0x0  }
0xda: {  	s6 =	simm.s32 $0x7190;
	[sflag:s23] =	ssyncadd.s32 $0xFFFFFFE0  }
0xdb: {  	[tilespmem:s6], [sflag:$0x4] =	stream.linear.gather [spmem:s12], $0x20, $0x200038;
	[tilespmem:$0xBC70] =	vst v63  }
0xdc: {  	_ =	swait.ge [sflag:s23], $0x20  }
0xdd: {  	[sflag:s23] =	ssyncset.done $0x0  }
0xde: {  	s7 =	simm.s32 $0x71B0;
	[sflag:s23] =	ssyncadd.s32 $0xFFFFFFE0  }
0xdf: {  	[tilespmem:s7], [sflag:$0x4] =	stream.linear.gather [spmem:s13], $0x20, $0x200038;
	[tilespmem:$0xBC70] =	vst v63  }
0xe0: {  	_ =	swait.ge [sflag:s23], $0x20  }
0xe1: {  	[sflag:s23] =	ssyncset.done $0x0  }
0xe2: {  	s9 =	simm.s32 $0x71D0;
	[sflag:s23] =	ssyncadd.s32 $0xFFFFFFE0  }
0xe3: {  	[tilespmem:s9], [sflag:$0x4] =	stream.linear.gather [spmem:s14], $0x20, $0x200038;
	[tilespmem:$0xBC70] =	vst v63  }
0xe4: {  	_ =	swait.ge [sflag:s23], $0x20  }
0xe5: {  	[sflag:s23] =	ssyncset.done $0x0  }
0xe6: {  	s10 =	simm.s32 $0x71F0;
	[sflag:s23] =	ssyncadd.s32 $0xFFFFFFE0  }
0xe7: {  	[tilespmem:s10], [sflag:$0x4] =	stream.linear.gather [spmem:s15], $0x20, $0x200038;
	[tilespmem:$0xBC70] =	vst v63  }
0xe8: {  	_ =	swait.ge [sflag:s23], $0x20  }
0xe9: {  	[sflag:s23] =	ssyncset.done $0x0  }
0xea: {  	[sflag:s23] =	ssyncadd.s32 $0xFFFFFFE0  }
0xeb: {  	v5 =	vld [tilespmem:$0x7110]  }
0xec: {  	v6 =	vld [tilespmem:$0x7130]  }
0xed: {  	v7 =	vld [tilespmem:$0x7150]  }
0xee: {  	v42 =	vld [tilespmem:$0x7120]  }
0xef: {  	v43 =	vld [tilespmem:$0x7140]  }
0xf0: {  	v44 =	vld [tilespmem:$0x7170]  }
0xf1: {  	v45 =	vld [tilespmem:$0x7160]  }
0xf2: {  	v46 =	vld [tilespmem:$0x7190];
	vm9 =	vlt.s32 v5, v6  }
0xf3: {  	v5 =	vsel vm9, v5, v6;
	v6 =	vld [tilespmem:$0x7180]  }
0xf4: {  	v47 =	vld [tilespmem:$0x71B0];
	vm10 =	vlt.s32 v42, v43;
	vm0 =	vlt.s32 v5, v7  }
0xf5: {  	v48 =	vld [tilespmem:$0x71A0];
	v5 =	vsel vm0, v5, v7;
	v7 =	vsel vm10, v42, v43  }
0xf6: {  	v49 =	vld [tilespmem:$0x71D0];
	vm0 =	vlt.s32 v5, v44;
	vm1 =	vlt.s32 v7, v45  }
0xf7: {  	v50 =	vld [tilespmem:$0x71C0];
	v5 =	vsel vm0, v5, v44;
	v7 =	vsel vm1, v7, v45  }
0xf8: {  	v51 =	vld [tilespmem:$0x71F0];
	vm0 =	vlt.s32 v5, v46;
	vm1 =	vlt.s32 v7, v6  }
0xf9: {  	v5 =	vsel vm0, v5, v46;
	v6 =	vsel vm1, v7, v6;
	v7 =	vld [tilespmem:$0x71E0]  }
0xfa: {  	vm0 =	vlt.s32 v5, v47;
	vm1 =	vlt.s32 v6, v48  }
0xfb: {  	v52 =	vld [tilespmem:$0x7200];
	v5 =	vsel vm0, v5, v47;
	v6 =	vsel vm1, v6, v48  }
0xfc: {  	vm0 =	vlt.s32 v5, v49;
	vm1 =	vlt.s32 v6, v50  }
0xfd: {  	v5 =	vsel vm0, v5, v49;
	v6 =	vsel vm1, v6, v50  }
0xfe: {  	vm0 =	vlt.s32 v5, v51;
	vm1 =	vlt.s32 v6, v7  }
0xff: {  	v5 =	vsel vm0, v5, v51;
	v6 =	vsel vm1, v6, v7  }
0x100: {  	vm0 =	vlt.s32 v5, $0xFFFF;
	vm1 =	vlt.s32 v6, v52  }
0x101: {  	[tilespmem:$0x7210] =	vst v5;
	v5 =	vnsel vm0, $0xFFFF, v5;
	v6 =	vsel vm1, v6, v52  }
0x102: {  	[tilespmem:$0x7230] =	vst v5;
	vm11 =	vlt.s32 v6, $0xFFFF  }
0x103: {  	[tilespmem:$0x7220] =	vst v6;
	v5 =	vnsel vm11, $0xFFFF, v6  }
0x104: {  	s6 =	simm.s32 $0x7210;
	[tilespmem:$0x7240] =	vst v5  }
0x105: {  	[hbm4b:s16+s2] =	stream.linear.scatter [tilespmem:s6], [sflag:$0x4], $0x20, $0x200038;
	[tilespmem:$0xBC70] =	vst v63  }
0x106: {  	_ =	swait.ge [sflag:s23], $0x20  }
0x107: {  	[sflag:s23] =	ssyncset.done $0x0  }
0x108: {  	[sflag:s23] =	ssyncadd.s32 $0xFFFFFFE0  }
0x109: {  	_ =	strace $0x90000048  }
0x10a: {  	_ =	strace $0x80000049  }
0x10b: {  	v5 =	vld [tilespmem:$0x5000]  }
0x10c: {  	v6 =	vld [tilespmem:$0x5010]  }
0x10d: {  	v7 =	vld [tilespmem:$0x5020]  }
0x10e: {  	v53 =	vld [tilespmem:$0x5030]  }
0x10f: {  	v54 =	vld [tilespmem:$0x5040]  }
0x110: {  	v55 =	vld [tilespmem:$0x5050];
	vm12 =	vgt.s32 v5, $0x0  }
0x111: {  	v56 =	vld [tilespmem:$0x5060];
	vm13 =	vgt.s32 v6, $0x0;
	v5 =	vnsel vm12, $0x0, v5  }
0x112: {  	v57 =	vld [tilespmem:$0x5070];
	vm14 =	vgt.s32 v7, $0x0;
	v6 =	vnsel vm13, $0x0, v6;
	v5 =	vmin.u32 v5, $0xFFFF  }
0x113: {  	vm15 =	vgt.s32 v53, $0x0;
	[tilespmem:$0x7A70] =	vst v5;
	v5 =	vmin.u32 v6, $0xFFFF;
	v6 =	vnsel vm14, $0x0, v7;
	v7 =	vld [tilespmem:$0x5080]  }
0x114: {  	v58 =	vld [tilespmem:$0x5090];
	vm4 =	vgt.s32 v54, $0x0;
	[tilespmem:$0x7A80] =	vst v5;
	v5 =	vmin.u32 v6, $0xFFFF;
	v6 =	vnsel vm15, $0x0, v53  }
0x115: {  	v59 =	vld [tilespmem:$0x50A0];
	vm5 =	vgt.s32 v55, $0x0;
	[tilespmem:$0x7A90] =	vst v5;
	v5 =	vmin.u32 v6, $0xFFFF;
	v6 =	vnsel vm4, $0x0, v54  }
0x116: {  	v60 =	vld [tilespmem:$0x50B0];
	vm6 =	vgt.s32 v56, $0x0;
	[tilespmem:$0x7AA0] =	vst v5;
	v5 =	vmin.u32 v6, $0xFFFF;
	v6 =	vnsel vm5, $0x0, v55  }
0x117: {  	v61 =	vld [tilespmem:$0x50C0];
	vm7 =	vgt.s32 v57, $0x0;
	[tilespmem:$0x7AB0] =	vst v5;
	v5 =	vmin.u32 v6, $0xFFFF;
	v6 =	vnsel vm6, $0x0, v56  }
0x118: {  	v62 =	vld [tilespmem:$0x50D0];
	[tilespmem:$0x7AC0] =	vst v5;
	v5 =	vmin.u32 v6, $0xFFFF;
	v6 =	vnsel vm7, $0x0, v57;
	vm8 =	vgt.s32 v7, $0x0  }
0x119: {  	vm9 =	vgt.s32 v58, $0x0;
	[tilespmem:$0x7AD0] =	vst v5;
	v5 =	vmin.u32 v6, $0xFFFF;
	v6 =	vnsel vm8, $0x0, v7;
	v7 =	vld [tilespmem:$0x50E0]  }
0x11a: {  	v63 =	vld [tilespmem:$0x50F0];
	vm10 =	vgt.s32 v59, $0x0;
	[tilespmem:$0x7AE0] =	vst v5;
	v5 =	vmin.u32 v6, $0xFFFF;
	v6 =	vnsel vm9, $0x0, v58  }
0x11b: {  	vm11 =	vgt.s32 v60, $0x0;
	[tilespmem:$0x7AF0] =	vst v5;
	v5 =	vmin.u32 v6, $0xFFFF;
	v6 =	vnsel vm10, $0x0, v59  }
0x11c: {  	vm12 =	vgt.s32 v61, $0x0;
	[tilespmem:$0x7B00] =	vst v5;
	v5 =	vmin.u32 v6, $0xFFFF;
	v6 =	vnsel vm11, $0x0, v60  }
0x11d: {  	vm13 =	vgt.s32 v62, $0x0;
	[tilespmem:$0x7B10] =	vst v5;
	v5 =	vmin.u32 v6, $0xFFFF;
	v6 =	vnsel vm12, $0x0, v61  }
0x11e: {  	[tilespmem:$0x7B20] =	vst v5;
	v5 =	vmin.u32 v6, $0xFFFF;
	v6 =	vnsel vm13, $0x0, v62;
	vm14 =	vgt.s32 v7, $0x0  }
0x11f: {  	vm15 =	vgt.s32 v63, $0x0;
	[tilespmem:$0x7B30] =	vst v5;
	v5 =	vmin.u32 v6, $0xFFFF;
	v6 =	vnsel vm14, $0x0, v7  }
0x120: {  	[tilespmem:$0x7B40] =	vst v5;
	v5 =	vmin.u32 v6, $0xFFFF;
	v6 =	vnsel vm15, $0x0, v63  }
0x121: {  	[tilespmem:$0x7B50] =	vst v5;
	v5 =	vmin.u32 v6, $0xFFFF  }
0x122: {  	[tilespmem:$0x7B60] =	vst v5  }
0x123: {  	_ =	strace $0x90000049  }
0x124: {  	_ =	strace $0x8000004A  }
0x125: {  	[tilespmem:s24], [sflag:$0x1] =	stream.indirect.gather [hbm4b:s17+s1], $0x40, s0, s1, $0x2000b8;
	[tilespmem:$0xBC70] =	vst v63  }
0x126: {  	_ = 	snop  }
0x127: {  	[tilespmem:s28], [sflag:$0x2] =	stream.indirect.gather [hbm4b:s19+s1], $0x1, s0, s1, $0x2000b8;
	[tilespmem:$0xBC70] =	vst v63  }
0x128: {  	s7 =	simm.s32 $0x7A70  }
0x129: {  	[tilespmem:s30], [sflag:$0x3] =	stream.indirect.gather [hbm4b:s17+s1], $0x40, s7, s1, $0x2000b8;
	[tilespmem:$0xBC70] =	vst v63  }
0x12a: {  	s9 =	simm.s32 $0x7A90;
	s10 =	simm.s32 $0x8370  }
0x12b: {  	[tilespmem:s10], [sflag:$0x3] =	stream.indirect.gather [hbm4b:s17+s1], $0x40, s9, s1, $0x2000b8;
	[tilespmem:$0xBC70] =	vst v63  }
0x12c: {  	s6 =	simm.s32 $0x7AB0;
	s7 =	simm.s32 $0x8B70  }
0x12d: {  	[tilespmem:s7], [sflag:$0x3] =	stream.indirect.gather [hbm4b:s17+s1], $0x40, s6, s1, $0x2000b8;
	[tilespmem:$0xBC70] =	vst v63  }
0x12e: {  	s9 =	simm.s32 $0x7AD0;
	s10 =	simm.s32 $0x9370  }
0x12f: {  	[tilespmem:s10], [sflag:$0x3] =	stream.indirect.gather [hbm4b:s17+s1], $0x40, s9, s1, $0x2000b8;
	[tilespmem:$0xBC70] =	vst v63  }
0x130: {  	s6 =	simm.s32 $0x7AF0;
	s7 =	simm.s32 $0x9B70  }
0x131: {  	[tilespmem:s7], [sflag:$0x3] =	stream.indirect.gather [hbm4b:s17+s1], $0x40, s6, s1, $0x2000b8;
	[tilespmem:$0xBC70] =	vst v63  }
0x132: {  	s9 =	simm.s32 $0x7B10;
	s10 =	simm.s32 $0xA370  }
0x133: {  	[tilespmem:s10], [sflag:$0x3] =	stream.indirect.gather [hbm4b:s17+s1], $0x40, s9, s1, $0x2000b8;
	[tilespmem:$0xBC70] =	vst v63  }
0x134: {  	s6 =	simm.s32 $0x7B30;
	s7 =	simm.s32 $0xAB70  }
0x135: {  	[tilespmem:s7], [sflag:$0x3] =	stream.indirect.gather [hbm4b:s17+s1], $0x40, s6, s1, $0x2000b8;
	[tilespmem:$0xBC70] =	vst v63  }
0x136: {  	s9 =	simm.s32 $0x7B50;
	s10 =	simm.s32 $0xB370  }
0x137: {  	[tilespmem:s10], [sflag:$0x3] =	stream.indirect.gather [hbm4b:s17+s1], $0x40, s9, s1, $0x2000b8;
	[tilespmem:$0xBC70] =	vst v63  }
0x138: {  	_ =	swait.ge [sflag:s25], $0x800  }
0x139: {  	[sflag:s25] =	ssyncset.done $0x0  }
0x13a: {  	[sflag:s25] =	ssyncadd.s32 $0xFFFFF800  }
0x13b: {  	_ =	swait.ge [sflag:s31], $0x20  }
0x13c: {  	[sflag:s31] =	ssyncset.done $0x0  }
0x13d: {  	[sflag:s31] =	ssyncadd.s32 $0xFFFFFFE0  }
0x13e: {  	_ =	swait.ge [sflag:s29], $0x800  }
0x13f: {  	[sflag:s29] =	ssyncset.done $0x0  }
0x140: {  	[sflag:s29] =	ssyncadd.s32 $0xFFFFF800  }
0x141: {  	_ =	swait.ge [sflag:s29], $0x800  }
0x142: {  	[sflag:s29] =	ssyncset.done $0x0  }
0x143: {  	[sflag:s29] =	ssyncadd.s32 $0xFFFFF800  }
0x144: {  	_ =	swait.ge [sflag:s29], $0x800  }
0x145: {  	[sflag:s29] =	ssyncset.done $0x0  }
0x146: {  	[sflag:s29] =	ssyncadd.s32 $0xFFFFF800  }
0x147: {  	_ =	swait.ge [sflag:s29], $0x800  }
0x148: {  	[sflag:s29] =	ssyncset.done $0x0  }
0x149: {  	[sflag:s29] =	ssyncadd.s32 $0xFFFFF800  }
0x14a: {  	_ =	swait.ge [sflag:s29], $0x800  }
0x14b: {  	[sflag:s29] =	ssyncset.done $0x0  }
0x14c: {  	[sflag:s29] =	ssyncadd.s32 $0xFFFFF800  }
0x14d: {  	_ =	swait.ge [sflag:s29], $0x800  }
0x14e: {  	[sflag:s29] =	ssyncset.done $0x0  }
0x14f: {  	[sflag:s29] =	ssyncadd.s32 $0xFFFFF800  }
0x150: {  	_ =	swait.ge [sflag:s29], $0x800  }
0x151: {  	[sflag:s29] =	ssyncset.done $0x0  }
0x152: {  	[sflag:s29] =	ssyncadd.s32 $0xFFFFF800  }
0x153: {  	_ =	swait.ge [sflag:s29], $0x800  }
0x154: {  	[sflag:s29] =	ssyncset.done $0x0  }
0x155: {  	[sflag:s29] =	ssyncadd.s32 $0xFFFFF800  }
0x156: {  	_ =	strace $0x9000004A  }
0x157: {  	_ =	strace $0x8000004B  }
0x158: {  	[hbm4b:s18+s2] =	stream.linear.scatter [tilespmem:s24], [sflag:$0x4], $0x800, $0x200038;
	[tilespmem:$0xBC70] =	vst v63  }
0x159: {  	_ =	swait.ge [sflag:s23], $0x800  }
0x15a: {  	[sflag:s23] =	ssyncset.done $0x0  }
0x15b: {  	[sflag:s23] =	ssyncadd.s32 $0xFFFFF800  }
0x15c: {  	[hbm4b:s20+s2] =	stream.linear.scatter [tilespmem:s28], [sflag:$0x4], $0x20, $0x200038;
	[tilespmem:$0xBC70] =	vst v63  }
0x15d: {  	_ =	swait.ge [sflag:s23], $0x20  }
0x15e: {  	s4 =	sadd.s32 $0x1, s4;
	[sflag:s23] =	ssyncset.done $0x0  }
0x15f: {  	p0 =	sne.s32 s4, s22;
	[sflag:s23] =	ssyncadd.s32 $0xFFFFFFE0  }
0x160: {  	[hbm4b:s21+s2] =	stream.linear.scatter [tilespmem:s30], [sflag:$0x4], $0x4000, $0x200038;
	[tilespmem:$0xBC70] =	vst v63  }
.Ltmp5:
0x161: {  	_ = 	snop;
	(pc) =	sbr.rel @p0 .LBB2_1-.Ltmp5, $4  }
0x162: {  	_ =	swait.ge [sflag:s23], $0x4000  }
0x163: {  	[sflag:s23] =	ssyncset.done $0x0  }
0x164: {  	[sflag:s23] =	ssyncadd.s32 $0xFFFFC000  }
0x165: {  	_ =	strace $0x9000004B  }
0x166: {  	_ =	sfence.sel $0x180000  }
0x167: {  	[bflag:$0x0] =	sbarrier.arrive $0xFFFF  }
0x168: {  	_ =	strace $0x90000047  }
0x169: {  	s0 =	stileid.u32;
	[bflag:$0x2] =	sbarrier.arrive $0xFFFF  }
0x16a: {  	p0 =	sne.s32 s0, $0x0;
	s0 =	rddreg [dreg:$0x3]  }
0x16b: {  	s0 =	sadd.s32 @!p0 $0x100000, s0  }
0x16c: {  	[sflag:s0] =	ssyncadd.tile.s32 @!p0 $0x1;
	_ =	shalt  }
.Lfunc_end2:
_tile_overlayer_lowered:
.L_overlay_start_2:
0x16d: {  	(tag) =	ssettag $0x2  }
0x16e: {  	s0 =	rddreg [dreg:$0x0];
	s2 =	stileid.u32  }
0x16f: {  	s1 =	rddreg [dreg:$0x1];
	p0 =	sne.s32 s2, $0x0  }
0x170: {  	s3 =	rddreg [dreg:$0x2];
	[bflag:$0x3] =	sbarrier.arrive $0xFFFF;
	s2 =	simm.s32 @!p0 $0x1C04  }
0x171: {  	[timem:s3], [sflag:s2] =	dma.local @!p0 [hbm:s0], s1  }
0x172: {  	s0 =	simm.s32 @!p0 $0x4  }
0x173: {  	_ =	swait.ge @!p0 [sflag:s0], s1  }
0x174: {  	s1 =	ssub.s32 @!p0 $0x0, s1;
	[sflag:s0] =	ssyncset.done @!p0 $0x0  }
0x175: {  	[sflag:s0] =	ssyncadd.s32 @!p0 s1  }
0x176: {  	[bflag:$0x3] =	sbarrier.arrive $0xFFFF  }
0x177: {  	_ =	shalt  }

</sc_bundles>
